<compile_context>
chip_gen: v7x
topology: tpu7x:2x2x1
jax: 0.10.2.dev20260603
libtpu: 0.0.44.dev20260713+nightly
codegen_flags: <defaults>
</compile_context>

<pallas_src>
import functools

import jax
import jax.numpy as jnp
from jax import lax
from jax.experimental import pallas as pl
from jax.experimental.pallas import tpu as pltpu
from jax.experimental.pallas import tpu_sc as plsc

D = 256
NT = 32
L = 16
GC = 48
SEC_ROWS = 16


def _make_sc_agg(n_sec, own, cap, out_rows):
    mesh = plsc.VectorSubcoreMesh(core_axis_name="c", subcore_axis_name="s")

    @functools.partial(
        pl.kernel,
        out_type=jax.ShapeDtypeStruct((out_rows, D), jnp.float32),
        mesh=mesh,
        scratch_types=[
            pltpu.VMEM((SEC_ROWS, 128), jnp.int32),
            pltpu.VMEM((SEC_ROWS, 128), jnp.int32),
            pltpu.VMEM((cap + GC,), jnp.int32),
            pltpu.VMEM((cap + GC,), jnp.int32),
            pltpu.VMEM((GC, D), jnp.float32),
            pltpu.VMEM((GC, D), jnp.float32),
            pltpu.VMEM((own + 8, D), jnp.float32),
            pltpu.SemaphoreType.DMA,
            pltpu.SemaphoreType.DMA,
        ],
        compiler_params=pltpu.CompilerParams(needs_layout_passes=False),
    )
    def k(table, src2d, dst2d, out, sec_src, sec_dst, comp_src, comp_dst,
          buf_a, buf_b, acc, sem_a, sem_b):
        c = lax.axis_index("c")
        s = lax.axis_index("s")
        wid = c * 16 + s
        lo = wid * own
        iota = lax.iota(jnp.int32, L)
        zf = jnp.zeros((L,), jnp.float32)
        zi = jnp.zeros((L,), jnp.int32)
        trash = zi + own

        def zero_acc(i, carry):
            for t in range(D // L):
                acc[i, pl.ds(t * L, L)] = zf
            return carry

        lax.fori_loop(0, own + 1, zero_acc, None)

        def init_comp(j, carry):
            comp_src[pl.ds(j * L, L)] = zi
            comp_dst[pl.ds(j * L, L)] = trash
            return carry

        lax.fori_loop(0, (cap + GC) // L, init_comp, None)

        def section(sec, cnt0):
            pltpu.sync_copy(src2d.at[pl.ds(sec * SEC_ROWS, SEC_ROWS)], sec_src)
            pltpu.sync_copy(dst2d.at[pl.ds(sec * SEC_ROWS, SEC_ROWS)], sec_dst)

            def row(j, cv):
                for t in range(128 // L):
                    col = t * L
                    d = sec_dst[j, pl.ds(col, L)]
                    sv = sec_src[j, pl.ds(col, L)]
                    dl = d - lo
                    m = plsc.bitcast(dl, jnp.uint32) < jnp.uint32(own)
                    pos = plsc.cumsum(jnp.where(m, 1, 0).astype(jnp.int32))
                    slot = jnp.minimum(cv + pos, cap - 1)
                    plsc.store_scatter(comp_src, [slot], sv, mask=m)
                    plsc.store_scatter(comp_dst, [slot], dl, mask=m)
                    cv = cv + plsc.all_reduce_population_count(m)
                return cv

            return lax.fori_loop(0, SEC_ROWS, row, cnt0)

        lax.fori_loop(0, n_sec, section, jnp.full((L,), -1, jnp.int32))

        one = jnp.full((L,), 1, jnp.int32)
        cols = tuple(iota + t * L for t in range(D // L))
        n_chunks = cap // GC

        def gather(kc, buf, sem):
            pltpu.async_copy(
                table.at[comp_src.at[pl.ds(kc * GC, GC)]], buf, sem)

        def gather_wait(kc, buf, sem):
            pltpu.make_async_copy(
                table.at[comp_src.at[pl.ds(kc * GC, GC)]], buf, sem).wait()

        def add_rows(buf, kc):
            def row2(r2, carry2):
                dl = plsc.load_gather(comp_dst, [one * (kc * GC + r2)])
                for t in range(D // L):
                    v = buf[r2, pl.ds(t * L, L)]
                    plsc.addupdate_scatter(acc, [dl, cols[t]], v)
                return carry2

            lax.fori_loop(0, GC, row2, None)

        gather(0, buf_a, sem_a)

        def pair(k2, carry):
            b = k2 * 2
            gather_wait(b, buf_a, sem_a)
            gather(b + 1, buf_b, sem_b)
            add_rows(buf_a, b)
            gather_wait(b + 1, buf_b, sem_b)
            gather(b + 2, buf_a, sem_a)
            add_rows(buf_b, b + 1)
            return carry

        lax.fori_loop(0, n_chunks // 2, pair, None)
        gather_wait(n_chunks, buf_a, sem_a)

        pltpu.sync_copy(acc.at[pl.ds(0, own)], out.at[pl.ds(lo, own)])

    return k


def _mlp(xt, agg, W1, b1, W2, b2, m_pad, blk):
    def body(xt_ref, agg_ref, w1_ref, b1_ref, w2_ref, b2_ref, o_ref):
        h = xt_ref[...] + agg_ref[...]
        h = jnp.dot(h, w1_ref[...], preferred_element_type=jnp.float32)
        h = jnp.maximum(h + b1_ref[...], 0.0)
        h = jnp.dot(h, w2_ref[...], preferred_element_type=jnp.float32)
        o_ref[...] = jnp.maximum(h + b2_ref[...], 0.0)

    return pl.pallas_call(
        body,
        grid=(m_pad // blk,),
        in_specs=[
            pl.BlockSpec((blk, D), lambda i: (i, 0)),
            pl.BlockSpec((blk, D), lambda i: (i, 0)),
            pl.BlockSpec((D, D), lambda i: (0, 0)),
            pl.BlockSpec((1, D), lambda i: (0, 0)),
            pl.BlockSpec((D, D), lambda i: (0, 0)),
            pl.BlockSpec((1, D), lambda i: (0, 0)),
        ],
        out_specs=pl.BlockSpec((blk, D), lambda i: (i, 0)),
        out_shape=jax.ShapeDtypeStruct((m_pad, D), jnp.float32),
    )(xt, agg, W1, b1.reshape(1, D), W2, b2.reshape(1, D))


_TRASH = 2 ** 30


def _pad_edges(edge_index, e_real, e_pad):
    src = edge_index[0].astype(jnp.int32)
    dst = edge_index[1].astype(jnp.int32)
    src = jnp.pad(src, (0, e_pad - e_real))
    dst = jnp.pad(dst, (0, e_pad - e_real), constant_values=_TRASH)
    return src.reshape(-1, 128), dst.reshape(-1, 128)


def kernel(x, edge_index1, edge_index2,
           W1a, b1a, W2a, b2a, W1b, b1b, W2b, b2b):
    src1, dst1 = _pad_edges(edge_index1, 160000, 163840)
    sc1 = _make_sc_agg(n_sec=80, own=320, cap=5664, out_rows=10240)
    agg1 = sc1(x, src1, dst1)
    h1 = _mlp(x[:10240], agg1, W1a, b1a, W2a, b2a, 10240, 512)

    src2, dst2 = _pad_edges(edge_index2, 32000, 32768)
    sc2 = _make_sc_agg(n_sec=16, own=64, cap=1536, out_rows=2048)
    agg2 = sc2(h1, src2, dst2)
    h2 = _mlp(h1[:2048], agg2, W1b, b1b, W2b, b2b, 2048, 512)
    return h2[:2000]

# --- scband reference (transcript-rebuilt; emitter-appended) ---
"""Pipeline reference for scband-encoder-26396869001790 (READ-ONLY COPY).

The authoritative reference and input builder live on the scoring server;
editing this copy changes nothing except your own understanding.
"""

import jax, jax.numpy as jnp
import numpy as np

N0, N1, N2 = 50000, 10000, 2000
D_IN, D_H = 256, 256
E1, E2 = 160000, 32000

def setup_inputs(seed: int = 0) -> dict:
    key = jax.random.key(seed)
    ks = jax.random.split(key, 12)
    x = jax.random.normal(ks[0], (N0, D_IN), dtype=jnp.float32)
    # edge_index rows: [src < N_src, dst < N_tgt]; fill_max=N_tgt keeps both in range
    edge_index1 = jax.random.randint(ks[1], (2, E1), 0, N1)
    edge_index2 = jax.random.randint(ks[2], (2, E2), 0, N2)
    # GINConv MLP params: Linear(in, hidden) -> ReLU -> Linear(hidden, hidden)
    W1a = 0.05 * jax.random.normal(ks[3], (D_IN, D_H), dtype=jnp.float32)
    b1a = jnp.zeros((D_H,), dtype=jnp.float32)
    W2a = 0.05 * jax.random.normal(ks[4], (D_H, D_H), dtype=jnp.float32)
    b2a = jnp.zeros((D_H,), dtype=jnp.float32)
    W1b = 0.05 * jax.random.normal(ks[5], (D_H, D_H), dtype=jnp.float32)
    b1b = jnp.zeros((D_H,), dtype=jnp.float32)
    W2b = 0.05 * jax.random.normal(ks[6], (D_H, D_H), dtype=jnp.float32)
    b2b = jnp.zeros((D_H,), dtype=jnp.float32)
    return {"x": x, "edge_index1": edge_index1, "edge_index2": edge_index2,
            "W1a": W1a, "b1a": b1a, "W2a": W2a, "b2a": b2a,
            "W1b": W1b, "b1b": b1b, "W2b": W2b, "b2b": b2b}

def _gin_conv(x_src, x_target, edge_index, n_tgt, W1, b1, W2, b2):
    # message: gather src features; aggregate: scatter-add by dst
    msgs = jnp.take(x_src, edge_index[0], axis=0)
    agg = jax.ops.segment_sum(msgs, edge_index[1], num_segments=n_tgt)
    # eps = 0 (PyG GINConv default): (1+eps)*x_target + agg
    h = x_target + agg
    h = jnp.maximum(jnp.dot(h, W1) + b1, 0.0)
    return jnp.dot(h, W2) + b2

def reference(x, edge_index1, edge_index2, W1a, b1a, W2a, b2a, W1b, b1b, W2b, b2b):
    # layer 1: bipartite (x[:N0], x[:N1])
    x_t1 = x[:N1]
    h1 = _gin_conv(x, x_t1, edge_index1, N1, W1a, b1a, W2a, b2a)
    h1 = jnp.maximum(h1, 0.0)  # ReLU activation
    # layer 2: bipartite (h1[:N1], h1[:N2])
    h1_t = h1[:N2]
    h2 = _gin_conv(h1, h1_t, edge_index2, N2, W1b, b1b, W2b, b2b)
    h2 = jnp.maximum(h2, 0.0)
    return h2

if __name__ == "__main__":
    import jax
    _d = setup_inputs()
    print(jax.jit(kernel)(*tuple(_d.values())))

</pallas_src>

<mosaic_0001>
#map = affine_map<(d0, d1) -> (0, 0)>
module attributes {stable_mosaic.version = 14 : i64} {
  func.func @k(%arg0: i32, %arg1: i32, %arg2: memref<10240x256xf32, #tpu.memory_space<hbm>>, %arg3: memref<256x128xi32, #tpu.memory_space<hbm>>, %arg4: memref<256x128xi32, #tpu.memory_space<hbm>>, %arg5: memref<2048x256xf32, #tpu.memory_space<hbm>>, %arg6: memref<16x128xi32, #tpu.memory_space<vmem>>, %arg7: memref<16x128xi32, #tpu.memory_space<vmem>>, %arg8: memref<1584xi32, #tpu.memory_space<vmem>>, %arg9: memref<1584xi32, #tpu.memory_space<vmem>>, %arg10: memref<48x256xf32, #tpu.memory_space<vmem>>, %arg11: memref<48x256xf32, #tpu.memory_space<vmem>>, %arg12: memref<72x256xf32, #tpu.memory_space<vmem>>, %arg13: memref<!tpu.dma_semaphore, #tpu.memory_space<semaphore_mem>>, %arg14: memref<!tpu.dma_semaphore, #tpu.memory_space<semaphore_mem>>) attributes {dimension_semantics = [#tpu.dimension_semantics<core_parallel>, #tpu.dimension_semantics<subcore_parallel>], iteration_bounds = array<i64: 2, 16>, scalar_prefetch = 0 : i64, scratch_operands = 9 : i64, tpu.core_type = #tpu.core_type<sc_vector_subcore>, window_params = [{transform_indices = #map}, {transform_indices = #map}, {transform_indices = #map}, {transform_indices = #map}]} {
    %mul3A = arith.constant 16 : i32
    %mul3A_0 = arith.muli %arg0, %mul3A : i32
    %add3A = arith.addi %mul3A_0, %arg1 : i32
    %mul3A_1 = arith.constant 64 : i32
    %mul3A_2 = arith.muli %add3A, %mul3A_1 : i32
    %iota3A = tpu.iota {dimensions = array<i32: 0>} : vector<16xi32>
    %broadcast_in_dim3A = arith.constant 0.000000e+00 : f32
    %broadcast_in_dim3A_3 = vector.broadcast %broadcast_in_dim3A : f32 to vector<16xf32>
    %broadcast_in_dim3A_4 = arith.constant 0 : i32
    %broadcast_in_dim3A_5 = vector.broadcast %broadcast_in_dim3A_4 : i32 to vector<16xi32>
    %add3A_6 = arith.constant 64 : i32
    %add3A_7 = vector.broadcast %add3A_6 : i32 to vector<16xi32>
    %add3A_8 = arith.addi %broadcast_in_dim3A_5, %add3A_7 : vector<16xi32>
    %scan3A = arith.constant 0 : i32
    %scan3A_9 = arith.constant 65 : i32
    %scan3A_10 = arith.addi %scan3A, %scan3A_9 : i32
    %scan3A_11 = arith.constant 1 : i32
    scf.for %scan3A_89 = %scan3A to %scan3A_10 step %scan3A_11  : i32 {
      %swap3A = arith.index_cast %scan3A_89 : i32 to index
      %swap3A_90 = arith.constant 0 : index
      %swap3A_91 = tpu.vector_load %arg12[%swap3A, %swap3A_90] {strides = array<i32>} : memref<72x256xf32, #tpu.memory_space<vmem>>, vector<16xf32>,
      tpu.vector_store %arg12[%swap3A, %swap3A_90], %broadcast_in_dim3A_3 {strides = array<i32>} : memref<72x256xf32, #tpu.memory_space<vmem>>, vector<16xf32>,
      %swap3A_92 = arith.index_cast %scan3A_89 : i32 to index
      %swap3A_93 = arith.constant 16 : index
      %swap3A_94 = tpu.vector_load %arg12[%swap3A_92, %swap3A_93] {strides = array<i32>} : memref<72x256xf32, #tpu.memory_space<vmem>>, vector<16xf32>,
      tpu.vector_store %arg12[%swap3A_92, %swap3A_93], %broadcast_in_dim3A_3 {strides = array<i32>} : memref<72x256xf32, #tpu.memory_space<vmem>>, vector<16xf32>,
      %swap3A_95 = arith.index_cast %scan3A_89 : i32 to index
      %swap3A_96 = arith.constant 32 : index
      %swap3A_97 = tpu.vector_load %arg12[%swap3A_95, %swap3A_96] {strides = array<i32>} : memref<72x256xf32, #tpu.memory_space<vmem>>, vector<16xf32>,
      tpu.vector_store %arg12[%swap3A_95, %swap3A_96], %broadcast_in_dim3A_3 {strides = array<i32>} : memref<72x256xf32, #tpu.memory_space<vmem>>, vector<16xf32>,
      %swap3A_98 = arith.index_cast %scan3A_89 : i32 to index
      %swap3A_99 = arith.constant 48 : index
      %swap3A_100 = tpu.vector_load %arg12[%swap3A_98, %swap3A_99] {strides = array<i32>} : memref<72x256xf32, #tpu.memory_space<vmem>>, vector<16xf32>,
      tpu.vector_store %arg12[%swap3A_98, %swap3A_99], %broadcast_in_dim3A_3 {strides = array<i32>} : memref<72x256xf32, #tpu.memory_space<vmem>>, vector<16xf32>,
      %swap3A_101 = arith.index_cast %scan3A_89 : i32 to index
      %swap3A_102 = arith.constant 64 : index
      %swap3A_103 = tpu.vector_load %arg12[%swap3A_101, %swap3A_102] {strides = array<i32>} : memref<72x256xf32, #tpu.memory_space<vmem>>, vector<16xf32>,
      tpu.vector_store %arg12[%swap3A_101, %swap3A_102], %broadcast_in_dim3A_3 {strides = array<i32>} : memref<72x256xf32, #tpu.memory_space<vmem>>, vector<16xf32>,
      %swap3A_104 = arith.index_cast %scan3A_89 : i32 to index
      %swap3A_105 = arith.constant 80 : index
      %swap3A_106 = tpu.vector_load %arg12[%swap3A_104, %swap3A_105] {strides = array<i32>} : memref<72x256xf32, #tpu.memory_space<vmem>>, vector<16xf32>,
      tpu.vector_store %arg12[%swap3A_104, %swap3A_105], %broadcast_in_dim3A_3 {strides = array<i32>} : memref<72x256xf32, #tpu.memory_space<vmem>>, vector<16xf32>,
      %swap3A_107 = arith.index_cast %scan3A_89 : i32 to index
      %swap3A_108 = arith.constant 96 : index
      %swap3A_109 = tpu.vector_load %arg12[%swap3A_107, %swap3A_108] {strides = array<i32>} : memref<72x256xf32, #tpu.memory_space<vmem>>, vector<16xf32>,
      tpu.vector_store %arg12[%swap3A_107, %swap3A_108], %broadcast_in_dim3A_3 {strides = array<i32>} : memref<72x256xf32, #tpu.memory_space<vmem>>, vector<16xf32>,
      %swap3A_110 = arith.index_cast %scan3A_89 : i32 to index
      %swap3A_111 = arith.constant 112 : index
      %swap3A_112 = tpu.vector_load %arg12[%swap3A_110, %swap3A_111] {strides = array<i32>} : memref<72x256xf32, #tpu.memory_space<vmem>>, vector<16xf32>,
      tpu.vector_store %arg12[%swap3A_110, %swap3A_111], %broadcast_in_dim3A_3 {strides = array<i32>} : memref<72x256xf32, #tpu.memory_space<vmem>>, vector<16xf32>,
      %swap3A_113 = arith.index_cast %scan3A_89 : i32 to index
      %swap3A_114 = arith.constant 128 : index
      %swap3A_115 = tpu.vector_load %arg12[%swap3A_113, %swap3A_114] {strides = array<i32>} : memref<72x256xf32, #tpu.memory_space<vmem>>, vector<16xf32>,
      tpu.vector_store %arg12[%swap3A_113, %swap3A_114], %broadcast_in_dim3A_3 {strides = array<i32>} : memref<72x256xf32, #tpu.memory_space<vmem>>, vector<16xf32>,
      %swap3A_116 = arith.index_cast %scan3A_89 : i32 to index
      %swap3A_117 = arith.constant 144 : index
      %swap3A_118 = tpu.vector_load %arg12[%swap3A_116, %swap3A_117] {strides = array<i32>} : memref<72x256xf32, #tpu.memory_space<vmem>>, vector<16xf32>,
      tpu.vector_store %arg12[%swap3A_116, %swap3A_117], %broadcast_in_dim3A_3 {strides = array<i32>} : memref<72x256xf32, #tpu.memory_space<vmem>>, vector<16xf32>,
      %swap3A_119 = arith.index_cast %scan3A_89 : i32 to index
      %swap3A_120 = arith.constant 160 : index
      %swap3A_121 = tpu.vector_load %arg12[%swap3A_119, %swap3A_120] {strides = array<i32>} : memref<72x256xf32, #tpu.memory_space<vmem>>, vector<16xf32>,
      tpu.vector_store %arg12[%swap3A_119, %swap3A_120], %broadcast_in_dim3A_3 {strides = array<i32>} : memref<72x256xf32, #tpu.memory_space<vmem>>, vector<16xf32>,
      %swap3A_122 = arith.index_cast %scan3A_89 : i32 to index
      %swap3A_123 = arith.constant 176 : index
      %swap3A_124 = tpu.vector_load %arg12[%swap3A_122, %swap3A_123] {strides = array<i32>} : memref<72x256xf32, #tpu.memory_space<vmem>>, vector<16xf32>,
      tpu.vector_store %arg12[%swap3A_122, %swap3A_123], %broadcast_in_dim3A_3 {strides = array<i32>} : memref<72x256xf32, #tpu.memory_space<vmem>>, vector<16xf32>,
      %swap3A_125 = arith.index_cast %scan3A_89 : i32 to index
      %swap3A_126 = arith.constant 192 : index
      %swap3A_127 = tpu.vector_load %arg12[%swap3A_125, %swap3A_126] {strides = array<i32>} : memref<72x256xf32, #tpu.memory_space<vmem>>, vector<16xf32>,
      tpu.vector_store %arg12[%swap3A_125, %swap3A_126], %broadcast_in_dim3A_3 {strides = array<i32>} : memref<72x256xf32, #tpu.memory_space<vmem>>, vector<16xf32>,
      %swap3A_128 = arith.index_cast %scan3A_89 : i32 to index
      %swap3A_129 = arith.constant 208 : index
      %swap3A_130 = tpu.vector_load %arg12[%swap3A_128, %swap3A_129] {strides = array<i32>} : memref<72x256xf32, #tpu.memory_space<vmem>>, vector<16xf32>,
      tpu.vector_store %arg12[%swap3A_128, %swap3A_129], %broadcast_in_dim3A_3 {strides = array<i32>} : memref<72x256xf32, #tpu.memory_space<vmem>>, vector<16xf32>,
      %swap3A_131 = arith.index_cast %scan3A_89 : i32 to index
      %swap3A_132 = arith.constant 224 : index
      %swap3A_133 = tpu.vector_load %arg12[%swap3A_131, %swap3A_132] {strides = array<i32>} : memref<72x256xf32, #tpu.memory_space<vmem>>, vector<16xf32>,
      tpu.vector_store %arg12[%swap3A_131, %swap3A_132], %broadcast_in_dim3A_3 {strides = array<i32>} : memref<72x256xf32, #tpu.memory_space<vmem>>, vector<16xf32>,
      %swap3A_134 = arith.index_cast %scan3A_89 : i32 to index
      %swap3A_135 = arith.constant 240 : index
      %swap3A_136 = tpu.vector_load %arg12[%swap3A_134, %swap3A_135] {strides = array<i32>} : memref<72x256xf32, #tpu.memory_space<vmem>>, vector<16xf32>,
      tpu.vector_store %arg12[%swap3A_134, %swap3A_135], %broadcast_in_dim3A_3 {strides = array<i32>} : memref<72x256xf32, #tpu.memory_space<vmem>>, vector<16xf32>,
    }
    %scan3A_12 = arith.constant 65 : i32
    %scan3A_13 = arith.constant 0 : i32
    %scan3A_14 = arith.constant 99 : i32
    %scan3A_15 = arith.addi %scan3A_13, %scan3A_14 : i32
    %scan3A_16 = arith.constant 1 : i32
    scf.for %scan3A_89 = %scan3A_13 to %scan3A_15 step %scan3A_16  : i32 {
      %mul3A_90 = arith.constant 16 : i32
      %mul3A_91 = arith.muli %scan3A_89, %mul3A_90 : i32
      %swap3A = arith.index_cast %mul3A_91 : i32 to index
      %swap3A_92 = tpu.vector_load %arg8[%swap3A] {strides = array<i32>} : memref<1584xi32, #tpu.memory_space<vmem>>, vector<16xi32>,
      tpu.vector_store %arg8[%swap3A], %broadcast_in_dim3A_5 {strides = array<i32>} : memref<1584xi32, #tpu.memory_space<vmem>>, vector<16xi32>,
      %mul3A_93 = arith.constant 16 : i32
      %mul3A_94 = arith.muli %scan3A_89, %mul3A_93 : i32
      %swap3A_95 = arith.index_cast %mul3A_94 : i32 to index
      %swap3A_96 = tpu.vector_load %arg9[%swap3A_95] {strides = array<i32>} : memref<1584xi32, #tpu.memory_space<vmem>>, vector<16xi32>,
      tpu.vector_store %arg9[%swap3A_95], %add3A_8 {strides = array<i32>} : memref<1584xi32, #tpu.memory_space<vmem>>, vector<16xi32>,
    }
    %scan3A_17 = arith.constant 99 : i32
    %broadcast_in_dim3A_18 = arith.constant -1 : i32
    %broadcast_in_dim3A_19 = vector.broadcast %broadcast_in_dim3A_18 : i32 to vector<16xi32>
    %scan3A_20 = arith.constant 0 : i32
    %scan3A_21 = arith.constant 16 : i32
    %scan3A_22 = arith.addi %scan3A_20, %scan3A_21 : i32
    %scan3A_23 = arith.constant 1 : i32
    %scan3A_24 = scf.for %scan3A_89 = %scan3A_20 to %scan3A_22 step %scan3A_23 iter_args(%scan3A_90 = %broadcast_in_dim3A_19) -> (vector<16xi32>)  : i32 {
      %mul3A_91 = arith.constant 16 : i32
      %mul3A_92 = arith.muli %scan3A_89, %mul3A_91 : i32
      "tpu.region"() ({
        %run_scoped3A = tpu.sem_alloc : memref<!tpu.dma_semaphore, #tpu.memory_space<semaphore_mem>>
        %dma_start3A_101 = arith.constant 0 : i32
        %dma_start3A_102 = tpu.memref_slice %arg3[%mul3A_92, %dma_start3A_101] : memref<256x128xi32, #tpu.memory_space<hbm>> -> memref<16x128xi32, #tpu.memory_space<hbm>>
        %dma_start3A_103 = arith.constant 0 : i32
        %dma_start3A_104 = tpu.memref_slice %arg3[%mul3A_92, %dma_start3A_103] : memref<256x128xi32, #tpu.memory_space<hbm>> -> memref<16x128xi32, #tpu.memory_space<hbm>>
        tpu.enqueue_dma source(%dma_start3A_104 : memref<16x128xi32, #tpu.memory_space<hbm>>) target(%arg6 : memref<16x128xi32, #tpu.memory_space<vmem>>) target_semaphore(%run_scoped3A : memref<!tpu.dma_semaphore, #tpu.memory_space<semaphore_mem>>)
        %dma_wait3A_105 = arith.constant 0 : i32
        %dma_wait3A_106 = tpu.memref_slice %arg3[%mul3A_92, %dma_wait3A_105] : memref<256x128xi32, #tpu.memory_space<hbm>> -> memref<16x128xi32, #tpu.memory_space<hbm>>
        %dma_wait3A_107 = arith.constant 0 : i32
        %dma_wait3A_108 = tpu.memref_slice %arg3[%mul3A_92, %dma_wait3A_107] : memref<256x128xi32, #tpu.memory_space<hbm>> -> memref<16x128xi32, #tpu.memory_space<hbm>>
        tpu.wait_dma2 semaphore(%run_scoped3A : memref<!tpu.dma_semaphore, #tpu.memory_space<semaphore_mem>>) src(%dma_wait3A_108 : memref<16x128xi32, #tpu.memory_space<hbm>>) dst(%arg6 : memref<16x128xi32, #tpu.memory_space<vmem>>)
        tpu.yield
      }) : () -> ()
      %mul3A_93 = arith.constant 16 : i32
      %mul3A_94 = arith.muli %scan3A_89, %mul3A_93 : i32
      "tpu.region"() ({
        %run_scoped3A = tpu.sem_alloc : memref<!tpu.dma_semaphore, #tpu.memory_space<semaphore_mem>>
        %dma_start3A_101 = arith.constant 0 : i32
        %dma_start3A_102 = tpu.memref_slice %arg4[%mul3A_94, %dma_start3A_101] : memref<256x128xi32, #tpu.memory_space<hbm>> -> memref<16x128xi32, #tpu.memory_space<hbm>>
        %dma_start3A_103 = arith.constant 0 : i32
        %dma_start3A_104 = tpu.memref_slice %arg4[%mul3A_94, %dma_start3A_103] : memref<256x128xi32, #tpu.memory_space<hbm>> -> memref<16x128xi32, #tpu.memory_space<hbm>>
        tpu.enqueue_dma source(%dma_start3A_104 : memref<16x128xi32, #tpu.memory_space<hbm>>) target(%arg7 : memref<16x128xi32, #tpu.memory_space<vmem>>) target_semaphore(%run_scoped3A : memref<!tpu.dma_semaphore, #tpu.memory_space<semaphore_mem>>)
        %dma_wait3A_105 = arith.constant 0 : i32
        %dma_wait3A_106 = tpu.memref_slice %arg4[%mul3A_94, %dma_wait3A_105] : memref<256x128xi32, #tpu.memory_space<hbm>> -> memref<16x128xi32, #tpu.memory_space<hbm>>
        %dma_wait3A_107 = arith.constant 0 : i32
        %dma_wait3A_108 = tpu.memref_slice %arg4[%mul3A_94, %dma_wait3A_107] : memref<256x128xi32, #tpu.memory_space<hbm>> -> memref<16x128xi32, #tpu.memory_space<hbm>>
        tpu.wait_dma2 semaphore(%run_scoped3A : memref<!tpu.dma_semaphore, #tpu.memory_space<semaphore_mem>>) src(%dma_wait3A_108 : memref<16x128xi32, #tpu.memory_space<hbm>>) dst(%arg7 : memref<16x128xi32, #tpu.memory_space<vmem>>)
        tpu.yield
      }) : () -> ()
      %scan3A_95 = arith.constant 0 : i32
      %scan3A_96 = arith.constant 16 : i32
      %scan3A_97 = arith.addi %scan3A_95, %scan3A_96 : i32
      %scan3A_98 = arith.constant 1 : i32
      %scan3A_99 = scf.for %scan3A_101 = %scan3A_95 to %scan3A_97 step %scan3A_98 iter_args(%scan3A_102 = %scan3A_90) -> (vector<16xi32>)  : i32 {
        %get3A = arith.index_cast %scan3A_101 : i32 to index
        %get3A_103 = arith.constant 0 : index
        %get3A_104 = tpu.vector_load %arg7[%get3A, %get3A_103] {strides = array<i32>} : memref<16x128xi32, #tpu.memory_space<vmem>>, vector<16xi32>,
        %get3A_105 = arith.index_cast %scan3A_101 : i32 to index
        %get3A_106 = arith.constant 0 : index
        %get3A_107 = tpu.vector_load %arg6[%get3A_105, %get3A_106] {strides = array<i32>} : memref<16x128xi32, #tpu.memory_space<vmem>>, vector<16xi32>,
        %sub3A = vector.broadcast %mul3A_2 : i32 to vector<16xi32>
        %sub3A_108 = arith.subi %get3A_104, %sub3A : vector<16xi32>
        %bitcast3A = vector.bitcast %sub3A_108 : vector<16xi32> to vector<16xi32>
        %lt3A = arith.constant 64 : i32
        %lt3A_109 = vector.broadcast %lt3A : i32 to vector<16xi32>
        %lt3A_110 = arith.cmpi ult, %bitcast3A, %lt3A_109 : vector<16xi32>
        %jit3A = arith.constant 1 : i32
        %jit3A_111 = arith.constant 0 : i32
        %broadcast_in_dim3A_112 = vector.broadcast %jit3A : i32 to vector<16xi32>
        %broadcast_in_dim3A_113 = vector.broadcast %jit3A_111 : i32 to vector<16xi32>
        %select_n3A = arith.select %lt3A_110, %broadcast_in_dim3A_112, %broadcast_in_dim3A_113 : vector<16xi1>, vector<16xi32>
        %broadcast_in_dim3A_114 = arith.constant true
        %broadcast_in_dim3A_115 = vector.broadcast %broadcast_in_dim3A_114 : i1 to vector<16xi1>
        %masked_cumsum3A = tpu.scan <sum>, %select_n3A masked %broadcast_in_dim3A_115 : vector<16xi32>, vector<16xi1> -> vector<16xi32>
        %add3A_116 = arith.addi %scan3A_102, %masked_cumsum3A : vector<16xi32>
        %min3A = arith.constant 1535 : i32
        %min3A_117 = vector.broadcast %min3A : i32 to vector<16xi32>
        %min3A_118 = arith.minsi %add3A_116, %min3A_117 : vector<16xi32>
        tpu.vector_store_idx %arg8[%min3A_118], %get3A_107 masked %lt3A_110 : memref<1584xi32, #tpu.memory_space<vmem>>[vector<16xi32>], vector<16xi32>, vector<16xi1>
        tpu.vector_store_idx %arg9[%min3A_118], %sub3A_108 masked %lt3A_110 : memref<1584xi32, #tpu.memory_space<vmem>>[vector<16xi32>], vector<16xi32>, vector<16xi1>
        %all_reduce_population_count3A = tpu.all_reduce %lt3A_110 {dim = 0 : i64, kind = #tpu.reduction_kind<sum>} : vector<16xi1> -> vector<16xi32>
        %add3A_119 = arith.addi %scan3A_102, %all_reduce_population_count3A : vector<16xi32>
        %get3A_120 = arith.index_cast %scan3A_101 : i32 to index
        %get3A_121 = arith.constant 16 : index
        %get3A_122 = tpu.vector_load %arg7[%get3A_120, %get3A_121] {strides = array<i32>} : memref<16x128xi32, #tpu.memory_space<vmem>>, vector<16xi32>,
        %get3A_123 = arith.index_cast %scan3A_101 : i32 to index
        %get3A_124 = arith.constant 16 : index
        %get3A_125 = tpu.vector_load %arg6[%get3A_123, %get3A_124] {strides = array<i32>} : memref<16x128xi32, #tpu.memory_space<vmem>>, vector<16xi32>,
        %sub3A_126 = vector.broadcast %mul3A_2 : i32 to vector<16xi32>
        %sub3A_127 = arith.subi %get3A_122, %sub3A_126 : vector<16xi32>
        %bitcast3A_128 = vector.bitcast %sub3A_127 : vector<16xi32> to vector<16xi32>
        %lt3A_129 = arith.constant 64 : i32
        %lt3A_130 = vector.broadcast %lt3A_129 : i32 to vector<16xi32>
        %lt3A_131 = arith.cmpi ult, %bitcast3A_128, %lt3A_130 : vector<16xi32>
        %jit3A_132 = arith.constant 1 : i32
        %jit3A_133 = arith.constant 0 : i32
        %broadcast_in_dim3A_134 = vector.broadcast %jit3A_132 : i32 to vector<16xi32>
        %broadcast_in_dim3A_135 = vector.broadcast %jit3A_133 : i32 to vector<16xi32>
        %select_n3A_136 = arith.select %lt3A_131, %broadcast_in_dim3A_134, %broadcast_in_dim3A_135 : vector<16xi1>, vector<16xi32>
        %broadcast_in_dim3A_137 = arith.constant true
        %broadcast_in_dim3A_138 = vector.broadcast %broadcast_in_dim3A_137 : i1 to vector<16xi1>
        %masked_cumsum3A_139 = tpu.scan <sum>, %select_n3A_136 masked %broadcast_in_dim3A_138 : vector<16xi32>, vector<16xi1> -> vector<16xi32>
        %add3A_140 = arith.addi %add3A_119, %masked_cumsum3A_139 : vector<16xi32>
        %min3A_141 = arith.constant 1535 : i32
        %min3A_142 = vector.broadcast %min3A_141 : i32 to vector<16xi32>
        %min3A_143 = arith.minsi %add3A_140, %min3A_142 : vector<16xi32>
        tpu.vector_store_idx %arg8[%min3A_143], %get3A_125 masked %lt3A_131 : memref<1584xi32, #tpu.memory_space<vmem>>[vector<16xi32>], vector<16xi32>, vector<16xi1>
        tpu.vector_store_idx %arg9[%min3A_143], %sub3A_127 masked %lt3A_131 : memref<1584xi32, #tpu.memory_space<vmem>>[vector<16xi32>], vector<16xi32>, vector<16xi1>
        %all_reduce_population_count3A_144 = tpu.all_reduce %lt3A_131 {dim = 0 : i64, kind = #tpu.reduction_kind<sum>} : vector<16xi1> -> vector<16xi32>
        %add3A_145 = arith.addi %add3A_119, %all_reduce_population_count3A_144 : vector<16xi32>
        %get3A_146 = arith.index_cast %scan3A_101 : i32 to index
        %get3A_147 = arith.constant 32 : index
        %get3A_148 = tpu.vector_load %arg7[%get3A_146, %get3A_147] {strides = array<i32>} : memref<16x128xi32, #tpu.memory_space<vmem>>, vector<16xi32>,
        %get3A_149 = arith.index_cast %scan3A_101 : i32 to index
        %get3A_150 = arith.constant 32 : index
        %get3A_151 = tpu.vector_load %arg6[%get3A_149, %get3A_150] {strides = array<i32>} : memref<16x128xi32, #tpu.memory_space<vmem>>, vector<16xi32>,
        %sub3A_152 = vector.broadcast %mul3A_2 : i32 to vector<16xi32>
        %sub3A_153 = arith.subi %get3A_148, %sub3A_152 : vector<16xi32>
        %bitcast3A_154 = vector.bitcast %sub3A_153 : vector<16xi32> to vector<16xi32>
        %lt3A_155 = arith.constant 64 : i32
        %lt3A_156 = vector.broadcast %lt3A_155 : i32 to vector<16xi32>
        %lt3A_157 = arith.cmpi ult, %bitcast3A_154, %lt3A_156 : vector<16xi32>
        %jit3A_158 = arith.constant 1 : i32
        %jit3A_159 = arith.constant 0 : i32
        %broadcast_in_dim3A_160 = vector.broadcast %jit3A_158 : i32 to vector<16xi32>
        %broadcast_in_dim3A_161 = vector.broadcast %jit3A_159 : i32 to vector<16xi32>
        %select_n3A_162 = arith.select %lt3A_157, %broadcast_in_dim3A_160, %broadcast_in_dim3A_161 : vector<16xi1>, vector<16xi32>
        %broadcast_in_dim3A_163 = arith.constant true
        %broadcast_in_dim3A_164 = vector.broadcast %broadcast_in_dim3A_163 : i1 to vector<16xi1>
        %masked_cumsum3A_165 = tpu.scan <sum>, %select_n3A_162 masked %broadcast_in_dim3A_164 : vector<16xi32>, vector<16xi1> -> vector<16xi32>
        %add3A_166 = arith.addi %add3A_145, %masked_cumsum3A_165 : vector<16xi32>
        %min3A_167 = arith.constant 1535 : i32
        %min3A_168 = vector.broadcast %min3A_167 : i32 to vector<16xi32>
        %min3A_169 = arith.minsi %add3A_166, %min3A_168 : vector<16xi32>
        tpu.vector_store_idx %arg8[%min3A_169], %get3A_151 masked %lt3A_157 : memref<1584xi32, #tpu.memory_space<vmem>>[vector<16xi32>], vector<16xi32>, vector<16xi1>
        tpu.vector_store_idx %arg9[%min3A_169], %sub3A_153 masked %lt3A_157 : memref<1584xi32, #tpu.memory_space<vmem>>[vector<16xi32>], vector<16xi32>, vector<16xi1>
        %all_reduce_population_count3A_170 = tpu.all_reduce %lt3A_157 {dim = 0 : i64, kind = #tpu.reduction_kind<sum>} : vector<16xi1> -> vector<16xi32>
        %add3A_171 = arith.addi %add3A_145, %all_reduce_population_count3A_170 : vector<16xi32>
        %get3A_172 = arith.index_cast %scan3A_101 : i32 to index
        %get3A_173 = arith.constant 48 : index
        %get3A_174 = tpu.vector_load %arg7[%get3A_172, %get3A_173] {strides = array<i32>} : memref<16x128xi32, #tpu.memory_space<vmem>>, vector<16xi32>,
        %get3A_175 = arith.index_cast %scan3A_101 : i32 to index
        %get3A_176 = arith.constant 48 : index
        %get3A_177 = tpu.vector_load %arg6[%get3A_175, %get3A_176] {strides = array<i32>} : memref<16x128xi32, #tpu.memory_space<vmem>>, vector<16xi32>,
        %sub3A_178 = vector.broadcast %mul3A_2 : i32 to vector<16xi32>
        %sub3A_179 = arith.subi %get3A_174, %sub3A_178 : vector<16xi32>
        %bitcast3A_180 = vector.bitcast %sub3A_179 : vector<16xi32> to vector<16xi32>
        %lt3A_181 = arith.constant 64 : i32
        %lt3A_182 = vector.broadcast %lt3A_181 : i32 to vector<16xi32>
        %lt3A_183 = arith.cmpi ult, %bitcast3A_180, %lt3A_182 : vector<16xi32>
        %jit3A_184 = arith.constant 1 : i32
        %jit3A_185 = arith.constant 0 : i32
        %broadcast_in_dim3A_186 = vector.broadcast %jit3A_184 : i32 to vector<16xi32>
        %broadcast_in_dim3A_187 = vector.broadcast %jit3A_185 : i32 to vector<16xi32>
        %select_n3A_188 = arith.select %lt3A_183, %broadcast_in_dim3A_186, %broadcast_in_dim3A_187 : vector<16xi1>, vector<16xi32>
        %broadcast_in_dim3A_189 = arith.constant true
        %broadcast_in_dim3A_190 = vector.broadcast %broadcast_in_dim3A_189 : i1 to vector<16xi1>
        %masked_cumsum3A_191 = tpu.scan <sum>, %select_n3A_188 masked %broadcast_in_dim3A_190 : vector<16xi32>, vector<16xi1> -> vector<16xi32>
        %add3A_192 = arith.addi %add3A_171, %masked_cumsum3A_191 : vector<16xi32>
        %min3A_193 = arith.constant 1535 : i32
        %min3A_194 = vector.broadcast %min3A_193 : i32 to vector<16xi32>
        %min3A_195 = arith.minsi %add3A_192, %min3A_194 : vector<16xi32>
        tpu.vector_store_idx %arg8[%min3A_195], %get3A_177 masked %lt3A_183 : memref<1584xi32, #tpu.memory_space<vmem>>[vector<16xi32>], vector<16xi32>, vector<16xi1>
        tpu.vector_store_idx %arg9[%min3A_195], %sub3A_179 masked %lt3A_183 : memref<1584xi32, #tpu.memory_space<vmem>>[vector<16xi32>], vector<16xi32>, vector<16xi1>
        %all_reduce_population_count3A_196 = tpu.all_reduce %lt3A_183 {dim = 0 : i64, kind = #tpu.reduction_kind<sum>} : vector<16xi1> -> vector<16xi32>
        %add3A_197 = arith.addi %add3A_171, %all_reduce_population_count3A_196 : vector<16xi32>
        %get3A_198 = arith.index_cast %scan3A_101 : i32 to index
        %get3A_199 = arith.constant 64 : index
        %get3A_200 = tpu.vector_load %arg7[%get3A_198, %get3A_199] {strides = array<i32>} : memref<16x128xi32, #tpu.memory_space<vmem>>, vector<16xi32>,
        %get3A_201 = arith.index_cast %scan3A_101 : i32 to index
        %get3A_202 = arith.constant 64 : index
        %get3A_203 = tpu.vector_load %arg6[%get3A_201, %get3A_202] {strides = array<i32>} : memref<16x128xi32, #tpu.memory_space<vmem>>, vector<16xi32>,
        %sub3A_204 = vector.broadcast %mul3A_2 : i32 to vector<16xi32>
        %sub3A_205 = arith.subi %get3A_200, %sub3A_204 : vector<16xi32>
        %bitcast3A_206 = vector.bitcast %sub3A_205 : vector<16xi32> to vector<16xi32>
        %lt3A_207 = arith.constant 64 : i32
        %lt3A_208 = vector.broadcast %lt3A_207 : i32 to vector<16xi32>
        %lt3A_209 = arith.cmpi ult, %bitcast3A_206, %lt3A_208 : vector<16xi32>
        %jit3A_210 = arith.constant 1 : i32
        %jit3A_211 = arith.constant 0 : i32
        %broadcast_in_dim3A_212 = vector.broadcast %jit3A_210 : i32 to vector<16xi32>
        %broadcast_in_dim3A_213 = vector.broadcast %jit3A_211 : i32 to vector<16xi32>
        %select_n3A_214 = arith.select %lt3A_209, %broadcast_in_dim3A_212, %broadcast_in_dim3A_213 : vector<16xi1>, vector<16xi32>
        %broadcast_in_dim3A_215 = arith.constant true
        %broadcast_in_dim3A_216 = vector.broadcast %broadcast_in_dim3A_215 : i1 to vector<16xi1>
        %masked_cumsum3A_217 = tpu.scan <sum>, %select_n3A_214 masked %broadcast_in_dim3A_216 : vector<16xi32>, vector<16xi1> -> vector<16xi32>
        %add3A_218 = arith.addi %add3A_197, %masked_cumsum3A_217 : vector<16xi32>
        %min3A_219 = arith.constant 1535 : i32
        %min3A_220 = vector.broadcast %min3A_219 : i32 to vector<16xi32>
        %min3A_221 = arith.minsi %add3A_218, %min3A_220 : vector<16xi32>
        tpu.vector_store_idx %arg8[%min3A_221], %get3A_203 masked %lt3A_209 : memref<1584xi32, #tpu.memory_space<vmem>>[vector<16xi32>], vector<16xi32>, vector<16xi1>
        tpu.vector_store_idx %arg9[%min3A_221], %sub3A_205 masked %lt3A_209 : memref<1584xi32, #tpu.memory_space<vmem>>[vector<16xi32>], vector<16xi32>, vector<16xi1>
        %all_reduce_population_count3A_222 = tpu.all_reduce %lt3A_209 {dim = 0 : i64, kind = #tpu.reduction_kind<sum>} : vector<16xi1> -> vector<16xi32>
        %add3A_223 = arith.addi %add3A_197, %all_reduce_population_count3A_222 : vector<16xi32>
        %get3A_224 = arith.index_cast %scan3A_101 : i32 to index
        %get3A_225 = arith.constant 80 : index
        %get3A_226 = tpu.vector_load %arg7[%get3A_224, %get3A_225] {strides = array<i32>} : memref<16x128xi32, #tpu.memory_space<vmem>>, vector<16xi32>,
        %get3A_227 = arith.index_cast %scan3A_101 : i32 to index
        %get3A_228 = arith.constant 80 : index
        %get3A_229 = tpu.vector_load %arg6[%get3A_227, %get3A_228] {strides = array<i32>} : memref<16x128xi32, #tpu.memory_space<vmem>>, vector<16xi32>,
        %sub3A_230 = vector.broadcast %mul3A_2 : i32 to vector<16xi32>
        %sub3A_231 = arith.subi %get3A_226, %sub3A_230 : vector<16xi32>
        %bitcast3A_232 = vector.bitcast %sub3A_231 : vector<16xi32> to vector<16xi32>
        %lt3A_233 = arith.constant 64 : i32
        %lt3A_234 = vector.broadcast %lt3A_233 : i32 to vector<16xi32>
        %lt3A_235 = arith.cmpi ult, %bitcast3A_232, %lt3A_234 : vector<16xi32>
        %jit3A_236 = arith.constant 1 : i32
        %jit3A_237 = arith.constant 0 : i32
        %broadcast_in_dim3A_238 = vector.broadcast %jit3A_236 : i32 to vector<16xi32>
        %broadcast_in_dim3A_239 = vector.broadcast %jit3A_237 : i32 to vector<16xi32>
        %select_n3A_240 = arith.select %lt3A_235, %broadcast_in_dim3A_238, %broadcast_in_dim3A_239 : vector<16xi1>, vector<16xi32>
        %broadcast_in_dim3A_241 = arith.constant true
        %broadcast_in_dim3A_242 = vector.broadcast %broadcast_in_dim3A_241 : i1 to vector<16xi1>
        %masked_cumsum3A_243 = tpu.scan <sum>, %select_n3A_240 masked %broadcast_in_dim3A_242 : vector<16xi32>, vector<16xi1> -> vector<16xi32>
        %add3A_244 = arith.addi %add3A_223, %masked_cumsum3A_243 : vector<16xi32>
        %min3A_245 = arith.constant 1535 : i32
        %min3A_246 = vector.broadcast %min3A_245 : i32 to vector<16xi32>
        %min3A_247 = arith.minsi %add3A_244, %min3A_246 : vector<16xi32>
        tpu.vector_store_idx %arg8[%min3A_247], %get3A_229 masked %lt3A_235 : memref<1584xi32, #tpu.memory_space<vmem>>[vector<16xi32>], vector<16xi32>, vector<16xi1>
        tpu.vector_store_idx %arg9[%min3A_247], %sub3A_231 masked %lt3A_235 : memref<1584xi32, #tpu.memory_space<vmem>>[vector<16xi32>], vector<16xi32>, vector<16xi1>
        %all_reduce_population_count3A_248 = tpu.all_reduce %lt3A_235 {dim = 0 : i64, kind = #tpu.reduction_kind<sum>} : vector<16xi1> -> vector<16xi32>
        %add3A_249 = arith.addi %add3A_223, %all_reduce_population_count3A_248 : vector<16xi32>
        %get3A_250 = arith.index_cast %scan3A_101 : i32 to index
        %get3A_251 = arith.constant 96 : index
        %get3A_252 = tpu.vector_load %arg7[%get3A_250, %get3A_251] {strides = array<i32>} : memref<16x128xi32, #tpu.memory_space<vmem>>, vector<16xi32>,
        %get3A_253 = arith.index_cast %scan3A_101 : i32 to index
        %get3A_254 = arith.constant 96 : index
        %get3A_255 = tpu.vector_load %arg6[%get3A_253, %get3A_254] {strides = array<i32>} : memref<16x128xi32, #tpu.memory_space<vmem>>, vector<16xi32>,
        %sub3A_256 = vector.broadcast %mul3A_2 : i32 to vector<16xi32>
        %sub3A_257 = arith.subi %get3A_252, %sub3A_256 : vector<16xi32>
        %bitcast3A_258 = vector.bitcast %sub3A_257 : vector<16xi32> to vector<16xi32>
        %lt3A_259 = arith.constant 64 : i32
        %lt3A_260 = vector.broadcast %lt3A_259 : i32 to vector<16xi32>
        %lt3A_261 = arith.cmpi ult, %bitcast3A_258, %lt3A_260 : vector<16xi32>
        %jit3A_262 = arith.constant 1 : i32
        %jit3A_263 = arith.constant 0 : i32
        %broadcast_in_dim3A_264 = vector.broadcast %jit3A_262 : i32 to vector<16xi32>
        %broadcast_in_dim3A_265 = vector.broadcast %jit3A_263 : i32 to vector<16xi32>
        %select_n3A_266 = arith.select %lt3A_261, %broadcast_in_dim3A_264, %broadcast_in_dim3A_265 : vector<16xi1>, vector<16xi32>
        %broadcast_in_dim3A_267 = arith.constant true
        %broadcast_in_dim3A_268 = vector.broadcast %broadcast_in_dim3A_267 : i1 to vector<16xi1>
        %masked_cumsum3A_269 = tpu.scan <sum>, %select_n3A_266 masked %broadcast_in_dim3A_268 : vector<16xi32>, vector<16xi1> -> vector<16xi32>
        %add3A_270 = arith.addi %add3A_249, %masked_cumsum3A_269 : vector<16xi32>
        %min3A_271 = arith.constant 1535 : i32
        %min3A_272 = vector.broadcast %min3A_271 : i32 to vector<16xi32>
        %min3A_273 = arith.minsi %add3A_270, %min3A_272 : vector<16xi32>
        tpu.vector_store_idx %arg8[%min3A_273], %get3A_255 masked %lt3A_261 : memref<1584xi32, #tpu.memory_space<vmem>>[vector<16xi32>], vector<16xi32>, vector<16xi1>
        tpu.vector_store_idx %arg9[%min3A_273], %sub3A_257 masked %lt3A_261 : memref<1584xi32, #tpu.memory_space<vmem>>[vector<16xi32>], vector<16xi32>, vector<16xi1>
        %all_reduce_population_count3A_274 = tpu.all_reduce %lt3A_261 {dim = 0 : i64, kind = #tpu.reduction_kind<sum>} : vector<16xi1> -> vector<16xi32>
        %add3A_275 = arith.addi %add3A_249, %all_reduce_population_count3A_274 : vector<16xi32>
        %get3A_276 = arith.index_cast %scan3A_101 : i32 to index
        %get3A_277 = arith.constant 112 : index
        %get3A_278 = tpu.vector_load %arg7[%get3A_276, %get3A_277] {strides = array<i32>} : memref<16x128xi32, #tpu.memory_space<vmem>>, vector<16xi32>,
        %get3A_279 = arith.index_cast %scan3A_101 : i32 to index
        %get3A_280 = arith.constant 112 : index
        %get3A_281 = tpu.vector_load %arg6[%get3A_279, %get3A_280] {strides = array<i32>} : memref<16x128xi32, #tpu.memory_space<vmem>>, vector<16xi32>,
        %sub3A_282 = vector.broadcast %mul3A_2 : i32 to vector<16xi32>
        %sub3A_283 = arith.subi %get3A_278, %sub3A_282 : vector<16xi32>
        %bitcast3A_284 = vector.bitcast %sub3A_283 : vector<16xi32> to vector<16xi32>
        %lt3A_285 = arith.constant 64 : i32
        %lt3A_286 = vector.broadcast %lt3A_285 : i32 to vector<16xi32>
        %lt3A_287 = arith.cmpi ult, %bitcast3A_284, %lt3A_286 : vector<16xi32>
        %jit3A_288 = arith.constant 1 : i32
        %jit3A_289 = arith.constant 0 : i32
        %broadcast_in_dim3A_290 = vector.broadcast %jit3A_288 : i32 to vector<16xi32>
        %broadcast_in_dim3A_291 = vector.broadcast %jit3A_289 : i32 to vector<16xi32>
        %select_n3A_292 = arith.select %lt3A_287, %broadcast_in_dim3A_290, %broadcast_in_dim3A_291 : vector<16xi1>, vector<16xi32>
        %broadcast_in_dim3A_293 = arith.constant true
        %broadcast_in_dim3A_294 = vector.broadcast %broadcast_in_dim3A_293 : i1 to vector<16xi1>
        %masked_cumsum3A_295 = tpu.scan <sum>, %select_n3A_292 masked %broadcast_in_dim3A_294 : vector<16xi32>, vector<16xi1> -> vector<16xi32>
        %add3A_296 = arith.addi %add3A_275, %masked_cumsum3A_295 : vector<16xi32>
        %min3A_297 = arith.constant 1535 : i32
        %min3A_298 = vector.broadcast %min3A_297 : i32 to vector<16xi32>
        %min3A_299 = arith.minsi %add3A_296, %min3A_298 : vector<16xi32>
        tpu.vector_store_idx %arg8[%min3A_299], %get3A_281 masked %lt3A_287 : memref<1584xi32, #tpu.memory_space<vmem>>[vector<16xi32>], vector<16xi32>, vector<16xi1>
        tpu.vector_store_idx %arg9[%min3A_299], %sub3A_283 masked %lt3A_287 : memref<1584xi32, #tpu.memory_space<vmem>>[vector<16xi32>], vector<16xi32>, vector<16xi1>
        %all_reduce_population_count3A_300 = tpu.all_reduce %lt3A_287 {dim = 0 : i64, kind = #tpu.reduction_kind<sum>} : vector<16xi1> -> vector<16xi32>
        %add3A_301 = arith.addi %add3A_275, %all_reduce_population_count3A_300 : vector<16xi32>
        scf.yield %add3A_301 : vector<16xi32>
      }
      %scan3A_100 = arith.constant 16 : i32
      scf.yield %scan3A_99 : vector<16xi32>
    }
    %scan3A_25 = arith.constant 16 : i32
    %broadcast_in_dim3A_26 = arith.constant 1 : i32
    %broadcast_in_dim3A_27 = vector.broadcast %broadcast_in_dim3A_26 : i32 to vector<16xi32>
    %add3A_28 = arith.constant 0 : i32
    %add3A_29 = vector.broadcast %add3A_28 : i32 to vector<16xi32>
    %add3A_30 = arith.addi %iota3A, %add3A_29 : vector<16xi32>
    %add3A_31 = arith.constant 16 : i32
    %add3A_32 = vector.broadcast %add3A_31 : i32 to vector<16xi32>
    %add3A_33 = arith.addi %iota3A, %add3A_32 : vector<16xi32>
    %add3A_34 = arith.constant 32 : i32
    %add3A_35 = vector.broadcast %add3A_34 : i32 to vector<16xi32>
    %add3A_36 = arith.addi %iota3A, %add3A_35 : vector<16xi32>
    %add3A_37 = arith.constant 48 : i32
    %add3A_38 = vector.broadcast %add3A_37 : i32 to vector<16xi32>
    %add3A_39 = arith.addi %iota3A, %add3A_38 : vector<16xi32>
    %add3A_40 = arith.constant 64 : i32
    %add3A_41 = vector.broadcast %add3A_40 : i32 to vector<16xi32>
    %add3A_42 = arith.addi %iota3A, %add3A_41 : vector<16xi32>
    %add3A_43 = arith.constant 80 : i32
    %add3A_44 = vector.broadcast %add3A_43 : i32 to vector<16xi32>
    %add3A_45 = arith.addi %iota3A, %add3A_44 : vector<16xi32>
    %add3A_46 = arith.constant 96 : i32
    %add3A_47 = vector.broadcast %add3A_46 : i32 to vector<16xi32>
    %add3A_48 = arith.addi %iota3A, %add3A_47 : vector<16xi32>
    %add3A_49 = arith.constant 112 : i32
    %add3A_50 = vector.broadcast %add3A_49 : i32 to vector<16xi32>
    %add3A_51 = arith.addi %iota3A, %add3A_50 : vector<16xi32>
    %add3A_52 = arith.constant 128 : i32
    %add3A_53 = vector.broadcast %add3A_52 : i32 to vector<16xi32>
    %add3A_54 = arith.addi %iota3A, %add3A_53 : vector<16xi32>
    %add3A_55 = arith.constant 144 : i32
    %add3A_56 = vector.broadcast %add3A_55 : i32 to vector<16xi32>
    %add3A_57 = arith.addi %iota3A, %add3A_56 : vector<16xi32>
    %add3A_58 = arith.constant 160 : i32
    %add3A_59 = vector.broadcast %add3A_58 : i32 to vector<16xi32>
    %add3A_60 = arith.addi %iota3A, %add3A_59 : vector<16xi32>
    %add3A_61 = arith.constant 176 : i32
    %add3A_62 = vector.broadcast %add3A_61 : i32 to vector<16xi32>
    %add3A_63 = arith.addi %iota3A, %add3A_62 : vector<16xi32>
    %add3A_64 = arith.constant 192 : i32
    %add3A_65 = vector.broadcast %add3A_64 : i32 to vector<16xi32>
    %add3A_66 = arith.addi %iota3A, %add3A_65 : vector<16xi32>
    %add3A_67 = arith.constant 208 : i32
    %add3A_68 = vector.broadcast %add3A_67 : i32 to vector<16xi32>
    %add3A_69 = arith.addi %iota3A, %add3A_68 : vector<16xi32>
    %add3A_70 = arith.constant 224 : i32
    %add3A_71 = vector.broadcast %add3A_70 : i32 to vector<16xi32>
    %add3A_72 = arith.addi %iota3A, %add3A_71 : vector<16xi32>
    %add3A_73 = arith.constant 240 : i32
    %add3A_74 = vector.broadcast %add3A_73 : i32 to vector<16xi32>
    %add3A_75 = arith.addi %iota3A, %add3A_74 : vector<16xi32>
    %dma_start3A = arith.constant 0 : i32
    %dma_start3A_76 = tpu.memref_slice %arg8[%dma_start3A] : memref<1584xi32, #tpu.memory_space<vmem>> -> memref<48xi32, #tpu.memory_space<vmem>>
    %dma_start3A_77 = arith.constant 0 : i32
    %dma_start3A_78 = arith.constant 0 : i32
    %dma_start3A_79 = tpu.memref_slice %arg2[%dma_start3A_77, %dma_start3A_78] : memref<10240x256xf32, #tpu.memory_space<hbm>> -> memref<10240x256xf32, #tpu.memory_space<hbm>>
    tpu.enqueue_indirect_dma source(%dma_start3A_79 : memref<10240x256xf32, #tpu.memory_space<hbm>>) target(%arg10 : memref<48x256xf32, #tpu.memory_space<vmem>>) offsets(%dma_start3A_76 : memref<48xi32, #tpu.memory_space<vmem>>) semaphore(%arg13 : memref<!tpu.dma_semaphore, #tpu.memory_space<semaphore_mem>>)
    %scan3A_80 = arith.constant 0 : i32
    %scan3A_81 = arith.constant 16 : i32
    %scan3A_82 = arith.addi %scan3A_80, %scan3A_81 : i32
    %scan3A_83 = arith.constant 1 : i32
    scf.for %scan3A_89 = %scan3A_80 to %scan3A_82 step %scan3A_83  : i32 {
      %mul3A_90 = arith.constant 2 : i32
      %mul3A_91 = arith.muli %scan3A_89, %mul3A_90 : i32
      %mul3A_92 = arith.constant 48 : i32
      %mul3A_93 = arith.muli %mul3A_91, %mul3A_92 : i32
      %dma_wait3A_94 = tpu.memref_slice %arg8[%mul3A_93] : memref<1584xi32, #tpu.memory_space<vmem>> -> memref<48xi32, #tpu.memory_space<vmem>>
      %dma_wait3A_95 = arith.constant 0 : i32
      %dma_wait3A_96 = arith.constant 0 : i32
      %dma_wait3A_97 = tpu.memref_slice %arg2[%dma_wait3A_95, %dma_wait3A_96] : memref<10240x256xf32, #tpu.memory_space<hbm>> -> memref<10240x256xf32, #tpu.memory_space<hbm>>
      tpu.wait_indirect_dma semaphore(%arg13 : memref<!tpu.dma_semaphore, #tpu.memory_space<semaphore_mem>>) src(%dma_wait3A_97 : memref<10240x256xf32, #tpu.memory_space<hbm>>) dst(%arg10 : memref<48x256xf32, #tpu.memory_space<vmem>>)
      %add3A_98 = arith.constant 1 : i32
      %add3A_99 = arith.addi %mul3A_91, %add3A_98 : i32
      %mul3A_100 = arith.constant 48 : i32
      %mul3A_101 = arith.muli %add3A_99, %mul3A_100 : i32
      %dma_start3A_102 = tpu.memref_slice %arg8[%mul3A_101] : memref<1584xi32, #tpu.memory_space<vmem>> -> memref<48xi32, #tpu.memory_space<vmem>>
      %dma_start3A_103 = arith.constant 0 : i32
      %dma_start3A_104 = arith.constant 0 : i32
      %dma_start3A_105 = tpu.memref_slice %arg2[%dma_start3A_103, %dma_start3A_104] : memref<10240x256xf32, #tpu.memory_space<hbm>> -> memref<10240x256xf32, #tpu.memory_space<hbm>>
      tpu.enqueue_indirect_dma source(%dma_start3A_105 : memref<10240x256xf32, #tpu.memory_space<hbm>>) target(%arg11 : memref<48x256xf32, #tpu.memory_space<vmem>>) offsets(%dma_start3A_102 : memref<48xi32, #tpu.memory_space<vmem>>) semaphore(%arg14 : memref<!tpu.dma_semaphore, #tpu.memory_space<semaphore_mem>>)
      %scan3A_106 = arith.constant 0 : i32
      %scan3A_107 = arith.constant 48 : i32
      %scan3A_108 = arith.addi %scan3A_106, %scan3A_107 : i32
      %scan3A_109 = arith.constant 1 : i32
      scf.for %scan3A_134 = %scan3A_106 to %scan3A_108 step %scan3A_109  : i32 {
        %mul3A_135 = arith.constant 48 : i32
        %mul3A_136 = arith.muli %mul3A_91, %mul3A_135 : i32
        %add3A_137 = arith.addi %mul3A_136, %scan3A_134 : i32
        %mul3A_138 = vector.broadcast %add3A_137 : i32 to vector<16xi32>
        %mul3A_139 = arith.muli %broadcast_in_dim3A_27, %mul3A_138 : vector<16xi32>
        %gather3A = tpu.vector_load_idx %arg9[%mul3A_139] : memref<1584xi32, #tpu.memory_space<vmem>>[vector<16xi32>], vector<16xi32>,
        %get3A = arith.index_cast %scan3A_134 : i32 to index
        %get3A_140 = arith.constant 0 : index
        %get3A_141 = tpu.vector_load %arg10[%get3A, %get3A_140] {strides = array<i32>} : memref<48x256xf32, #tpu.memory_space<vmem>>, vector<16xf32>,
        tpu.vector_store_idx %arg12[%gather3A, %add3A_30], %get3A_141 {add = true} : memref<72x256xf32, #tpu.memory_space<vmem>>[vector<16xi32>, vector<16xi32>], vector<16xf32>,
        %get3A_142 = arith.index_cast %scan3A_134 : i32 to index
        %get3A_143 = arith.constant 16 : index
        %get3A_144 = tpu.vector_load %arg10[%get3A_142, %get3A_143] {strides = array<i32>} : memref<48x256xf32, #tpu.memory_space<vmem>>, vector<16xf32>,
        tpu.vector_store_idx %arg12[%gather3A, %add3A_33], %get3A_144 {add = true} : memref<72x256xf32, #tpu.memory_space<vmem>>[vector<16xi32>, vector<16xi32>], vector<16xf32>,
        %get3A_145 = arith.index_cast %scan3A_134 : i32 to index
        %get3A_146 = arith.constant 32 : index
        %get3A_147 = tpu.vector_load %arg10[%get3A_145, %get3A_146] {strides = array<i32>} : memref<48x256xf32, #tpu.memory_space<vmem>>, vector<16xf32>,
        tpu.vector_store_idx %arg12[%gather3A, %add3A_36], %get3A_147 {add = true} : memref<72x256xf32, #tpu.memory_space<vmem>>[vector<16xi32>, vector<16xi32>], vector<16xf32>,
        %get3A_148 = arith.index_cast %scan3A_134 : i32 to index
        %get3A_149 = arith.constant 48 : index
        %get3A_150 = tpu.vector_load %arg10[%get3A_148, %get3A_149] {strides = array<i32>} : memref<48x256xf32, #tpu.memory_space<vmem>>, vector<16xf32>,
        tpu.vector_store_idx %arg12[%gather3A, %add3A_39], %get3A_150 {add = true} : memref<72x256xf32, #tpu.memory_space<vmem>>[vector<16xi32>, vector<16xi32>], vector<16xf32>,
        %get3A_151 = arith.index_cast %scan3A_134 : i32 to index
        %get3A_152 = arith.constant 64 : index
        %get3A_153 = tpu.vector_load %arg10[%get3A_151, %get3A_152] {strides = array<i32>} : memref<48x256xf32, #tpu.memory_space<vmem>>, vector<16xf32>,
        tpu.vector_store_idx %arg12[%gather3A, %add3A_42], %get3A_153 {add = true} : memref<72x256xf32, #tpu.memory_space<vmem>>[vector<16xi32>, vector<16xi32>], vector<16xf32>,
        %get3A_154 = arith.index_cast %scan3A_134 : i32 to index
        %get3A_155 = arith.constant 80 : index
        %get3A_156 = tpu.vector_load %arg10[%get3A_154, %get3A_155] {strides = array<i32>} : memref<48x256xf32, #tpu.memory_space<vmem>>, vector<16xf32>,
        tpu.vector_store_idx %arg12[%gather3A, %add3A_45], %get3A_156 {add = true} : memref<72x256xf32, #tpu.memory_space<vmem>>[vector<16xi32>, vector<16xi32>], vector<16xf32>,
        %get3A_157 = arith.index_cast %scan3A_134 : i32 to index
        %get3A_158 = arith.constant 96 : index
        %get3A_159 = tpu.vector_load %arg10[%get3A_157, %get3A_158] {strides = array<i32>} : memref<48x256xf32, #tpu.memory_space<vmem>>, vector<16xf32>,
        tpu.vector_store_idx %arg12[%gather3A, %add3A_48], %get3A_159 {add = true} : memref<72x256xf32, #tpu.memory_space<vmem>>[vector<16xi32>, vector<16xi32>], vector<16xf32>,
        %get3A_160 = arith.index_cast %scan3A_134 : i32 to index
        %get3A_161 = arith.constant 112 : index
        %get3A_162 = tpu.vector_load %arg10[%get3A_160, %get3A_161] {strides = array<i32>} : memref<48x256xf32, #tpu.memory_space<vmem>>, vector<16xf32>,
        tpu.vector_store_idx %arg12[%gather3A, %add3A_51], %get3A_162 {add = true} : memref<72x256xf32, #tpu.memory_space<vmem>>[vector<16xi32>, vector<16xi32>], vector<16xf32>,
        %get3A_163 = arith.index_cast %scan3A_134 : i32 to index
        %get3A_164 = arith.constant 128 : index
        %get3A_165 = tpu.vector_load %arg10[%get3A_163, %get3A_164] {strides = array<i32>} : memref<48x256xf32, #tpu.memory_space<vmem>>, vector<16xf32>,
        tpu.vector_store_idx %arg12[%gather3A, %add3A_54], %get3A_165 {add = true} : memref<72x256xf32, #tpu.memory_space<vmem>>[vector<16xi32>, vector<16xi32>], vector<16xf32>,
        %get3A_166 = arith.index_cast %scan3A_134 : i32 to index
        %get3A_167 = arith.constant 144 : index
        %get3A_168 = tpu.vector_load %arg10[%get3A_166, %get3A_167] {strides = array<i32>} : memref<48x256xf32, #tpu.memory_space<vmem>>, vector<16xf32>,
        tpu.vector_store_idx %arg12[%gather3A, %add3A_57], %get3A_168 {add = true} : memref<72x256xf32, #tpu.memory_space<vmem>>[vector<16xi32>, vector<16xi32>], vector<16xf32>,
        %get3A_169 = arith.index_cast %scan3A_134 : i32 to index
        %get3A_170 = arith.constant 160 : index
        %get3A_171 = tpu.vector_load %arg10[%get3A_169, %get3A_170] {strides = array<i32>} : memref<48x256xf32, #tpu.memory_space<vmem>>, vector<16xf32>,
        tpu.vector_store_idx %arg12[%gather3A, %add3A_60], %get3A_171 {add = true} : memref<72x256xf32, #tpu.memory_space<vmem>>[vector<16xi32>, vector<16xi32>], vector<16xf32>,
        %get3A_172 = arith.index_cast %scan3A_134 : i32 to index
        %get3A_173 = arith.constant 176 : index
        %get3A_174 = tpu.vector_load %arg10[%get3A_172, %get3A_173] {strides = array<i32>} : memref<48x256xf32, #tpu.memory_space<vmem>>, vector<16xf32>,
        tpu.vector_store_idx %arg12[%gather3A, %add3A_63], %get3A_174 {add = true} : memref<72x256xf32, #tpu.memory_space<vmem>>[vector<16xi32>, vector<16xi32>], vector<16xf32>,
        %get3A_175 = arith.index_cast %scan3A_134 : i32 to index
        %get3A_176 = arith.constant 192 : index
        %get3A_177 = tpu.vector_load %arg10[%get3A_175, %get3A_176] {strides = array<i32>} : memref<48x256xf32, #tpu.memory_space<vmem>>, vector<16xf32>,
        tpu.vector_store_idx %arg12[%gather3A, %add3A_66], %get3A_177 {add = true} : memref<72x256xf32, #tpu.memory_space<vmem>>[vector<16xi32>, vector<16xi32>], vector<16xf32>,
        %get3A_178 = arith.index_cast %scan3A_134 : i32 to index
        %get3A_179 = arith.constant 208 : index
        %get3A_180 = tpu.vector_load %arg10[%get3A_178, %get3A_179] {strides = array<i32>} : memref<48x256xf32, #tpu.memory_space<vmem>>, vector<16xf32>,
        tpu.vector_store_idx %arg12[%gather3A, %add3A_69], %get3A_180 {add = true} : memref<72x256xf32, #tpu.memory_space<vmem>>[vector<16xi32>, vector<16xi32>], vector<16xf32>,
        %get3A_181 = arith.index_cast %scan3A_134 : i32 to index
        %get3A_182 = arith.constant 224 : index
        %get3A_183 = tpu.vector_load %arg10[%get3A_181, %get3A_182] {strides = array<i32>} : memref<48x256xf32, #tpu.memory_space<vmem>>, vector<16xf32>,
        tpu.vector_store_idx %arg12[%gather3A, %add3A_72], %get3A_183 {add = true} : memref<72x256xf32, #tpu.memory_space<vmem>>[vector<16xi32>, vector<16xi32>], vector<16xf32>,
        %get3A_184 = arith.index_cast %scan3A_134 : i32 to index
        %get3A_185 = arith.constant 240 : index
        %get3A_186 = tpu.vector_load %arg10[%get3A_184, %get3A_185] {strides = array<i32>} : memref<48x256xf32, #tpu.memory_space<vmem>>, vector<16xf32>,
        tpu.vector_store_idx %arg12[%gather3A, %add3A_75], %get3A_186 {add = true} : memref<72x256xf32, #tpu.memory_space<vmem>>[vector<16xi32>, vector<16xi32>], vector<16xf32>,
      }
      %scan3A_110 = arith.constant 48 : i32
      %add3A_111 = arith.constant 1 : i32
      %add3A_112 = arith.addi %mul3A_91, %add3A_111 : i32
      %mul3A_113 = arith.constant 48 : i32
      %mul3A_114 = arith.muli %add3A_112, %mul3A_113 : i32
      %dma_wait3A_115 = tpu.memref_slice %arg8[%mul3A_114] : memref<1584xi32, #tpu.memory_space<vmem>> -> memref<48xi32, #tpu.memory_space<vmem>>
      %dma_wait3A_116 = arith.constant 0 : i32
      %dma_wait3A_117 = arith.constant 0 : i32
      %dma_wait3A_118 = tpu.memref_slice %arg2[%dma_wait3A_116, %dma_wait3A_117] : memref<10240x256xf32, #tpu.memory_space<hbm>> -> memref<10240x256xf32, #tpu.memory_space<hbm>>
      tpu.wait_indirect_dma semaphore(%arg14 : memref<!tpu.dma_semaphore, #tpu.memory_space<semaphore_mem>>) src(%dma_wait3A_118 : memref<10240x256xf32, #tpu.memory_space<hbm>>) dst(%arg11 : memref<48x256xf32, #tpu.memory_space<vmem>>)
      %add3A_119 = arith.constant 2 : i32
      %add3A_120 = arith.addi %mul3A_91, %add3A_119 : i32
      %mul3A_121 = arith.constant 48 : i32
      %mul3A_122 = arith.muli %add3A_120, %mul3A_121 : i32
      %dma_start3A_123 = tpu.memref_slice %arg8[%mul3A_122] : memref<1584xi32, #tpu.memory_space<vmem>> -> memref<48xi32, #tpu.memory_space<vmem>>
      %dma_start3A_124 = arith.constant 0 : i32
      %dma_start3A_125 = arith.constant 0 : i32
      %dma_start3A_126 = tpu.memref_slice %arg2[%dma_start3A_124, %dma_start3A_125] : memref<10240x256xf32, #tpu.memory_space<hbm>> -> memref<10240x256xf32, #tpu.memory_space<hbm>>
      tpu.enqueue_indirect_dma source(%dma_start3A_126 : memref<10240x256xf32, #tpu.memory_space<hbm>>) target(%arg10 : memref<48x256xf32, #tpu.memory_space<vmem>>) offsets(%dma_start3A_123 : memref<48xi32, #tpu.memory_space<vmem>>) semaphore(%arg13 : memref<!tpu.dma_semaphore, #tpu.memory_space<semaphore_mem>>)
      %add3A_127 = arith.constant 1 : i32
      %add3A_128 = arith.addi %mul3A_91, %add3A_127 : i32
      %scan3A_129 = arith.constant 0 : i32
      %scan3A_130 = arith.constant 48 : i32
      %scan3A_131 = arith.addi %scan3A_129, %scan3A_130 : i32
      %scan3A_132 = arith.constant 1 : i32
      scf.for %scan3A_134 = %scan3A_129 to %scan3A_131 step %scan3A_132  : i32 {
        %mul3A_135 = arith.constant 48 : i32
        %mul3A_136 = arith.muli %add3A_128, %mul3A_135 : i32
        %add3A_137 = arith.addi %mul3A_136, %scan3A_134 : i32
        %mul3A_138 = vector.broadcast %add3A_137 : i32 to vector<16xi32>
        %mul3A_139 = arith.muli %broadcast_in_dim3A_27, %mul3A_138 : vector<16xi32>
        %gather3A = tpu.vector_load_idx %arg9[%mul3A_139] : memref<1584xi32, #tpu.memory_space<vmem>>[vector<16xi32>], vector<16xi32>,
        %get3A = arith.index_cast %scan3A_134 : i32 to index
        %get3A_140 = arith.constant 0 : index
        %get3A_141 = tpu.vector_load %arg11[%get3A, %get3A_140] {strides = array<i32>} : memref<48x256xf32, #tpu.memory_space<vmem>>, vector<16xf32>,
        tpu.vector_store_idx %arg12[%gather3A, %add3A_30], %get3A_141 {add = true} : memref<72x256xf32, #tpu.memory_space<vmem>>[vector<16xi32>, vector<16xi32>], vector<16xf32>,
        %get3A_142 = arith.index_cast %scan3A_134 : i32 to index
        %get3A_143 = arith.constant 16 : index
        %get3A_144 = tpu.vector_load %arg11[%get3A_142, %get3A_143] {strides = array<i32>} : memref<48x256xf32, #tpu.memory_space<vmem>>, vector<16xf32>,
        tpu.vector_store_idx %arg12[%gather3A, %add3A_33], %get3A_144 {add = true} : memref<72x256xf32, #tpu.memory_space<vmem>>[vector<16xi32>, vector<16xi32>], vector<16xf32>,
        %get3A_145 = arith.index_cast %scan3A_134 : i32 to index
        %get3A_146 = arith.constant 32 : index
        %get3A_147 = tpu.vector_load %arg11[%get3A_145, %get3A_146] {strides = array<i32>} : memref<48x256xf32, #tpu.memory_space<vmem>>, vector<16xf32>,
        tpu.vector_store_idx %arg12[%gather3A, %add3A_36], %get3A_147 {add = true} : memref<72x256xf32, #tpu.memory_space<vmem>>[vector<16xi32>, vector<16xi32>], vector<16xf32>,
        %get3A_148 = arith.index_cast %scan3A_134 : i32 to index
        %get3A_149 = arith.constant 48 : index
        %get3A_150 = tpu.vector_load %arg11[%get3A_148, %get3A_149] {strides = array<i32>} : memref<48x256xf32, #tpu.memory_space<vmem>>, vector<16xf32>,
        tpu.vector_store_idx %arg12[%gather3A, %add3A_39], %get3A_150 {add = true} : memref<72x256xf32, #tpu.memory_space<vmem>>[vector<16xi32>, vector<16xi32>], vector<16xf32>,
        %get3A_151 = arith.index_cast %scan3A_134 : i32 to index
        %get3A_152 = arith.constant 64 : index
        %get3A_153 = tpu.vector_load %arg11[%get3A_151, %get3A_152] {strides = array<i32>} : memref<48x256xf32, #tpu.memory_space<vmem>>, vector<16xf32>,
        tpu.vector_store_idx %arg12[%gather3A, %add3A_42], %get3A_153 {add = true} : memref<72x256xf32, #tpu.memory_space<vmem>>[vector<16xi32>, vector<16xi32>], vector<16xf32>,
        %get3A_154 = arith.index_cast %scan3A_134 : i32 to index
        %get3A_155 = arith.constant 80 : index
        %get3A_156 = tpu.vector_load %arg11[%get3A_154, %get3A_155] {strides = array<i32>} : memref<48x256xf32, #tpu.memory_space<vmem>>, vector<16xf32>,
        tpu.vector_store_idx %arg12[%gather3A, %add3A_45], %get3A_156 {add = true} : memref<72x256xf32, #tpu.memory_space<vmem>>[vector<16xi32>, vector<16xi32>], vector<16xf32>,
        %get3A_157 = arith.index_cast %scan3A_134 : i32 to index
        %get3A_158 = arith.constant 96 : index
        %get3A_159 = tpu.vector_load %arg11[%get3A_157, %get3A_158] {strides = array<i32>} : memref<48x256xf32, #tpu.memory_space<vmem>>, vector<16xf32>,
        tpu.vector_store_idx %arg12[%gather3A, %add3A_48], %get3A_159 {add = true} : memref<72x256xf32, #tpu.memory_space<vmem>>[vector<16xi32>, vector<16xi32>], vector<16xf32>,
        %get3A_160 = arith.index_cast %scan3A_134 : i32 to index
        %get3A_161 = arith.constant 112 : index
        %get3A_162 = tpu.vector_load %arg11[%get3A_160, %get3A_161] {strides = array<i32>} : memref<48x256xf32, #tpu.memory_space<vmem>>, vector<16xf32>,
        tpu.vector_store_idx %arg12[%gather3A, %add3A_51], %get3A_162 {add = true} : memref<72x256xf32, #tpu.memory_space<vmem>>[vector<16xi32>, vector<16xi32>], vector<16xf32>,
        %get3A_163 = arith.index_cast %scan3A_134 : i32 to index
        %get3A_164 = arith.constant 128 : index
        %get3A_165 = tpu.vector_load %arg11[%get3A_163, %get3A_164] {strides = array<i32>} : memref<48x256xf32, #tpu.memory_space<vmem>>, vector<16xf32>,
        tpu.vector_store_idx %arg12[%gather3A, %add3A_54], %get3A_165 {add = true} : memref<72x256xf32, #tpu.memory_space<vmem>>[vector<16xi32>, vector<16xi32>], vector<16xf32>,
        %get3A_166 = arith.index_cast %scan3A_134 : i32 to index
        %get3A_167 = arith.constant 144 : index
        %get3A_168 = tpu.vector_load %arg11[%get3A_166, %get3A_167] {strides = array<i32>} : memref<48x256xf32, #tpu.memory_space<vmem>>, vector<16xf32>,
        tpu.vector_store_idx %arg12[%gather3A, %add3A_57], %get3A_168 {add = true} : memref<72x256xf32, #tpu.memory_space<vmem>>[vector<16xi32>, vector<16xi32>], vector<16xf32>,
        %get3A_169 = arith.index_cast %scan3A_134 : i32 to index
        %get3A_170 = arith.constant 160 : index
        %get3A_171 = tpu.vector_load %arg11[%get3A_169, %get3A_170] {strides = array<i32>} : memref<48x256xf32, #tpu.memory_space<vmem>>, vector<16xf32>,
        tpu.vector_store_idx %arg12[%gather3A, %add3A_60], %get3A_171 {add = true} : memref<72x256xf32, #tpu.memory_space<vmem>>[vector<16xi32>, vector<16xi32>], vector<16xf32>,
        %get3A_172 = arith.index_cast %scan3A_134 : i32 to index
        %get3A_173 = arith.constant 176 : index
        %get3A_174 = tpu.vector_load %arg11[%get3A_172, %get3A_173] {strides = array<i32>} : memref<48x256xf32, #tpu.memory_space<vmem>>, vector<16xf32>,
        tpu.vector_store_idx %arg12[%gather3A, %add3A_63], %get3A_174 {add = true} : memref<72x256xf32, #tpu.memory_space<vmem>>[vector<16xi32>, vector<16xi32>], vector<16xf32>,
        %get3A_175 = arith.index_cast %scan3A_134 : i32 to index
        %get3A_176 = arith.constant 192 : index
        %get3A_177 = tpu.vector_load %arg11[%get3A_175, %get3A_176] {strides = array<i32>} : memref<48x256xf32, #tpu.memory_space<vmem>>, vector<16xf32>,
        tpu.vector_store_idx %arg12[%gather3A, %add3A_66], %get3A_177 {add = true} : memref<72x256xf32, #tpu.memory_space<vmem>>[vector<16xi32>, vector<16xi32>], vector<16xf32>,
        %get3A_178 = arith.index_cast %scan3A_134 : i32 to index
        %get3A_179 = arith.constant 208 : index
        %get3A_180 = tpu.vector_load %arg11[%get3A_178, %get3A_179] {strides = array<i32>} : memref<48x256xf32, #tpu.memory_space<vmem>>, vector<16xf32>,
        tpu.vector_store_idx %arg12[%gather3A, %add3A_69], %get3A_180 {add = true} : memref<72x256xf32, #tpu.memory_space<vmem>>[vector<16xi32>, vector<16xi32>], vector<16xf32>,
        %get3A_181 = arith.index_cast %scan3A_134 : i32 to index
        %get3A_182 = arith.constant 224 : index
        %get3A_183 = tpu.vector_load %arg11[%get3A_181, %get3A_182] {strides = array<i32>} : memref<48x256xf32, #tpu.memory_space<vmem>>, vector<16xf32>,
        tpu.vector_store_idx %arg12[%gather3A, %add3A_72], %get3A_183 {add = true} : memref<72x256xf32, #tpu.memory_space<vmem>>[vector<16xi32>, vector<16xi32>], vector<16xf32>,
        %get3A_184 = arith.index_cast %scan3A_134 : i32 to index
        %get3A_185 = arith.constant 240 : index
        %get3A_186 = tpu.vector_load %arg11[%get3A_184, %get3A_185] {strides = array<i32>} : memref<48x256xf32, #tpu.memory_space<vmem>>, vector<16xf32>,
        tpu.vector_store_idx %arg12[%gather3A, %add3A_75], %get3A_186 {add = true} : memref<72x256xf32, #tpu.memory_space<vmem>>[vector<16xi32>, vector<16xi32>], vector<16xf32>,
      }
      %scan3A_133 = arith.constant 48 : i32
    }
    %scan3A_84 = arith.constant 16 : i32
    %dma_wait3A = arith.constant 1536 : i32
    %dma_wait3A_85 = tpu.memref_slice %arg8[%dma_wait3A] : memref<1584xi32, #tpu.memory_space<vmem>> -> memref<48xi32, #tpu.memory_space<vmem>>
    %dma_wait3A_86 = arith.constant 0 : i32
    %dma_wait3A_87 = arith.constant 0 : i32
    %dma_wait3A_88 = tpu.memref_slice %arg2[%dma_wait3A_86, %dma_wait3A_87] : memref<10240x256xf32, #tpu.memory_space<hbm>> -> memref<10240x256xf32, #tpu.memory_space<hbm>>
    tpu.wait_indirect_dma semaphore(%arg13 : memref<!tpu.dma_semaphore, #tpu.memory_space<semaphore_mem>>) src(%dma_wait3A_88 : memref<10240x256xf32, #tpu.memory_space<hbm>>) dst(%arg10 : memref<48x256xf32, #tpu.memory_space<vmem>>)
    "tpu.region"() ({
      %run_scoped3A = tpu.sem_alloc : memref<!tpu.dma_semaphore, #tpu.memory_space<semaphore_mem>>
      %dma_start3A_89 = arith.constant 0 : i32
      %dma_start3A_90 = arith.constant 0 : i32
      %dma_start3A_91 = tpu.memref_slice %arg12[%dma_start3A_89, %dma_start3A_90] : memref<72x256xf32, #tpu.memory_space<vmem>> -> memref<64x256xf32, #tpu.memory_space<vmem>>
      %dma_start3A_92 = arith.constant 0 : i32
      %dma_start3A_93 = tpu.memref_slice %arg5[%mul3A_2, %dma_start3A_92] : memref<2048x256xf32, #tpu.memory_space<hbm>> -> memref<64x256xf32, #tpu.memory_space<hbm>>
      %dma_start3A_94 = arith.constant 0 : i32
      %dma_start3A_95 = tpu.memref_slice %arg5[%mul3A_2, %dma_start3A_94] : memref<2048x256xf32, #tpu.memory_space<hbm>> -> memref<64x256xf32, #tpu.memory_space<hbm>>
      %dma_start3A_96 = arith.constant 0 : i32
      %dma_start3A_97 = arith.constant 0 : i32
      %dma_start3A_98 = tpu.memref_slice %arg12[%dma_start3A_96, %dma_start3A_97] : memref<72x256xf32, #tpu.memory_space<vmem>> -> memref<64x256xf32, #tpu.memory_space<vmem>>
      tpu.enqueue_dma source(%dma_start3A_98 : memref<64x256xf32, #tpu.memory_space<vmem>>) target(%dma_start3A_95 : memref<64x256xf32, #tpu.memory_space<hbm>>) target_semaphore(%run_scoped3A : memref<!tpu.dma_semaphore, #tpu.memory_space<semaphore_mem>>)
      %dma_wait3A_99 = arith.constant 0 : i32
      %dma_wait3A_100 = arith.constant 0 : i32
      %dma_wait3A_101 = tpu.memref_slice %arg12[%dma_wait3A_99, %dma_wait3A_100] : memref<72x256xf32, #tpu.memory_space<vmem>> -> memref<64x256xf32, #tpu.memory_space<vmem>>
      %dma_wait3A_102 = arith.constant 0 : i32
      %dma_wait3A_103 = tpu.memref_slice %arg5[%mul3A_2, %dma_wait3A_102] : memref<2048x256xf32, #tpu.memory_space<hbm>> -> memref<64x256xf32, #tpu.memory_space<hbm>>
      %dma_wait3A_104 = arith.constant 0 : i32
      %dma_wait3A_105 = tpu.memref_slice %arg5[%mul3A_2, %dma_wait3A_104] : memref<2048x256xf32, #tpu.memory_space<hbm>> -> memref<64x256xf32, #tpu.memory_space<hbm>>
      %dma_wait3A_106 = arith.constant 0 : i32
      %dma_wait3A_107 = arith.constant 0 : i32
      %dma_wait3A_108 = tpu.memref_slice %arg12[%dma_wait3A_106, %dma_wait3A_107] : memref<72x256xf32, #tpu.memory_space<vmem>> -> memref<64x256xf32, #tpu.memory_space<vmem>>
      tpu.wait_dma2 semaphore(%run_scoped3A : memref<!tpu.dma_semaphore, #tpu.memory_space<semaphore_mem>>) src(%dma_wait3A_108 : memref<64x256xf32, #tpu.memory_space<vmem>>) dst(%dma_wait3A_105 : memref<64x256xf32, #tpu.memory_space<hbm>>)
      tpu.yield
    }) : () -> ()
    return
  }
}

#map = affine_map<(d0, d1) -> (0, 0)>
module attributes {stable_mosaic.version = 14 : i64} {
  func.func @k(%arg0: i32, %arg1: i32, %arg2: memref<50000x256xf32, #tpu.memory_space<hbm>>, %arg3: memref<1280x128xi32, #tpu.memory_space<hbm>>, %arg4: memref<1280x128xi32, #tpu.memory_space<hbm>>, %arg5: memref<10240x256xf32, #tpu.memory_space<hbm>>, %arg6: memref<16x128xi32, #tpu.memory_space<vmem>>, %arg7: memref<16x128xi32, #tpu.memory_space<vmem>>, %arg8: memref<5712xi32, #tpu.memory_space<vmem>>, %arg9: memref<5712xi32, #tpu.memory_space<vmem>>, %arg10: memref<48x256xf32, #tpu.memory_space<vmem>>, %arg11: memref<48x256xf32, #tpu.memory_space<vmem>>, %arg12: memref<328x256xf32, #tpu.memory_space<vmem>>, %arg13: memref<!tpu.dma_semaphore, #tpu.memory_space<semaphore_mem>>, %arg14: memref<!tpu.dma_semaphore, #tpu.memory_space<semaphore_mem>>) attributes {dimension_semantics = [#tpu.dimension_semantics<core_parallel>, #tpu.dimension_semantics<subcore_parallel>], iteration_bounds = array<i64: 2, 16>, scalar_prefetch = 0 : i64, scratch_operands = 9 : i64, tpu.core_type = #tpu.core_type<sc_vector_subcore>, window_params = [{transform_indices = #map}, {transform_indices = #map}, {transform_indices = #map}, {transform_indices = #map}]} {
    %mul3A = arith.constant 16 : i32
    %mul3A_0 = arith.muli %arg0, %mul3A : i32
    %add3A = arith.addi %mul3A_0, %arg1 : i32
    %mul3A_1 = arith.constant 320 : i32
    %mul3A_2 = arith.muli %add3A, %mul3A_1 : i32
    %iota3A = tpu.iota {dimensions = array<i32: 0>} : vector<16xi32>
    %broadcast_in_dim3A = arith.constant 0.000000e+00 : f32
    %broadcast_in_dim3A_3 = vector.broadcast %broadcast_in_dim3A : f32 to vector<16xf32>
    %broadcast_in_dim3A_4 = arith.constant 0 : i32
    %broadcast_in_dim3A_5 = vector.broadcast %broadcast_in_dim3A_4 : i32 to vector<16xi32>
    %add3A_6 = arith.constant 320 : i32
    %add3A_7 = vector.broadcast %add3A_6 : i32 to vector<16xi32>
    %add3A_8 = arith.addi %broadcast_in_dim3A_5, %add3A_7 : vector<16xi32>
    %scan3A = arith.constant 0 : i32
    %scan3A_9 = arith.constant 321 : i32
    %scan3A_10 = arith.addi %scan3A, %scan3A_9 : i32
    %scan3A_11 = arith.constant 1 : i32
    scf.for %scan3A_89 = %scan3A to %scan3A_10 step %scan3A_11  : i32 {
      %swap3A = arith.index_cast %scan3A_89 : i32 to index
      %swap3A_90 = arith.constant 0 : index
      %swap3A_91 = tpu.vector_load %arg12[%swap3A, %swap3A_90] {strides = array<i32>} : memref<328x256xf32, #tpu.memory_space<vmem>>, vector<16xf32>,
      tpu.vector_store %arg12[%swap3A, %swap3A_90], %broadcast_in_dim3A_3 {strides = array<i32>} : memref<328x256xf32, #tpu.memory_space<vmem>>, vector<16xf32>,
      %swap3A_92 = arith.index_cast %scan3A_89 : i32 to index
      %swap3A_93 = arith.constant 16 : index
      %swap3A_94 = tpu.vector_load %arg12[%swap3A_92, %swap3A_93] {strides = array<i32>} : memref<328x256xf32, #tpu.memory_space<vmem>>, vector<16xf32>,
      tpu.vector_store %arg12[%swap3A_92, %swap3A_93], %broadcast_in_dim3A_3 {strides = array<i32>} : memref<328x256xf32, #tpu.memory_space<vmem>>, vector<16xf32>,
      %swap3A_95 = arith.index_cast %scan3A_89 : i32 to index
      %swap3A_96 = arith.constant 32 : index
      %swap3A_97 = tpu.vector_load %arg12[%swap3A_95, %swap3A_96] {strides = array<i32>} : memref<328x256xf32, #tpu.memory_space<vmem>>, vector<16xf32>,
      tpu.vector_store %arg12[%swap3A_95, %swap3A_96], %broadcast_in_dim3A_3 {strides = array<i32>} : memref<328x256xf32, #tpu.memory_space<vmem>>, vector<16xf32>,
      %swap3A_98 = arith.index_cast %scan3A_89 : i32 to index
      %swap3A_99 = arith.constant 48 : index
      %swap3A_100 = tpu.vector_load %arg12[%swap3A_98, %swap3A_99] {strides = array<i32>} : memref<328x256xf32, #tpu.memory_space<vmem>>, vector<16xf32>,
      tpu.vector_store %arg12[%swap3A_98, %swap3A_99], %broadcast_in_dim3A_3 {strides = array<i32>} : memref<328x256xf32, #tpu.memory_space<vmem>>, vector<16xf32>,
      %swap3A_101 = arith.index_cast %scan3A_89 : i32 to index
      %swap3A_102 = arith.constant 64 : index
      %swap3A_103 = tpu.vector_load %arg12[%swap3A_101, %swap3A_102] {strides = array<i32>} : memref<328x256xf32, #tpu.memory_space<vmem>>, vector<16xf32>,
      tpu.vector_store %arg12[%swap3A_101, %swap3A_102], %broadcast_in_dim3A_3 {strides = array<i32>} : memref<328x256xf32, #tpu.memory_space<vmem>>, vector<16xf32>,
      %swap3A_104 = arith.index_cast %scan3A_89 : i32 to index
      %swap3A_105 = arith.constant 80 : index
      %swap3A_106 = tpu.vector_load %arg12[%swap3A_104, %swap3A_105] {strides = array<i32>} : memref<328x256xf32, #tpu.memory_space<vmem>>, vector<16xf32>,
      tpu.vector_store %arg12[%swap3A_104, %swap3A_105], %broadcast_in_dim3A_3 {strides = array<i32>} : memref<328x256xf32, #tpu.memory_space<vmem>>, vector<16xf32>,
      %swap3A_107 = arith.index_cast %scan3A_89 : i32 to index
      %swap3A_108 = arith.constant 96 : index
      %swap3A_109 = tpu.vector_load %arg12[%swap3A_107, %swap3A_108] {strides = array<i32>} : memref<328x256xf32, #tpu.memory_space<vmem>>, vector<16xf32>,
      tpu.vector_store %arg12[%swap3A_107, %swap3A_108], %broadcast_in_dim3A_3 {strides = array<i32>} : memref<328x256xf32, #tpu.memory_space<vmem>>, vector<16xf32>,
      %swap3A_110 = arith.index_cast %scan3A_89 : i32 to index
      %swap3A_111 = arith.constant 112 : index
      %swap3A_112 = tpu.vector_load %arg12[%swap3A_110, %swap3A_111] {strides = array<i32>} : memref<328x256xf32, #tpu.memory_space<vmem>>, vector<16xf32>,
      tpu.vector_store %arg12[%swap3A_110, %swap3A_111], %broadcast_in_dim3A_3 {strides = array<i32>} : memref<328x256xf32, #tpu.memory_space<vmem>>, vector<16xf32>,
      %swap3A_113 = arith.index_cast %scan3A_89 : i32 to index
      %swap3A_114 = arith.constant 128 : index
      %swap3A_115 = tpu.vector_load %arg12[%swap3A_113, %swap3A_114] {strides = array<i32>} : memref<328x256xf32, #tpu.memory_space<vmem>>, vector<16xf32>,
      tpu.vector_store %arg12[%swap3A_113, %swap3A_114], %broadcast_in_dim3A_3 {strides = array<i32>} : memref<328x256xf32, #tpu.memory_space<vmem>>, vector<16xf32>,
      %swap3A_116 = arith.index_cast %scan3A_89 : i32 to index
      %swap3A_117 = arith.constant 144 : index
      %swap3A_118 = tpu.vector_load %arg12[%swap3A_116, %swap3A_117] {strides = array<i32>} : memref<328x256xf32, #tpu.memory_space<vmem>>, vector<16xf32>,
      tpu.vector_store %arg12[%swap3A_116, %swap3A_117], %broadcast_in_dim3A_3 {strides = array<i32>} : memref<328x256xf32, #tpu.memory_space<vmem>>, vector<16xf32>,
      %swap3A_119 = arith.index_cast %scan3A_89 : i32 to index
      %swap3A_120 = arith.constant 160 : index
      %swap3A_121 = tpu.vector_load %arg12[%swap3A_119, %swap3A_120] {strides = array<i32>} : memref<328x256xf32, #tpu.memory_space<vmem>>, vector<16xf32>,
      tpu.vector_store %arg12[%swap3A_119, %swap3A_120], %broadcast_in_dim3A_3 {strides = array<i32>} : memref<328x256xf32, #tpu.memory_space<vmem>>, vector<16xf32>,
      %swap3A_122 = arith.index_cast %scan3A_89 : i32 to index
      %swap3A_123 = arith.constant 176 : index
      %swap3A_124 = tpu.vector_load %arg12[%swap3A_122, %swap3A_123] {strides = array<i32>} : memref<328x256xf32, #tpu.memory_space<vmem>>, vector<16xf32>,
      tpu.vector_store %arg12[%swap3A_122, %swap3A_123], %broadcast_in_dim3A_3 {strides = array<i32>} : memref<328x256xf32, #tpu.memory_space<vmem>>, vector<16xf32>,
      %swap3A_125 = arith.index_cast %scan3A_89 : i32 to index
      %swap3A_126 = arith.constant 192 : index
      %swap3A_127 = tpu.vector_load %arg12[%swap3A_125, %swap3A_126] {strides = array<i32>} : memref<328x256xf32, #tpu.memory_space<vmem>>, vector<16xf32>,
      tpu.vector_store %arg12[%swap3A_125, %swap3A_126], %broadcast_in_dim3A_3 {strides = array<i32>} : memref<328x256xf32, #tpu.memory_space<vmem>>, vector<16xf32>,
      %swap3A_128 = arith.index_cast %scan3A_89 : i32 to index
      %swap3A_129 = arith.constant 208 : index
      %swap3A_130 = tpu.vector_load %arg12[%swap3A_128, %swap3A_129] {strides = array<i32>} : memref<328x256xf32, #tpu.memory_space<vmem>>, vector<16xf32>,
      tpu.vector_store %arg12[%swap3A_128, %swap3A_129], %broadcast_in_dim3A_3 {strides = array<i32>} : memref<328x256xf32, #tpu.memory_space<vmem>>, vector<16xf32>,
      %swap3A_131 = arith.index_cast %scan3A_89 : i32 to index
      %swap3A_132 = arith.constant 224 : index
      %swap3A_133 = tpu.vector_load %arg12[%swap3A_131, %swap3A_132] {strides = array<i32>} : memref<328x256xf32, #tpu.memory_space<vmem>>, vector<16xf32>,
      tpu.vector_store %arg12[%swap3A_131, %swap3A_132], %broadcast_in_dim3A_3 {strides = array<i32>} : memref<328x256xf32, #tpu.memory_space<vmem>>, vector<16xf32>,
      %swap3A_134 = arith.index_cast %scan3A_89 : i32 to index
      %swap3A_135 = arith.constant 240 : index
      %swap3A_136 = tpu.vector_load %arg12[%swap3A_134, %swap3A_135] {strides = array<i32>} : memref<328x256xf32, #tpu.memory_space<vmem>>, vector<16xf32>,
      tpu.vector_store %arg12[%swap3A_134, %swap3A_135], %broadcast_in_dim3A_3 {strides = array<i32>} : memref<328x256xf32, #tpu.memory_space<vmem>>, vector<16xf32>,
    }
    %scan3A_12 = arith.constant 321 : i32
    %scan3A_13 = arith.constant 0 : i32
    %scan3A_14 = arith.constant 357 : i32
    %scan3A_15 = arith.addi %scan3A_13, %scan3A_14 : i32
    %scan3A_16 = arith.constant 1 : i32
    scf.for %scan3A_89 = %scan3A_13 to %scan3A_15 step %scan3A_16  : i32 {
      %mul3A_90 = arith.constant 16 : i32
      %mul3A_91 = arith.muli %scan3A_89, %mul3A_90 : i32
      %swap3A = arith.index_cast %mul3A_91 : i32 to index
      %swap3A_92 = tpu.vector_load %arg8[%swap3A] {strides = array<i32>} : memref<5712xi32, #tpu.memory_space<vmem>>, vector<16xi32>,
      tpu.vector_store %arg8[%swap3A], %broadcast_in_dim3A_5 {strides = array<i32>} : memref<5712xi32, #tpu.memory_space<vmem>>, vector<16xi32>,
      %mul3A_93 = arith.constant 16 : i32
      %mul3A_94 = arith.muli %scan3A_89, %mul3A_93 : i32
      %swap3A_95 = arith.index_cast %mul3A_94 : i32 to index
      %swap3A_96 = tpu.vector_load %arg9[%swap3A_95] {strides = array<i32>} : memref<5712xi32, #tpu.memory_space<vmem>>, vector<16xi32>,
      tpu.vector_store %arg9[%swap3A_95], %add3A_8 {strides = array<i32>} : memref<5712xi32, #tpu.memory_space<vmem>>, vector<16xi32>,
    }
    %scan3A_17 = arith.constant 357 : i32
    %broadcast_in_dim3A_18 = arith.constant -1 : i32
    %broadcast_in_dim3A_19 = vector.broadcast %broadcast_in_dim3A_18 : i32 to vector<16xi32>
    %scan3A_20 = arith.constant 0 : i32
    %scan3A_21 = arith.constant 80 : i32
    %scan3A_22 = arith.addi %scan3A_20, %scan3A_21 : i32
    %scan3A_23 = arith.constant 1 : i32
    %scan3A_24 = scf.for %scan3A_89 = %scan3A_20 to %scan3A_22 step %scan3A_23 iter_args(%scan3A_90 = %broadcast_in_dim3A_19) -> (vector<16xi32>)  : i32 {
      %mul3A_91 = arith.constant 16 : i32
      %mul3A_92 = arith.muli %scan3A_89, %mul3A_91 : i32
      "tpu.region"() ({
        %run_scoped3A = tpu.sem_alloc : memref<!tpu.dma_semaphore, #tpu.memory_space<semaphore_mem>>
        %dma_start3A_101 = arith.constant 0 : i32
        %dma_start3A_102 = tpu.memref_slice %arg3[%mul3A_92, %dma_start3A_101] : memref<1280x128xi32, #tpu.memory_space<hbm>> -> memref<16x128xi32, #tpu.memory_space<hbm>>
        %dma_start3A_103 = arith.constant 0 : i32
        %dma_start3A_104 = tpu.memref_slice %arg3[%mul3A_92, %dma_start3A_103] : memref<1280x128xi32, #tpu.memory_space<hbm>> -> memref<16x128xi32, #tpu.memory_space<hbm>>
        tpu.enqueue_dma source(%dma_start3A_104 : memref<16x128xi32, #tpu.memory_space<hbm>>) target(%arg6 : memref<16x128xi32, #tpu.memory_space<vmem>>) target_semaphore(%run_scoped3A : memref<!tpu.dma_semaphore, #tpu.memory_space<semaphore_mem>>)
        %dma_wait3A_105 = arith.constant 0 : i32
        %dma_wait3A_106 = tpu.memref_slice %arg3[%mul3A_92, %dma_wait3A_105] : memref<1280x128xi32, #tpu.memory_space<hbm>> -> memref<16x128xi32, #tpu.memory_space<hbm>>
        %dma_wait3A_107 = arith.constant 0 : i32
        %dma_wait3A_108 = tpu.memref_slice %arg3[%mul3A_92, %dma_wait3A_107] : memref<1280x128xi32, #tpu.memory_space<hbm>> -> memref<16x128xi32, #tpu.memory_space<hbm>>
        tpu.wait_dma2 semaphore(%run_scoped3A : memref<!tpu.dma_semaphore, #tpu.memory_space<semaphore_mem>>) src(%dma_wait3A_108 : memref<16x128xi32, #tpu.memory_space<hbm>>) dst(%arg6 : memref<16x128xi32, #tpu.memory_space<vmem>>)
        tpu.yield
      }) : () -> ()
      %mul3A_93 = arith.constant 16 : i32
      %mul3A_94 = arith.muli %scan3A_89, %mul3A_93 : i32
      "tpu.region"() ({
        %run_scoped3A = tpu.sem_alloc : memref<!tpu.dma_semaphore, #tpu.memory_space<semaphore_mem>>
        %dma_start3A_101 = arith.constant 0 : i32
        %dma_start3A_102 = tpu.memref_slice %arg4[%mul3A_94, %dma_start3A_101] : memref<1280x128xi32, #tpu.memory_space<hbm>> -> memref<16x128xi32, #tpu.memory_space<hbm>>
        %dma_start3A_103 = arith.constant 0 : i32
        %dma_start3A_104 = tpu.memref_slice %arg4[%mul3A_94, %dma_start3A_103] : memref<1280x128xi32, #tpu.memory_space<hbm>> -> memref<16x128xi32, #tpu.memory_space<hbm>>
        tpu.enqueue_dma source(%dma_start3A_104 : memref<16x128xi32, #tpu.memory_space<hbm>>) target(%arg7 : memref<16x128xi32, #tpu.memory_space<vmem>>) target_semaphore(%run_scoped3A : memref<!tpu.dma_semaphore, #tpu.memory_space<semaphore_mem>>)
        %dma_wait3A_105 = arith.constant 0 : i32
        %dma_wait3A_106 = tpu.memref_slice %arg4[%mul3A_94, %dma_wait3A_105] : memref<1280x128xi32, #tpu.memory_space<hbm>> -> memref<16x128xi32, #tpu.memory_space<hbm>>
        %dma_wait3A_107 = arith.constant 0 : i32
        %dma_wait3A_108 = tpu.memref_slice %arg4[%mul3A_94, %dma_wait3A_107] : memref<1280x128xi32, #tpu.memory_space<hbm>> -> memref<16x128xi32, #tpu.memory_space<hbm>>
        tpu.wait_dma2 semaphore(%run_scoped3A : memref<!tpu.dma_semaphore, #tpu.memory_space<semaphore_mem>>) src(%dma_wait3A_108 : memref<16x128xi32, #tpu.memory_space<hbm>>) dst(%arg7 : memref<16x128xi32, #tpu.memory_space<vmem>>)
        tpu.yield
      }) : () -> ()
      %scan3A_95 = arith.constant 0 : i32
      %scan3A_96 = arith.constant 16 : i32
      %scan3A_97 = arith.addi %scan3A_95, %scan3A_96 : i32
      %scan3A_98 = arith.constant 1 : i32
      %scan3A_99 = scf.for %scan3A_101 = %scan3A_95 to %scan3A_97 step %scan3A_98 iter_args(%scan3A_102 = %scan3A_90) -> (vector<16xi32>)  : i32 {
        %get3A = arith.index_cast %scan3A_101 : i32 to index
        %get3A_103 = arith.constant 0 : index
        %get3A_104 = tpu.vector_load %arg7[%get3A, %get3A_103] {strides = array<i32>} : memref<16x128xi32, #tpu.memory_space<vmem>>, vector<16xi32>,
        %get3A_105 = arith.index_cast %scan3A_101 : i32 to index
        %get3A_106 = arith.constant 0 : index
        %get3A_107 = tpu.vector_load %arg6[%get3A_105, %get3A_106] {strides = array<i32>} : memref<16x128xi32, #tpu.memory_space<vmem>>, vector<16xi32>,
        %sub3A = vector.broadcast %mul3A_2 : i32 to vector<16xi32>
        %sub3A_108 = arith.subi %get3A_104, %sub3A : vector<16xi32>
        %bitcast3A = vector.bitcast %sub3A_108 : vector<16xi32> to vector<16xi32>
        %lt3A = arith.constant 320 : i32
        %lt3A_109 = vector.broadcast %lt3A : i32 to vector<16xi32>
        %lt3A_110 = arith.cmpi ult, %bitcast3A, %lt3A_109 : vector<16xi32>
        %jit3A = arith.constant 1 : i32
        %jit3A_111 = arith.constant 0 : i32
        %broadcast_in_dim3A_112 = vector.broadcast %jit3A : i32 to vector<16xi32>
        %broadcast_in_dim3A_113 = vector.broadcast %jit3A_111 : i32 to vector<16xi32>
        %select_n3A = arith.select %lt3A_110, %broadcast_in_dim3A_112, %broadcast_in_dim3A_113 : vector<16xi1>, vector<16xi32>
        %broadcast_in_dim3A_114 = arith.constant true
        %broadcast_in_dim3A_115 = vector.broadcast %broadcast_in_dim3A_114 : i1 to vector<16xi1>
        %masked_cumsum3A = tpu.scan <sum>, %select_n3A masked %broadcast_in_dim3A_115 : vector<16xi32>, vector<16xi1> -> vector<16xi32>
        %add3A_116 = arith.addi %scan3A_102, %masked_cumsum3A : vector<16xi32>
        %min3A = arith.constant 5663 : i32
        %min3A_117 = vector.broadcast %min3A : i32 to vector<16xi32>
        %min3A_118 = arith.minsi %add3A_116, %min3A_117 : vector<16xi32>
        tpu.vector_store_idx %arg8[%min3A_118], %get3A_107 masked %lt3A_110 : memref<5712xi32, #tpu.memory_space<vmem>>[vector<16xi32>], vector<16xi32>, vector<16xi1>
        tpu.vector_store_idx %arg9[%min3A_118], %sub3A_108 masked %lt3A_110 : memref<5712xi32, #tpu.memory_space<vmem>>[vector<16xi32>], vector<16xi32>, vector<16xi1>
        %all_reduce_population_count3A = tpu.all_reduce %lt3A_110 {dim = 0 : i64, kind = #tpu.reduction_kind<sum>} : vector<16xi1> -> vector<16xi32>
        %add3A_119 = arith.addi %scan3A_102, %all_reduce_population_count3A : vector<16xi32>
        %get3A_120 = arith.index_cast %scan3A_101 : i32 to index
        %get3A_121 = arith.constant 16 : index
        %get3A_122 = tpu.vector_load %arg7[%get3A_120, %get3A_121] {strides = array<i32>} : memref<16x128xi32, #tpu.memory_space<vmem>>, vector<16xi32>,
        %get3A_123 = arith.index_cast %scan3A_101 : i32 to index
        %get3A_124 = arith.constant 16 : index
        %get3A_125 = tpu.vector_load %arg6[%get3A_123, %get3A_124] {strides = array<i32>} : memref<16x128xi32, #tpu.memory_space<vmem>>, vector<16xi32>,
        %sub3A_126 = vector.broadcast %mul3A_2 : i32 to vector<16xi32>
        %sub3A_127 = arith.subi %get3A_122, %sub3A_126 : vector<16xi32>
        %bitcast3A_128 = vector.bitcast %sub3A_127 : vector<16xi32> to vector<16xi32>
        %lt3A_129 = arith.constant 320 : i32
        %lt3A_130 = vector.broadcast %lt3A_129 : i32 to vector<16xi32>
        %lt3A_131 = arith.cmpi ult, %bitcast3A_128, %lt3A_130 : vector<16xi32>
        %jit3A_132 = arith.constant 1 : i32
        %jit3A_133 = arith.constant 0 : i32
        %broadcast_in_dim3A_134 = vector.broadcast %jit3A_132 : i32 to vector<16xi32>
        %broadcast_in_dim3A_135 = vector.broadcast %jit3A_133 : i32 to vector<16xi32>
        %select_n3A_136 = arith.select %lt3A_131, %broadcast_in_dim3A_134, %broadcast_in_dim3A_135 : vector<16xi1>, vector<16xi32>
        %broadcast_in_dim3A_137 = arith.constant true
        %broadcast_in_dim3A_138 = vector.broadcast %broadcast_in_dim3A_137 : i1 to vector<16xi1>
        %masked_cumsum3A_139 = tpu.scan <sum>, %select_n3A_136 masked %broadcast_in_dim3A_138 : vector<16xi32>, vector<16xi1> -> vector<16xi32>
        %add3A_140 = arith.addi %add3A_119, %masked_cumsum3A_139 : vector<16xi32>
        %min3A_141 = arith.constant 5663 : i32
        %min3A_142 = vector.broadcast %min3A_141 : i32 to vector<16xi32>
        %min3A_143 = arith.minsi %add3A_140, %min3A_142 : vector<16xi32>
        tpu.vector_store_idx %arg8[%min3A_143], %get3A_125 masked %lt3A_131 : memref<5712xi32, #tpu.memory_space<vmem>>[vector<16xi32>], vector<16xi32>, vector<16xi1>
        tpu.vector_store_idx %arg9[%min3A_143], %sub3A_127 masked %lt3A_131 : memref<5712xi32, #tpu.memory_space<vmem>>[vector<16xi32>], vector<16xi32>, vector<16xi1>
        %all_reduce_population_count3A_144 = tpu.all_reduce %lt3A_131 {dim = 0 : i64, kind = #tpu.reduction_kind<sum>} : vector<16xi1> -> vector<16xi32>
        %add3A_145 = arith.addi %add3A_119, %all_reduce_population_count3A_144 : vector<16xi32>
        %get3A_146 = arith.index_cast %scan3A_101 : i32 to index
        %get3A_147 = arith.constant 32 : index
        %get3A_148 = tpu.vector_load %arg7[%get3A_146, %get3A_147] {strides = array<i32>} : memref<16x128xi32, #tpu.memory_space<vmem>>, vector<16xi32>,
        %get3A_149 = arith.index_cast %scan3A_101 : i32 to index
        %get3A_150 = arith.constant 32 : index
        %get3A_151 = tpu.vector_load %arg6[%get3A_149, %get3A_150] {strides = array<i32>} : memref<16x128xi32, #tpu.memory_space<vmem>>, vector<16xi32>,
        %sub3A_152 = vector.broadcast %mul3A_2 : i32 to vector<16xi32>
        %sub3A_153 = arith.subi %get3A_148, %sub3A_152 : vector<16xi32>
        %bitcast3A_154 = vector.bitcast %sub3A_153 : vector<16xi32> to vector<16xi32>
        %lt3A_155 = arith.constant 320 : i32
        %lt3A_156 = vector.broadcast %lt3A_155 : i32 to vector<16xi32>
        %lt3A_157 = arith.cmpi ult, %bitcast3A_154, %lt3A_156 : vector<16xi32>
        %jit3A_158 = arith.constant 1 : i32
        %jit3A_159 = arith.constant 0 : i32
        %broadcast_in_dim3A_160 = vector.broadcast %jit3A_158 : i32 to vector<16xi32>
        %broadcast_in_dim3A_161 = vector.broadcast %jit3A_159 : i32 to vector<16xi32>
        %select_n3A_162 = arith.select %lt3A_157, %broadcast_in_dim3A_160, %broadcast_in_dim3A_161 : vector<16xi1>, vector<16xi32>
        %broadcast_in_dim3A_163 = arith.constant true
        %broadcast_in_dim3A_164 = vector.broadcast %broadcast_in_dim3A_163 : i1 to vector<16xi1>
        %masked_cumsum3A_165 = tpu.scan <sum>, %select_n3A_162 masked %broadcast_in_dim3A_164 : vector<16xi32>, vector<16xi1> -> vector<16xi32>
        %add3A_166 = arith.addi %add3A_145, %masked_cumsum3A_165 : vector<16xi32>
        %min3A_167 = arith.constant 5663 : i32
        %min3A_168 = vector.broadcast %min3A_167 : i32 to vector<16xi32>
        %min3A_169 = arith.minsi %add3A_166, %min3A_168 : vector<16xi32>
        tpu.vector_store_idx %arg8[%min3A_169], %get3A_151 masked %lt3A_157 : memref<5712xi32, #tpu.memory_space<vmem>>[vector<16xi32>], vector<16xi32>, vector<16xi1>
        tpu.vector_store_idx %arg9[%min3A_169], %sub3A_153 masked %lt3A_157 : memref<5712xi32, #tpu.memory_space<vmem>>[vector<16xi32>], vector<16xi32>, vector<16xi1>
        %all_reduce_population_count3A_170 = tpu.all_reduce %lt3A_157 {dim = 0 : i64, kind = #tpu.reduction_kind<sum>} : vector<16xi1> -> vector<16xi32>
        %add3A_171 = arith.addi %add3A_145, %all_reduce_population_count3A_170 : vector<16xi32>
        %get3A_172 = arith.index_cast %scan3A_101 : i32 to index
        %get3A_173 = arith.constant 48 : index
        %get3A_174 = tpu.vector_load %arg7[%get3A_172, %get3A_173] {strides = array<i32>} : memref<16x128xi32, #tpu.memory_space<vmem>>, vector<16xi32>,
        %get3A_175 = arith.index_cast %scan3A_101 : i32 to index
        %get3A_176 = arith.constant 48 : index
        %get3A_177 = tpu.vector_load %arg6[%get3A_175, %get3A_176] {strides = array<i32>} : memref<16x128xi32, #tpu.memory_space<vmem>>, vector<16xi32>,
        %sub3A_178 = vector.broadcast %mul3A_2 : i32 to vector<16xi32>
        %sub3A_179 = arith.subi %get3A_174, %sub3A_178 : vector<16xi32>
        %bitcast3A_180 = vector.bitcast %sub3A_179 : vector<16xi32> to vector<16xi32>
        %lt3A_181 = arith.constant 320 : i32
        %lt3A_182 = vector.broadcast %lt3A_181 : i32 to vector<16xi32>
        %lt3A_183 = arith.cmpi ult, %bitcast3A_180, %lt3A_182 : vector<16xi32>
        %jit3A_184 = arith.constant 1 : i32
        %jit3A_185 = arith.constant 0 : i32
        %broadcast_in_dim3A_186 = vector.broadcast %jit3A_184 : i32 to vector<16xi32>
        %broadcast_in_dim3A_187 = vector.broadcast %jit3A_185 : i32 to vector<16xi32>
        %select_n3A_188 = arith.select %lt3A_183, %broadcast_in_dim3A_186, %broadcast_in_dim3A_187 : vector<16xi1>, vector<16xi32>
        %broadcast_in_dim3A_189 = arith.constant true
        %broadcast_in_dim3A_190 = vector.broadcast %broadcast_in_dim3A_189 : i1 to vector<16xi1>
        %masked_cumsum3A_191 = tpu.scan <sum>, %select_n3A_188 masked %broadcast_in_dim3A_190 : vector<16xi32>, vector<16xi1> -> vector<16xi32>
        %add3A_192 = arith.addi %add3A_171, %masked_cumsum3A_191 : vector<16xi32>
        %min3A_193 = arith.constant 5663 : i32
        %min3A_194 = vector.broadcast %min3A_193 : i32 to vector<16xi32>
        %min3A_195 = arith.minsi %add3A_192, %min3A_194 : vector<16xi32>
        tpu.vector_store_idx %arg8[%min3A_195], %get3A_177 masked %lt3A_183 : memref<5712xi32, #tpu.memory_space<vmem>>[vector<16xi32>], vector<16xi32>, vector<16xi1>
        tpu.vector_store_idx %arg9[%min3A_195], %sub3A_179 masked %lt3A_183 : memref<5712xi32, #tpu.memory_space<vmem>>[vector<16xi32>], vector<16xi32>, vector<16xi1>
        %all_reduce_population_count3A_196 = tpu.all_reduce %lt3A_183 {dim = 0 : i64, kind = #tpu.reduction_kind<sum>} : vector<16xi1> -> vector<16xi32>
        %add3A_197 = arith.addi %add3A_171, %all_reduce_population_count3A_196 : vector<16xi32>
        %get3A_198 = arith.index_cast %scan3A_101 : i32 to index
        %get3A_199 = arith.constant 64 : index
        %get3A_200 = tpu.vector_load %arg7[%get3A_198, %get3A_199] {strides = array<i32>} : memref<16x128xi32, #tpu.memory_space<vmem>>, vector<16xi32>,
        %get3A_201 = arith.index_cast %scan3A_101 : i32 to index
        %get3A_202 = arith.constant 64 : index
        %get3A_203 = tpu.vector_load %arg6[%get3A_201, %get3A_202] {strides = array<i32>} : memref<16x128xi32, #tpu.memory_space<vmem>>, vector<16xi32>,
        %sub3A_204 = vector.broadcast %mul3A_2 : i32 to vector<16xi32>
        %sub3A_205 = arith.subi %get3A_200, %sub3A_204 : vector<16xi32>
        %bitcast3A_206 = vector.bitcast %sub3A_205 : vector<16xi32> to vector<16xi32>
        %lt3A_207 = arith.constant 320 : i32
        %lt3A_208 = vector.broadcast %lt3A_207 : i32 to vector<16xi32>
        %lt3A_209 = arith.cmpi ult, %bitcast3A_206, %lt3A_208 : vector<16xi32>
        %jit3A_210 = arith.constant 1 : i32
        %jit3A_211 = arith.constant 0 : i32
        %broadcast_in_dim3A_212 = vector.broadcast %jit3A_210 : i32 to vector<16xi32>
        %broadcast_in_dim3A_213 = vector.broadcast %jit3A_211 : i32 to vector<16xi32>
        %select_n3A_214 = arith.select %lt3A_209, %broadcast_in_dim3A_212, %broadcast_in_dim3A_213 : vector<16xi1>, vector<16xi32>
        %broadcast_in_dim3A_215 = arith.constant true
        %broadcast_in_dim3A_216 = vector.broadcast %broadcast_in_dim3A_215 : i1 to vector<16xi1>
        %masked_cumsum3A_217 = tpu.scan <sum>, %select_n3A_214 masked %broadcast_in_dim3A_216 : vector<16xi32>, vector<16xi1> -> vector<16xi32>
        %add3A_218 = arith.addi %add3A_197, %masked_cumsum3A_217 : vector<16xi32>
        %min3A_219 = arith.constant 5663 : i32
        %min3A_220 = vector.broadcast %min3A_219 : i32 to vector<16xi32>
        %min3A_221 = arith.minsi %add3A_218, %min3A_220 : vector<16xi32>
        tpu.vector_store_idx %arg8[%min3A_221], %get3A_203 masked %lt3A_209 : memref<5712xi32, #tpu.memory_space<vmem>>[vector<16xi32>], vector<16xi32>, vector<16xi1>
        tpu.vector_store_idx %arg9[%min3A_221], %sub3A_205 masked %lt3A_209 : memref<5712xi32, #tpu.memory_space<vmem>>[vector<16xi32>], vector<16xi32>, vector<16xi1>
        %all_reduce_population_count3A_222 = tpu.all_reduce %lt3A_209 {dim = 0 : i64, kind = #tpu.reduction_kind<sum>} : vector<16xi1> -> vector<16xi32>
        %add3A_223 = arith.addi %add3A_197, %all_reduce_population_count3A_222 : vector<16xi32>
        %get3A_224 = arith.index_cast %scan3A_101 : i32 to index
        %get3A_225 = arith.constant 80 : index
        %get3A_226 = tpu.vector_load %arg7[%get3A_224, %get3A_225] {strides = array<i32>} : memref<16x128xi32, #tpu.memory_space<vmem>>, vector<16xi32>,
        %get3A_227 = arith.index_cast %scan3A_101 : i32 to index
        %get3A_228 = arith.constant 80 : index
        %get3A_229 = tpu.vector_load %arg6[%get3A_227, %get3A_228] {strides = array<i32>} : memref<16x128xi32, #tpu.memory_space<vmem>>, vector<16xi32>,
        %sub3A_230 = vector.broadcast %mul3A_2 : i32 to vector<16xi32>
        %sub3A_231 = arith.subi %get3A_226, %sub3A_230 : vector<16xi32>
        %bitcast3A_232 = vector.bitcast %sub3A_231 : vector<16xi32> to vector<16xi32>
        %lt3A_233 = arith.constant 320 : i32
        %lt3A_234 = vector.broadcast %lt3A_233 : i32 to vector<16xi32>
        %lt3A_235 = arith.cmpi ult, %bitcast3A_232, %lt3A_234 : vector<16xi32>
        %jit3A_236 = arith.constant 1 : i32
        %jit3A_237 = arith.constant 0 : i32
        %broadcast_in_dim3A_238 = vector.broadcast %jit3A_236 : i32 to vector<16xi32>
        %broadcast_in_dim3A_239 = vector.broadcast %jit3A_237 : i32 to vector<16xi32>
        %select_n3A_240 = arith.select %lt3A_235, %broadcast_in_dim3A_238, %broadcast_in_dim3A_239 : vector<16xi1>, vector<16xi32>
        %broadcast_in_dim3A_241 = arith.constant true
        %broadcast_in_dim3A_242 = vector.broadcast %broadcast_in_dim3A_241 : i1 to vector<16xi1>
        %masked_cumsum3A_243 = tpu.scan <sum>, %select_n3A_240 masked %broadcast_in_dim3A_242 : vector<16xi32>, vector<16xi1> -> vector<16xi32>
        %add3A_244 = arith.addi %add3A_223, %masked_cumsum3A_243 : vector<16xi32>
        %min3A_245 = arith.constant 5663 : i32
        %min3A_246 = vector.broadcast %min3A_245 : i32 to vector<16xi32>
        %min3A_247 = arith.minsi %add3A_244, %min3A_246 : vector<16xi32>
        tpu.vector_store_idx %arg8[%min3A_247], %get3A_229 masked %lt3A_235 : memref<5712xi32, #tpu.memory_space<vmem>>[vector<16xi32>], vector<16xi32>, vector<16xi1>
        tpu.vector_store_idx %arg9[%min3A_247], %sub3A_231 masked %lt3A_235 : memref<5712xi32, #tpu.memory_space<vmem>>[vector<16xi32>], vector<16xi32>, vector<16xi1>
        %all_reduce_population_count3A_248 = tpu.all_reduce %lt3A_235 {dim = 0 : i64, kind = #tpu.reduction_kind<sum>} : vector<16xi1> -> vector<16xi32>
        %add3A_249 = arith.addi %add3A_223, %all_reduce_population_count3A_248 : vector<16xi32>
        %get3A_250 = arith.index_cast %scan3A_101 : i32 to index
        %get3A_251 = arith.constant 96 : index
        %get3A_252 = tpu.vector_load %arg7[%get3A_250, %get3A_251] {strides = array<i32>} : memref<16x128xi32, #tpu.memory_space<vmem>>, vector<16xi32>,
        %get3A_253 = arith.index_cast %scan3A_101 : i32 to index
        %get3A_254 = arith.constant 96 : index
        %get3A_255 = tpu.vector_load %arg6[%get3A_253, %get3A_254] {strides = array<i32>} : memref<16x128xi32, #tpu.memory_space<vmem>>, vector<16xi32>,
        %sub3A_256 = vector.broadcast %mul3A_2 : i32 to vector<16xi32>
        %sub3A_257 = arith.subi %get3A_252, %sub3A_256 : vector<16xi32>
        %bitcast3A_258 = vector.bitcast %sub3A_257 : vector<16xi32> to vector<16xi32>
        %lt3A_259 = arith.constant 320 : i32
        %lt3A_260 = vector.broadcast %lt3A_259 : i32 to vector<16xi32>
        %lt3A_261 = arith.cmpi ult, %bitcast3A_258, %lt3A_260 : vector<16xi32>
        %jit3A_262 = arith.constant 1 : i32
        %jit3A_263 = arith.constant 0 : i32
        %broadcast_in_dim3A_264 = vector.broadcast %jit3A_262 : i32 to vector<16xi32>
        %broadcast_in_dim3A_265 = vector.broadcast %jit3A_263 : i32 to vector<16xi32>
        %select_n3A_266 = arith.select %lt3A_261, %broadcast_in_dim3A_264, %broadcast_in_dim3A_265 : vector<16xi1>, vector<16xi32>
        %broadcast_in_dim3A_267 = arith.constant true
        %broadcast_in_dim3A_268 = vector.broadcast %broadcast_in_dim3A_267 : i1 to vector<16xi1>
        %masked_cumsum3A_269 = tpu.scan <sum>, %select_n3A_266 masked %broadcast_in_dim3A_268 : vector<16xi32>, vector<16xi1> -> vector<16xi32>
        %add3A_270 = arith.addi %add3A_249, %masked_cumsum3A_269 : vector<16xi32>
        %min3A_271 = arith.constant 5663 : i32
        %min3A_272 = vector.broadcast %min3A_271 : i32 to vector<16xi32>
        %min3A_273 = arith.minsi %add3A_270, %min3A_272 : vector<16xi32>
        tpu.vector_store_idx %arg8[%min3A_273], %get3A_255 masked %lt3A_261 : memref<5712xi32, #tpu.memory_space<vmem>>[vector<16xi32>], vector<16xi32>, vector<16xi1>
        tpu.vector_store_idx %arg9[%min3A_273], %sub3A_257 masked %lt3A_261 : memref<5712xi32, #tpu.memory_space<vmem>>[vector<16xi32>], vector<16xi32>, vector<16xi1>
        %all_reduce_population_count3A_274 = tpu.all_reduce %lt3A_261 {dim = 0 : i64, kind = #tpu.reduction_kind<sum>} : vector<16xi1> -> vector<16xi32>
        %add3A_275 = arith.addi %add3A_249, %all_reduce_population_count3A_274 : vector<16xi32>
        %get3A_276 = arith.index_cast %scan3A_101 : i32 to index
        %get3A_277 = arith.constant 112 : index
        %get3A_278 = tpu.vector_load %arg7[%get3A_276, %get3A_277] {strides = array<i32>} : memref<16x128xi32, #tpu.memory_space<vmem>>, vector<16xi32>,
        %get3A_279 = arith.index_cast %scan3A_101 : i32 to index
        %get3A_280 = arith.constant 112 : index
        %get3A_281 = tpu.vector_load %arg6[%get3A_279, %get3A_280] {strides = array<i32>} : memref<16x128xi32, #tpu.memory_space<vmem>>, vector<16xi32>,
        %sub3A_282 = vector.broadcast %mul3A_2 : i32 to vector<16xi32>
        %sub3A_283 = arith.subi %get3A_278, %sub3A_282 : vector<16xi32>
        %bitcast3A_284 = vector.bitcast %sub3A_283 : vector<16xi32> to vector<16xi32>
        %lt3A_285 = arith.constant 320 : i32
        %lt3A_286 = vector.broadcast %lt3A_285 : i32 to vector<16xi32>
        %lt3A_287 = arith.cmpi ult, %bitcast3A_284, %lt3A_286 : vector<16xi32>
        %jit3A_288 = arith.constant 1 : i32
        %jit3A_289 = arith.constant 0 : i32
        %broadcast_in_dim3A_290 = vector.broadcast %jit3A_288 : i32 to vector<16xi32>
        %broadcast_in_dim3A_291 = vector.broadcast %jit3A_289 : i32 to vector<16xi32>
        %select_n3A_292 = arith.select %lt3A_287, %broadcast_in_dim3A_290, %broadcast_in_dim3A_291 : vector<16xi1>, vector<16xi32>
        %broadcast_in_dim3A_293 = arith.constant true
        %broadcast_in_dim3A_294 = vector.broadcast %broadcast_in_dim3A_293 : i1 to vector<16xi1>
        %masked_cumsum3A_295 = tpu.scan <sum>, %select_n3A_292 masked %broadcast_in_dim3A_294 : vector<16xi32>, vector<16xi1> -> vector<16xi32>
        %add3A_296 = arith.addi %add3A_275, %masked_cumsum3A_295 : vector<16xi32>
        %min3A_297 = arith.constant 5663 : i32
        %min3A_298 = vector.broadcast %min3A_297 : i32 to vector<16xi32>
        %min3A_299 = arith.minsi %add3A_296, %min3A_298 : vector<16xi32>
        tpu.vector_store_idx %arg8[%min3A_299], %get3A_281 masked %lt3A_287 : memref<5712xi32, #tpu.memory_space<vmem>>[vector<16xi32>], vector<16xi32>, vector<16xi1>
        tpu.vector_store_idx %arg9[%min3A_299], %sub3A_283 masked %lt3A_287 : memref<5712xi32, #tpu.memory_space<vmem>>[vector<16xi32>], vector<16xi32>, vector<16xi1>
        %all_reduce_population_count3A_300 = tpu.all_reduce %lt3A_287 {dim = 0 : i64, kind = #tpu.reduction_kind<sum>} : vector<16xi1> -> vector<16xi32>
        %add3A_301 = arith.addi %add3A_275, %all_reduce_population_count3A_300 : vector<16xi32>
        scf.yield %add3A_301 : vector<16xi32>
      }
      %scan3A_100 = arith.constant 16 : i32
      scf.yield %scan3A_99 : vector<16xi32>
    }
    %scan3A_25 = arith.constant 80 : i32
    %broadcast_in_dim3A_26 = arith.constant 1 : i32
    %broadcast_in_dim3A_27 = vector.broadcast %broadcast_in_dim3A_26 : i32 to vector<16xi32>
    %add3A_28 = arith.constant 0 : i32
    %add3A_29 = vector.broadcast %add3A_28 : i32 to vector<16xi32>
    %add3A_30 = arith.addi %iota3A, %add3A_29 : vector<16xi32>
    %add3A_31 = arith.constant 16 : i32
    %add3A_32 = vector.broadcast %add3A_31 : i32 to vector<16xi32>
    %add3A_33 = arith.addi %iota3A, %add3A_32 : vector<16xi32>
    %add3A_34 = arith.constant 32 : i32
    %add3A_35 = vector.broadcast %add3A_34 : i32 to vector<16xi32>
    %add3A_36 = arith.addi %iota3A, %add3A_35 : vector<16xi32>
    %add3A_37 = arith.constant 48 : i32
    %add3A_38 = vector.broadcast %add3A_37 : i32 to vector<16xi32>
    %add3A_39 = arith.addi %iota3A, %add3A_38 : vector<16xi32>
    %add3A_40 = arith.constant 64 : i32
    %add3A_41 = vector.broadcast %add3A_40 : i32 to vector<16xi32>
    %add3A_42 = arith.addi %iota3A, %add3A_41 : vector<16xi32>
    %add3A_43 = arith.constant 80 : i32
    %add3A_44 = vector.broadcast %add3A_43 : i32 to vector<16xi32>
    %add3A_45 = arith.addi %iota3A, %add3A_44 : vector<16xi32>
    %add3A_46 = arith.constant 96 : i32
    %add3A_47 = vector.broadcast %add3A_46 : i32 to vector<16xi32>
    %add3A_48 = arith.addi %iota3A, %add3A_47 : vector<16xi32>
    %add3A_49 = arith.constant 112 : i32
    %add3A_50 = vector.broadcast %add3A_49 : i32 to vector<16xi32>
    %add3A_51 = arith.addi %iota3A, %add3A_50 : vector<16xi32>
    %add3A_52 = arith.constant 128 : i32
    %add3A_53 = vector.broadcast %add3A_52 : i32 to vector<16xi32>
    %add3A_54 = arith.addi %iota3A, %add3A_53 : vector<16xi32>
    %add3A_55 = arith.constant 144 : i32
    %add3A_56 = vector.broadcast %add3A_55 : i32 to vector<16xi32>
    %add3A_57 = arith.addi %iota3A, %add3A_56 : vector<16xi32>
    %add3A_58 = arith.constant 160 : i32
    %add3A_59 = vector.broadcast %add3A_58 : i32 to vector<16xi32>
    %add3A_60 = arith.addi %iota3A, %add3A_59 : vector<16xi32>
    %add3A_61 = arith.constant 176 : i32
    %add3A_62 = vector.broadcast %add3A_61 : i32 to vector<16xi32>
    %add3A_63 = arith.addi %iota3A, %add3A_62 : vector<16xi32>
    %add3A_64 = arith.constant 192 : i32
    %add3A_65 = vector.broadcast %add3A_64 : i32 to vector<16xi32>
    %add3A_66 = arith.addi %iota3A, %add3A_65 : vector<16xi32>
    %add3A_67 = arith.constant 208 : i32
    %add3A_68 = vector.broadcast %add3A_67 : i32 to vector<16xi32>
    %add3A_69 = arith.addi %iota3A, %add3A_68 : vector<16xi32>
    %add3A_70 = arith.constant 224 : i32
    %add3A_71 = vector.broadcast %add3A_70 : i32 to vector<16xi32>
    %add3A_72 = arith.addi %iota3A, %add3A_71 : vector<16xi32>
    %add3A_73 = arith.constant 240 : i32
    %add3A_74 = vector.broadcast %add3A_73 : i32 to vector<16xi32>
    %add3A_75 = arith.addi %iota3A, %add3A_74 : vector<16xi32>
    %dma_start3A = arith.constant 0 : i32
    %dma_start3A_76 = tpu.memref_slice %arg8[%dma_start3A] : memref<5712xi32, #tpu.memory_space<vmem>> -> memref<48xi32, #tpu.memory_space<vmem>>
    %dma_start3A_77 = arith.constant 0 : i32
    %dma_start3A_78 = arith.constant 0 : i32
    %dma_start3A_79 = tpu.memref_slice %arg2[%dma_start3A_77, %dma_start3A_78] : memref<50000x256xf32, #tpu.memory_space<hbm>> -> memref<50000x256xf32, #tpu.memory_space<hbm>>
    tpu.enqueue_indirect_dma source(%dma_start3A_79 : memref<50000x256xf32, #tpu.memory_space<hbm>>) target(%arg10 : memref<48x256xf32, #tpu.memory_space<vmem>>) offsets(%dma_start3A_76 : memref<48xi32, #tpu.memory_space<vmem>>) semaphore(%arg13 : memref<!tpu.dma_semaphore, #tpu.memory_space<semaphore_mem>>)
    %scan3A_80 = arith.constant 0 : i32
    %scan3A_81 = arith.constant 59 : i32
    %scan3A_82 = arith.addi %scan3A_80, %scan3A_81 : i32
    %scan3A_83 = arith.constant 1 : i32
    scf.for %scan3A_89 = %scan3A_80 to %scan3A_82 step %scan3A_83  : i32 {
      %mul3A_90 = arith.constant 2 : i32
      %mul3A_91 = arith.muli %scan3A_89, %mul3A_90 : i32
      %mul3A_92 = arith.constant 48 : i32
      %mul3A_93 = arith.muli %mul3A_91, %mul3A_92 : i32
      %dma_wait3A_94 = tpu.memref_slice %arg8[%mul3A_93] : memref<5712xi32, #tpu.memory_space<vmem>> -> memref<48xi32, #tpu.memory_space<vmem>>
      %dma_wait3A_95 = arith.constant 0 : i32
      %dma_wait3A_96 = arith.constant 0 : i32
      %dma_wait3A_97 = tpu.memref_slice %arg2[%dma_wait3A_95, %dma_wait3A_96] : memref<50000x256xf32, #tpu.memory_space<hbm>> -> memref<50000x256xf32, #tpu.memory_space<hbm>>
      tpu.wait_indirect_dma semaphore(%arg13 : memref<!tpu.dma_semaphore, #tpu.memory_space<semaphore_mem>>) src(%dma_wait3A_97 : memref<50000x256xf32, #tpu.memory_space<hbm>>) dst(%arg10 : memref<48x256xf32, #tpu.memory_space<vmem>>)
      %add3A_98 = arith.constant 1 : i32
      %add3A_99 = arith.addi %mul3A_91, %add3A_98 : i32
      %mul3A_100 = arith.constant 48 : i32
      %mul3A_101 = arith.muli %add3A_99, %mul3A_100 : i32
      %dma_start3A_102 = tpu.memref_slice %arg8[%mul3A_101] : memref<5712xi32, #tpu.memory_space<vmem>> -> memref<48xi32, #tpu.memory_space<vmem>>
      %dma_start3A_103 = arith.constant 0 : i32
      %dma_start3A_104 = arith.constant 0 : i32
      %dma_start3A_105 = tpu.memref_slice %arg2[%dma_start3A_103, %dma_start3A_104] : memref<50000x256xf32, #tpu.memory_space<hbm>> -> memref<50000x256xf32, #tpu.memory_space<hbm>>
      tpu.enqueue_indirect_dma source(%dma_start3A_105 : memref<50000x256xf32, #tpu.memory_space<hbm>>) target(%arg11 : memref<48x256xf32, #tpu.memory_space<vmem>>) offsets(%dma_start3A_102 : memref<48xi32, #tpu.memory_space<vmem>>) semaphore(%arg14 : memref<!tpu.dma_semaphore, #tpu.memory_space<semaphore_mem>>)
      %scan3A_106 = arith.constant 0 : i32
      %scan3A_107 = arith.constant 48 : i32
      %scan3A_108 = arith.addi %scan3A_106, %scan3A_107 : i32
      %scan3A_109 = arith.constant 1 : i32
      scf.for %scan3A_134 = %scan3A_106 to %scan3A_108 step %scan3A_109  : i32 {
        %mul3A_135 = arith.constant 48 : i32
        %mul3A_136 = arith.muli %mul3A_91, %mul3A_135 : i32
        %add3A_137 = arith.addi %mul3A_136, %scan3A_134 : i32
        %mul3A_138 = vector.broadcast %add3A_137 : i32 to vector<16xi32>
        %mul3A_139 = arith.muli %broadcast_in_dim3A_27, %mul3A_138 : vector<16xi32>
        %gather3A = tpu.vector_load_idx %arg9[%mul3A_139] : memref<5712xi32, #tpu.memory_space<vmem>>[vector<16xi32>], vector<16xi32>,
        %get3A = arith.index_cast %scan3A_134 : i32 to index
        %get3A_140 = arith.constant 0 : index
        %get3A_141 = tpu.vector_load %arg10[%get3A, %get3A_140] {strides = array<i32>} : memref<48x256xf32, #tpu.memory_space<vmem>>, vector<16xf32>,
        tpu.vector_store_idx %arg12[%gather3A, %add3A_30], %get3A_141 {add = true} : memref<328x256xf32, #tpu.memory_space<vmem>>[vector<16xi32>, vector<16xi32>], vector<16xf32>,
        %get3A_142 = arith.index_cast %scan3A_134 : i32 to index
        %get3A_143 = arith.constant 16 : index
        %get3A_144 = tpu.vector_load %arg10[%get3A_142, %get3A_143] {strides = array<i32>} : memref<48x256xf32, #tpu.memory_space<vmem>>, vector<16xf32>,
        tpu.vector_store_idx %arg12[%gather3A, %add3A_33], %get3A_144 {add = true} : memref<328x256xf32, #tpu.memory_space<vmem>>[vector<16xi32>, vector<16xi32>], vector<16xf32>,
        %get3A_145 = arith.index_cast %scan3A_134 : i32 to index
        %get3A_146 = arith.constant 32 : index
        %get3A_147 = tpu.vector_load %arg10[%get3A_145, %get3A_146] {strides = array<i32>} : memref<48x256xf32, #tpu.memory_space<vmem>>, vector<16xf32>,
        tpu.vector_store_idx %arg12[%gather3A, %add3A_36], %get3A_147 {add = true} : memref<328x256xf32, #tpu.memory_space<vmem>>[vector<16xi32>, vector<16xi32>], vector<16xf32>,
        %get3A_148 = arith.index_cast %scan3A_134 : i32 to index
        %get3A_149 = arith.constant 48 : index
        %get3A_150 = tpu.vector_load %arg10[%get3A_148, %get3A_149] {strides = array<i32>} : memref<48x256xf32, #tpu.memory_space<vmem>>, vector<16xf32>,
        tpu.vector_store_idx %arg12[%gather3A, %add3A_39], %get3A_150 {add = true} : memref<328x256xf32, #tpu.memory_space<vmem>>[vector<16xi32>, vector<16xi32>], vector<16xf32>,
        %get3A_151 = arith.index_cast %scan3A_134 : i32 to index
        %get3A_152 = arith.constant 64 : index
        %get3A_153 = tpu.vector_load %arg10[%get3A_151, %get3A_152] {strides = array<i32>} : memref<48x256xf32, #tpu.memory_space<vmem>>, vector<16xf32>,
        tpu.vector_store_idx %arg12[%gather3A, %add3A_42], %get3A_153 {add = true} : memref<328x256xf32, #tpu.memory_space<vmem>>[vector<16xi32>, vector<16xi32>], vector<16xf32>,
        %get3A_154 = arith.index_cast %scan3A_134 : i32 to index
        %get3A_155 = arith.constant 80 : index
        %get3A_156 = tpu.vector_load %arg10[%get3A_154, %get3A_155] {strides = array<i32>} : memref<48x256xf32, #tpu.memory_space<vmem>>, vector<16xf32>,
        tpu.vector_store_idx %arg12[%gather3A, %add3A_45], %get3A_156 {add = true} : memref<328x256xf32, #tpu.memory_space<vmem>>[vector<16xi32>, vector<16xi32>], vector<16xf32>,
        %get3A_157 = arith.index_cast %scan3A_134 : i32 to index
        %get3A_158 = arith.constant 96 : index
        %get3A_159 = tpu.vector_load %arg10[%get3A_157, %get3A_158] {strides = array<i32>} : memref<48x256xf32, #tpu.memory_space<vmem>>, vector<16xf32>,
        tpu.vector_store_idx %arg12[%gather3A, %add3A_48], %get3A_159 {add = true} : memref<328x256xf32, #tpu.memory_space<vmem>>[vector<16xi32>, vector<16xi32>], vector<16xf32>,
        %get3A_160 = arith.index_cast %scan3A_134 : i32 to index
        %get3A_161 = arith.constant 112 : index
        %get3A_162 = tpu.vector_load %arg10[%get3A_160, %get3A_161] {strides = array<i32>} : memref<48x256xf32, #tpu.memory_space<vmem>>, vector<16xf32>,
        tpu.vector_store_idx %arg12[%gather3A, %add3A_51], %get3A_162 {add = true} : memref<328x256xf32, #tpu.memory_space<vmem>>[vector<16xi32>, vector<16xi32>], vector<16xf32>,
        %get3A_163 = arith.index_cast %scan3A_134 : i32 to index
        %get3A_164 = arith.constant 128 : index
        %get3A_165 = tpu.vector_load %arg10[%get3A_163, %get3A_164] {strides = array<i32>} : memref<48x256xf32, #tpu.memory_space<vmem>>, vector<16xf32>,
        tpu.vector_store_idx %arg12[%gather3A, %add3A_54], %get3A_165 {add = true} : memref<328x256xf32, #tpu.memory_space<vmem>>[vector<16xi32>, vector<16xi32>], vector<16xf32>,
        %get3A_166 = arith.index_cast %scan3A_134 : i32 to index
        %get3A_167 = arith.constant 144 : index
        %get3A_168 = tpu.vector_load %arg10[%get3A_166, %get3A_167] {strides = array<i32>} : memref<48x256xf32, #tpu.memory_space<vmem>>, vector<16xf32>,
        tpu.vector_store_idx %arg12[%gather3A, %add3A_57], %get3A_168 {add = true} : memref<328x256xf32, #tpu.memory_space<vmem>>[vector<16xi32>, vector<16xi32>], vector<16xf32>,
        %get3A_169 = arith.index_cast %scan3A_134 : i32 to index
        %get3A_170 = arith.constant 160 : index
        %get3A_171 = tpu.vector_load %arg10[%get3A_169, %get3A_170] {strides = array<i32>} : memref<48x256xf32, #tpu.memory_space<vmem>>, vector<16xf32>,
        tpu.vector_store_idx %arg12[%gather3A, %add3A_60], %get3A_171 {add = true} : memref<328x256xf32, #tpu.memory_space<vmem>>[vector<16xi32>, vector<16xi32>], vector<16xf32>,
        %get3A_172 = arith.index_cast %scan3A_134 : i32 to index
        %get3A_173 = arith.constant 176 : index
        %get3A_174 = tpu.vector_load %arg10[%get3A_172, %get3A_173] {strides = array<i32>} : memref<48x256xf32, #tpu.memory_space<vmem>>, vector<16xf32>,
        tpu.vector_store_idx %arg12[%gather3A, %add3A_63], %get3A_174 {add = true} : memref<328x256xf32, #tpu.memory_space<vmem>>[vector<16xi32>, vector<16xi32>], vector<16xf32>,
        %get3A_175 = arith.index_cast %scan3A_134 : i32 to index
        %get3A_176 = arith.constant 192 : index
        %get3A_177 = tpu.vector_load %arg10[%get3A_175, %get3A_176] {strides = array<i32>} : memref<48x256xf32, #tpu.memory_space<vmem>>, vector<16xf32>,
        tpu.vector_store_idx %arg12[%gather3A, %add3A_66], %get3A_177 {add = true} : memref<328x256xf32, #tpu.memory_space<vmem>>[vector<16xi32>, vector<16xi32>], vector<16xf32>,
        %get3A_178 = arith.index_cast %scan3A_134 : i32 to index
        %get3A_179 = arith.constant 208 : index
        %get3A_180 = tpu.vector_load %arg10[%get3A_178, %get3A_179] {strides = array<i32>} : memref<48x256xf32, #tpu.memory_space<vmem>>, vector<16xf32>,
        tpu.vector_store_idx %arg12[%gather3A, %add3A_69], %get3A_180 {add = true} : memref<328x256xf32, #tpu.memory_space<vmem>>[vector<16xi32>, vector<16xi32>], vector<16xf32>,
        %get3A_181 = arith.index_cast %scan3A_134 : i32 to index
        %get3A_182 = arith.constant 224 : index
        %get3A_183 = tpu.vector_load %arg10[%get3A_181, %get3A_182] {strides = array<i32>} : memref<48x256xf32, #tpu.memory_space<vmem>>, vector<16xf32>,
        tpu.vector_store_idx %arg12[%gather3A, %add3A_72], %get3A_183 {add = true} : memref<328x256xf32, #tpu.memory_space<vmem>>[vector<16xi32>, vector<16xi32>], vector<16xf32>,
        %get3A_184 = arith.index_cast %scan3A_134 : i32 to index
        %get3A_185 = arith.constant 240 : index
        %get3A_186 = tpu.vector_load %arg10[%get3A_184, %get3A_185] {strides = array<i32>} : memref<48x256xf32, #tpu.memory_space<vmem>>, vector<16xf32>,
        tpu.vector_store_idx %arg12[%gather3A, %add3A_75], %get3A_186 {add = true} : memref<328x256xf32, #tpu.memory_space<vmem>>[vector<16xi32>, vector<16xi32>], vector<16xf32>,
      }
      %scan3A_110 = arith.constant 48 : i32
      %add3A_111 = arith.constant 1 : i32
      %add3A_112 = arith.addi %mul3A_91, %add3A_111 : i32
      %mul3A_113 = arith.constant 48 : i32
      %mul3A_114 = arith.muli %add3A_112, %mul3A_113 : i32
      %dma_wait3A_115 = tpu.memref_slice %arg8[%mul3A_114] : memref<5712xi32, #tpu.memory_space<vmem>> -> memref<48xi32, #tpu.memory_space<vmem>>
      %dma_wait3A_116 = arith.constant 0 : i32
      %dma_wait3A_117 = arith.constant 0 : i32
      %dma_wait3A_118 = tpu.memref_slice %arg2[%dma_wait3A_116, %dma_wait3A_117] : memref<50000x256xf32, #tpu.memory_space<hbm>> -> memref<50000x256xf32, #tpu.memory_space<hbm>>
      tpu.wait_indirect_dma semaphore(%arg14 : memref<!tpu.dma_semaphore, #tpu.memory_space<semaphore_mem>>) src(%dma_wait3A_118 : memref<50000x256xf32, #tpu.memory_space<hbm>>) dst(%arg11 : memref<48x256xf32, #tpu.memory_space<vmem>>)
      %add3A_119 = arith.constant 2 : i32
      %add3A_120 = arith.addi %mul3A_91, %add3A_119 : i32
      %mul3A_121 = arith.constant 48 : i32
      %mul3A_122 = arith.muli %add3A_120, %mul3A_121 : i32
      %dma_start3A_123 = tpu.memref_slice %arg8[%mul3A_122] : memref<5712xi32, #tpu.memory_space<vmem>> -> memref<48xi32, #tpu.memory_space<vmem>>
      %dma_start3A_124 = arith.constant 0 : i32
      %dma_start3A_125 = arith.constant 0 : i32
      %dma_start3A_126 = tpu.memref_slice %arg2[%dma_start3A_124, %dma_start3A_125] : memref<50000x256xf32, #tpu.memory_space<hbm>> -> memref<50000x256xf32, #tpu.memory_space<hbm>>
      tpu.enqueue_indirect_dma source(%dma_start3A_126 : memref<50000x256xf32, #tpu.memory_space<hbm>>) target(%arg10 : memref<48x256xf32, #tpu.memory_space<vmem>>) offsets(%dma_start3A_123 : memref<48xi32, #tpu.memory_space<vmem>>) semaphore(%arg13 : memref<!tpu.dma_semaphore, #tpu.memory_space<semaphore_mem>>)
      %add3A_127 = arith.constant 1 : i32
      %add3A_128 = arith.addi %mul3A_91, %add3A_127 : i32
      %scan3A_129 = arith.constant 0 : i32
      %scan3A_130 = arith.constant 48 : i32
      %scan3A_131 = arith.addi %scan3A_129, %scan3A_130 : i32
      %scan3A_132 = arith.constant 1 : i32
      scf.for %scan3A_134 = %scan3A_129 to %scan3A_131 step %scan3A_132  : i32 {
        %mul3A_135 = arith.constant 48 : i32
        %mul3A_136 = arith.muli %add3A_128, %mul3A_135 : i32
        %add3A_137 = arith.addi %mul3A_136, %scan3A_134 : i32
        %mul3A_138 = vector.broadcast %add3A_137 : i32 to vector<16xi32>
        %mul3A_139 = arith.muli %broadcast_in_dim3A_27, %mul3A_138 : vector<16xi32>
        %gather3A = tpu.vector_load_idx %arg9[%mul3A_139] : memref<5712xi32, #tpu.memory_space<vmem>>[vector<16xi32>], vector<16xi32>,
        %get3A = arith.index_cast %scan3A_134 : i32 to index
        %get3A_140 = arith.constant 0 : index
        %get3A_141 = tpu.vector_load %arg11[%get3A, %get3A_140] {strides = array<i32>} : memref<48x256xf32, #tpu.memory_space<vmem>>, vector<16xf32>,
        tpu.vector_store_idx %arg12[%gather3A, %add3A_30], %get3A_141 {add = true} : memref<328x256xf32, #tpu.memory_space<vmem>>[vector<16xi32>, vector<16xi32>], vector<16xf32>,
        %get3A_142 = arith.index_cast %scan3A_134 : i32 to index
        %get3A_143 = arith.constant 16 : index
        %get3A_144 = tpu.vector_load %arg11[%get3A_142, %get3A_143] {strides = array<i32>} : memref<48x256xf32, #tpu.memory_space<vmem>>, vector<16xf32>,
        tpu.vector_store_idx %arg12[%gather3A, %add3A_33], %get3A_144 {add = true} : memref<328x256xf32, #tpu.memory_space<vmem>>[vector<16xi32>, vector<16xi32>], vector<16xf32>,
        %get3A_145 = arith.index_cast %scan3A_134 : i32 to index
        %get3A_146 = arith.constant 32 : index
        %get3A_147 = tpu.vector_load %arg11[%get3A_145, %get3A_146] {strides = array<i32>} : memref<48x256xf32, #tpu.memory_space<vmem>>, vector<16xf32>,
        tpu.vector_store_idx %arg12[%gather3A, %add3A_36], %get3A_147 {add = true} : memref<328x256xf32, #tpu.memory_space<vmem>>[vector<16xi32>, vector<16xi32>], vector<16xf32>,
        %get3A_148 = arith.index_cast %scan3A_134 : i32 to index
        %get3A_149 = arith.constant 48 : index
        %get3A_150 = tpu.vector_load %arg11[%get3A_148, %get3A_149] {strides = array<i32>} : memref<48x256xf32, #tpu.memory_space<vmem>>, vector<16xf32>,
        tpu.vector_store_idx %arg12[%gather3A, %add3A_39], %get3A_150 {add = true} : memref<328x256xf32, #tpu.memory_space<vmem>>[vector<16xi32>, vector<16xi32>], vector<16xf32>,
        %get3A_151 = arith.index_cast %scan3A_134 : i32 to index
        %get3A_152 = arith.constant 64 : index
        %get3A_153 = tpu.vector_load %arg11[%get3A_151, %get3A_152] {strides = array<i32>} : memref<48x256xf32, #tpu.memory_space<vmem>>, vector<16xf32>,
        tpu.vector_store_idx %arg12[%gather3A, %add3A_42], %get3A_153 {add = true} : memref<328x256xf32, #tpu.memory_space<vmem>>[vector<16xi32>, vector<16xi32>], vector<16xf32>,
        %get3A_154 = arith.index_cast %scan3A_134 : i32 to index
        %get3A_155 = arith.constant 80 : index
        %get3A_156 = tpu.vector_load %arg11[%get3A_154, %get3A_155] {strides = array<i32>} : memref<48x256xf32, #tpu.memory_space<vmem>>, vector<16xf32>,
        tpu.vector_store_idx %arg12[%gather3A, %add3A_45], %get3A_156 {add = true} : memref<328x256xf32, #tpu.memory_space<vmem>>[vector<16xi32>, vector<16xi32>], vector<16xf32>,
        %get3A_157 = arith.index_cast %scan3A_134 : i32 to index
        %get3A_158 = arith.constant 96 : index
        %get3A_159 = tpu.vector_load %arg11[%get3A_157, %get3A_158] {strides = array<i32>} : memref<48x256xf32, #tpu.memory_space<vmem>>, vector<16xf32>,
        tpu.vector_store_idx %arg12[%gather3A, %add3A_48], %get3A_159 {add = true} : memref<328x256xf32, #tpu.memory_space<vmem>>[vector<16xi32>, vector<16xi32>], vector<16xf32>,
        %get3A_160 = arith.index_cast %scan3A_134 : i32 to index
        %get3A_161 = arith.constant 112 : index
        %get3A_162 = tpu.vector_load %arg11[%get3A_160, %get3A_161] {strides = array<i32>} : memref<48x256xf32, #tpu.memory_space<vmem>>, vector<16xf32>,
        tpu.vector_store_idx %arg12[%gather3A, %add3A_51], %get3A_162 {add = true} : memref<328x256xf32, #tpu.memory_space<vmem>>[vector<16xi32>, vector<16xi32>], vector<16xf32>,
        %get3A_163 = arith.index_cast %scan3A_134 : i32 to index
        %get3A_164 = arith.constant 128 : index
        %get3A_165 = tpu.vector_load %arg11[%get3A_163, %get3A_164] {strides = array<i32>} : memref<48x256xf32, #tpu.memory_space<vmem>>, vector<16xf32>,
        tpu.vector_store_idx %arg12[%gather3A, %add3A_54], %get3A_165 {add = true} : memref<328x256xf32, #tpu.memory_space<vmem>>[vector<16xi32>, vector<16xi32>], vector<16xf32>,
        %get3A_166 = arith.index_cast %scan3A_134 : i32 to index
        %get3A_167 = arith.constant 144 : index
        %get3A_168 = tpu.vector_load %arg11[%get3A_166, %get3A_167] {strides = array<i32>} : memref<48x256xf32, #tpu.memory_space<vmem>>, vector<16xf32>,
        tpu.vector_store_idx %arg12[%gather3A, %add3A_57], %get3A_168 {add = true} : memref<328x256xf32, #tpu.memory_space<vmem>>[vector<16xi32>, vector<16xi32>], vector<16xf32>,
        %get3A_169 = arith.index_cast %scan3A_134 : i32 to index
        %get3A_170 = arith.constant 160 : index
        %get3A_171 = tpu.vector_load %arg11[%get3A_169, %get3A_170] {strides = array<i32>} : memref<48x256xf32, #tpu.memory_space<vmem>>, vector<16xf32>,
        tpu.vector_store_idx %arg12[%gather3A, %add3A_60], %get3A_171 {add = true} : memref<328x256xf32, #tpu.memory_space<vmem>>[vector<16xi32>, vector<16xi32>], vector<16xf32>,
        %get3A_172 = arith.index_cast %scan3A_134 : i32 to index
        %get3A_173 = arith.constant 176 : index
        %get3A_174 = tpu.vector_load %arg11[%get3A_172, %get3A_173] {strides = array<i32>} : memref<48x256xf32, #tpu.memory_space<vmem>>, vector<16xf32>,
        tpu.vector_store_idx %arg12[%gather3A, %add3A_63], %get3A_174 {add = true} : memref<328x256xf32, #tpu.memory_space<vmem>>[vector<16xi32>, vector<16xi32>], vector<16xf32>,
        %get3A_175 = arith.index_cast %scan3A_134 : i32 to index
        %get3A_176 = arith.constant 192 : index
        %get3A_177 = tpu.vector_load %arg11[%get3A_175, %get3A_176] {strides = array<i32>} : memref<48x256xf32, #tpu.memory_space<vmem>>, vector<16xf32>,
        tpu.vector_store_idx %arg12[%gather3A, %add3A_66], %get3A_177 {add = true} : memref<328x256xf32, #tpu.memory_space<vmem>>[vector<16xi32>, vector<16xi32>], vector<16xf32>,
        %get3A_178 = arith.index_cast %scan3A_134 : i32 to index
        %get3A_179 = arith.constant 208 : index
        %get3A_180 = tpu.vector_load %arg11[%get3A_178, %get3A_179] {strides = array<i32>} : memref<48x256xf32, #tpu.memory_space<vmem>>, vector<16xf32>,
        tpu.vector_store_idx %arg12[%gather3A, %add3A_69], %get3A_180 {add = true} : memref<328x256xf32, #tpu.memory_space<vmem>>[vector<16xi32>, vector<16xi32>], vector<16xf32>,
        %get3A_181 = arith.index_cast %scan3A_134 : i32 to index
        %get3A_182 = arith.constant 224 : index
        %get3A_183 = tpu.vector_load %arg11[%get3A_181, %get3A_182] {strides = array<i32>} : memref<48x256xf32, #tpu.memory_space<vmem>>, vector<16xf32>,
        tpu.vector_store_idx %arg12[%gather3A, %add3A_72], %get3A_183 {add = true} : memref<328x256xf32, #tpu.memory_space<vmem>>[vector<16xi32>, vector<16xi32>], vector<16xf32>,
        %get3A_184 = arith.index_cast %scan3A_134 : i32 to index
        %get3A_185 = arith.constant 240 : index
        %get3A_186 = tpu.vector_load %arg11[%get3A_184, %get3A_185] {strides = array<i32>} : memref<48x256xf32, #tpu.memory_space<vmem>>, vector<16xf32>,
        tpu.vector_store_idx %arg12[%gather3A, %add3A_75], %get3A_186 {add = true} : memref<328x256xf32, #tpu.memory_space<vmem>>[vector<16xi32>, vector<16xi32>], vector<16xf32>,
      }
      %scan3A_133 = arith.constant 48 : i32
    }
    %scan3A_84 = arith.constant 59 : i32
    %dma_wait3A = arith.constant 5664 : i32
    %dma_wait3A_85 = tpu.memref_slice %arg8[%dma_wait3A] : memref<5712xi32, #tpu.memory_space<vmem>> -> memref<48xi32, #tpu.memory_space<vmem>>
    %dma_wait3A_86 = arith.constant 0 : i32
    %dma_wait3A_87 = arith.constant 0 : i32
    %dma_wait3A_88 = tpu.memref_slice %arg2[%dma_wait3A_86, %dma_wait3A_87] : memref<50000x256xf32, #tpu.memory_space<hbm>> -> memref<50000x256xf32, #tpu.memory_space<hbm>>
    tpu.wait_indirect_dma semaphore(%arg13 : memref<!tpu.dma_semaphore, #tpu.memory_space<semaphore_mem>>) src(%dma_wait3A_88 : memref<50000x256xf32, #tpu.memory_space<hbm>>) dst(%arg10 : memref<48x256xf32, #tpu.memory_space<vmem>>)
    "tpu.region"() ({
      %run_scoped3A = tpu.sem_alloc : memref<!tpu.dma_semaphore, #tpu.memory_space<semaphore_mem>>
      %dma_start3A_89 = arith.constant 0 : i32
      %dma_start3A_90 = arith.constant 0 : i32
      %dma_start3A_91 = tpu.memref_slice %arg12[%dma_start3A_89, %dma_start3A_90] : memref<328x256xf32, #tpu.memory_space<vmem>> -> memref<320x256xf32, #tpu.memory_space<vmem>>
      %dma_start3A_92 = arith.constant 0 : i32
      %dma_start3A_93 = tpu.memref_slice %arg5[%mul3A_2, %dma_start3A_92] : memref<10240x256xf32, #tpu.memory_space<hbm>> -> memref<320x256xf32, #tpu.memory_space<hbm>>
      %dma_start3A_94 = arith.constant 0 : i32
      %dma_start3A_95 = tpu.memref_slice %arg5[%mul3A_2, %dma_start3A_94] : memref<10240x256xf32, #tpu.memory_space<hbm>> -> memref<320x256xf32, #tpu.memory_space<hbm>>
      %dma_start3A_96 = arith.constant 0 : i32
      %dma_start3A_97 = arith.constant 0 : i32
      %dma_start3A_98 = tpu.memref_slice %arg12[%dma_start3A_96, %dma_start3A_97] : memref<328x256xf32, #tpu.memory_space<vmem>> -> memref<320x256xf32, #tpu.memory_space<vmem>>
      tpu.enqueue_dma source(%dma_start3A_98 : memref<320x256xf32, #tpu.memory_space<vmem>>) target(%dma_start3A_95 : memref<320x256xf32, #tpu.memory_space<hbm>>) target_semaphore(%run_scoped3A : memref<!tpu.dma_semaphore, #tpu.memory_space<semaphore_mem>>)
      %dma_wait3A_99 = arith.constant 0 : i32
      %dma_wait3A_100 = arith.constant 0 : i32
      %dma_wait3A_101 = tpu.memref_slice %arg12[%dma_wait3A_99, %dma_wait3A_100] : memref<328x256xf32, #tpu.memory_space<vmem>> -> memref<320x256xf32, #tpu.memory_space<vmem>>
      %dma_wait3A_102 = arith.constant 0 : i32
      %dma_wait3A_103 = tpu.memref_slice %arg5[%mul3A_2, %dma_wait3A_102] : memref<10240x256xf32, #tpu.memory_space<hbm>> -> memref<320x256xf32, #tpu.memory_space<hbm>>
      %dma_wait3A_104 = arith.constant 0 : i32
      %dma_wait3A_105 = tpu.memref_slice %arg5[%mul3A_2, %dma_wait3A_104] : memref<10240x256xf32, #tpu.memory_space<hbm>> -> memref<320x256xf32, #tpu.memory_space<hbm>>
      %dma_wait3A_106 = arith.constant 0 : i32
      %dma_wait3A_107 = arith.constant 0 : i32
      %dma_wait3A_108 = tpu.memref_slice %arg12[%dma_wait3A_106, %dma_wait3A_107] : memref<328x256xf32, #tpu.memory_space<vmem>> -> memref<320x256xf32, #tpu.memory_space<vmem>>
      tpu.wait_dma2 semaphore(%run_scoped3A : memref<!tpu.dma_semaphore, #tpu.memory_space<semaphore_mem>>) src(%dma_wait3A_108 : memref<320x256xf32, #tpu.memory_space<vmem>>) dst(%dma_wait3A_105 : memref<320x256xf32, #tpu.memory_space<hbm>>)
      tpu.yield
    }) : () -> ()
    return
  }
}

module attributes {stable_mosaic.version = 14 : i64} {
  func.func @body(%arg0: i32, %arg1: memref<512x256xf32, #tpu.memory_space<vmem>>, %arg2: memref<512x256xf32, #tpu.memory_space<vmem>>, %arg3: memref<256x256xf32, #tpu.memory_space<vmem>>, %arg4: memref<1x256xf32, #tpu.memory_space<vmem>>, %arg5: memref<256x256xf32, #tpu.memory_space<vmem>>, %arg6: memref<1x256xf32, #tpu.memory_space<vmem>>, %arg7: memref<512x256xf32, #tpu.memory_space<vmem>>) attributes {dimension_semantics = [#tpu.dimension_semantics<arbitrary>], iteration_bounds = array<i64: 20>, scalar_prefetch = 0 : i64, scratch_operands = 0 : i64, tpu.core_type = #tpu.core_type<tc>, window_params = [{transform_indices = @transform_0, window_bounds = array<i64: 512, 256>}, {transform_indices = @transform_1, window_bounds = array<i64: 512, 256>}, {pipeline_mode = #tpu.pipeline_mode<synchronous>, transform_indices = @transform_2, window_bounds = array<i64: 256, 256>}, {pipeline_mode = #tpu.pipeline_mode<synchronous>, transform_indices = @transform_3, window_bounds = array<i64: 1, 256>}, {pipeline_mode = #tpu.pipeline_mode<synchronous>, transform_indices = @transform_4, window_bounds = array<i64: 256, 256>}, {pipeline_mode = #tpu.pipeline_mode<synchronous>, transform_indices = @transform_5, window_bounds = array<i64: 1, 256>}, {transform_indices = @transform_6, window_bounds = array<i64: 512, 256>}]} {
    %get3A = arith.constant 0 : index
    %get3A_0 = arith.constant 0 : index
    %get3A_1 = vector.load %arg1[%get3A, %get3A_0] : memref<512x256xf32, #tpu.memory_space<vmem>>, vector<512x256xf32>
    %get3A_2 = arith.constant 0 : index
    %get3A_3 = arith.constant 0 : index
    %get3A_4 = vector.load %arg2[%get3A_2, %get3A_3] : memref<512x256xf32, #tpu.memory_space<vmem>>, vector<512x256xf32>
    %add3A = arith.addf %get3A_1, %get3A_4 : vector<512x256xf32>
    %get3A_5 = arith.constant 0 : index
    %get3A_6 = arith.constant 0 : index
    %get3A_7 = vector.load %arg3[%get3A_5, %get3A_6] : memref<256x256xf32, #tpu.memory_space<vmem>>, vector<256x256xf32>
    %dot_general3A = arith.constant dense<0.000000e+00> : vector<512x256xf32>
    %dot_general3A_8 = tpu.matmul %add3A, %get3A_7, %dot_general3A {dimension_numbers = #tpu.dot_dimension_numbers<[1], [0], [0], [1], [0, 0, 1, 1], [], []>, transpose_lhs_hint = false} : vector<512x256xf32>, vector<256x256xf32>, vector<512x256xf32> -> vector<512x256xf32>
    %get3A_9 = arith.constant 0 : index
    %get3A_10 = arith.constant 0 : index
    %get3A_11 = vector.load %arg4[%get3A_9, %get3A_10] : memref<1x256xf32, #tpu.memory_space<vmem>>, vector<1x256xf32>
    %add3A_12 = vector.broadcast %get3A_11 : vector<1x256xf32> to vector<512x256xf32>
    %add3A_13 = arith.addf %dot_general3A_8, %add3A_12 : vector<512x256xf32>
    %max3A = arith.constant 0.000000e+00 : f32
    %max3A_14 = vector.broadcast %max3A : f32 to vector<512x256xf32>
    %max3A_15 = arith.maximumf %add3A_13, %max3A_14 : vector<512x256xf32>
    %get3A_16 = arith.constant 0 : index
    %get3A_17 = arith.constant 0 : index
    %get3A_18 = vector.load %arg5[%get3A_16, %get3A_17] : memref<256x256xf32, #tpu.memory_space<vmem>>, vector<256x256xf32>
    %dot_general3A_19 = arith.constant dense<0.000000e+00> : vector<512x256xf32>
    %dot_general3A_20 = tpu.matmul %max3A_15, %get3A_18, %dot_general3A_19 {dimension_numbers = #tpu.dot_dimension_numbers<[1], [0], [0], [1], [0, 0, 1, 1], [], []>, transpose_lhs_hint = false} : vector<512x256xf32>, vector<256x256xf32>, vector<512x256xf32> -> vector<512x256xf32>
    %get3A_21 = arith.constant 0 : index
    %get3A_22 = arith.constant 0 : index
    %get3A_23 = vector.load %arg6[%get3A_21, %get3A_22] : memref<1x256xf32, #tpu.memory_space<vmem>>, vector<1x256xf32>
    %add3A_24 = vector.broadcast %get3A_23 : vector<1x256xf32> to vector<512x256xf32>
    %add3A_25 = arith.addf %dot_general3A_20, %add3A_24 : vector<512x256xf32>
    %max3A_26 = arith.constant 0.000000e+00 : f32
    %max3A_27 = vector.broadcast %max3A_26 : f32 to vector<512x256xf32>
    %max3A_28 = arith.maximumf %add3A_25, %max3A_27 : vector<512x256xf32>
    %swap3A = arith.constant 0 : index
    %swap3A_29 = arith.constant 0 : index
    %swap3A_30 = vector.load %arg7[%swap3A, %swap3A_29] : memref<512x256xf32, #tpu.memory_space<vmem>>, vector<512x256xf32>
    tpu.vector_store %arg7[%swap3A, %swap3A_29], %max3A_28 {strides = array<i32>} : memref<512x256xf32, #tpu.memory_space<vmem>>, vector<512x256xf32>,
    return
  }
  func.func @transform_0(%arg0: i32) -> (i32, i32) {
    %c0_i32 = arith.constant 0 : i32
    %c0_i32_0 = arith.constant 0 : i32
    return %arg0, %c0_i32 : i32, i32
  }
  func.func @transform_1(%arg0: i32) -> (i32, i32) {
    %c0_i32 = arith.constant 0 : i32
    %c0_i32_0 = arith.constant 0 : i32
    return %arg0, %c0_i32 : i32, i32
  }
  func.func @transform_2(%arg0: i32) -> (i32, i32) {
    %c0_i32 = arith.constant 0 : i32
    %c0_i32_0 = arith.constant 0 : i32
    %c0_i32_1 = arith.constant 0 : i32
    return %c0_i32, %c0_i32_0 : i32, i32
  }
  func.func @transform_3(%arg0: i32) -> (i32, i32) {
    %c0_i32 = arith.constant 0 : i32
    %c0_i32_0 = arith.constant 0 : i32
    %c0_i32_1 = arith.constant 0 : i32
    return %c0_i32, %c0_i32_0 : i32, i32
  }
  func.func @transform_4(%arg0: i32) -> (i32, i32) {
    %c0_i32 = arith.constant 0 : i32
    %c0_i32_0 = arith.constant 0 : i32
    %c0_i32_1 = arith.constant 0 : i32
    return %c0_i32, %c0_i32_0 : i32, i32
  }
  func.func @transform_5(%arg0: i32) -> (i32, i32) {
    %c0_i32 = arith.constant 0 : i32
    %c0_i32_0 = arith.constant 0 : i32
    %c0_i32_1 = arith.constant 0 : i32
    return %c0_i32, %c0_i32_0 : i32, i32
  }
  func.func @transform_6(%arg0: i32) -> (i32, i32) {
    %c0_i32 = arith.constant 0 : i32
    %c0_i32_0 = arith.constant 0 : i32
    return %arg0, %c0_i32 : i32, i32
  }
}

module attributes {stable_mosaic.version = 14 : i64} {
  func.func @body(%arg0: i32, %arg1: memref<512x256xf32, #tpu.memory_space<vmem>>, %arg2: memref<512x256xf32, #tpu.memory_space<vmem>>, %arg3: memref<256x256xf32, #tpu.memory_space<vmem>>, %arg4: memref<1x256xf32, #tpu.memory_space<vmem>>, %arg5: memref<256x256xf32, #tpu.memory_space<vmem>>, %arg6: memref<1x256xf32, #tpu.memory_space<vmem>>, %arg7: memref<512x256xf32, #tpu.memory_space<vmem>>) attributes {dimension_semantics = [#tpu.dimension_semantics<arbitrary>], iteration_bounds = array<i64: 4>, scalar_prefetch = 0 : i64, scratch_operands = 0 : i64, tpu.core_type = #tpu.core_type<tc>, window_params = [{transform_indices = @transform_0, window_bounds = array<i64: 512, 256>}, {transform_indices = @transform_1, window_bounds = array<i64: 512, 256>}, {pipeline_mode = #tpu.pipeline_mode<synchronous>, transform_indices = @transform_2, window_bounds = array<i64: 256, 256>}, {pipeline_mode = #tpu.pipeline_mode<synchronous>, transform_indices = @transform_3, window_bounds = array<i64: 1, 256>}, {pipeline_mode = #tpu.pipeline_mode<synchronous>, transform_indices = @transform_4, window_bounds = array<i64: 256, 256>}, {pipeline_mode = #tpu.pipeline_mode<synchronous>, transform_indices = @transform_5, window_bounds = array<i64: 1, 256>}, {transform_indices = @transform_6, window_bounds = array<i64: 512, 256>}]} {
    %get3A = arith.constant 0 : index
    %get3A_0 = arith.constant 0 : index
    %get3A_1 = vector.load %arg1[%get3A, %get3A_0] : memref<512x256xf32, #tpu.memory_space<vmem>>, vector<512x256xf32>
    %get3A_2 = arith.constant 0 : index
    %get3A_3 = arith.constant 0 : index
    %get3A_4 = vector.load %arg2[%get3A_2, %get3A_3] : memref<512x256xf32, #tpu.memory_space<vmem>>, vector<512x256xf32>
    %add3A = arith.addf %get3A_1, %get3A_4 : vector<512x256xf32>
    %get3A_5 = arith.constant 0 : index
    %get3A_6 = arith.constant 0 : index
    %get3A_7 = vector.load %arg3[%get3A_5, %get3A_6] : memref<256x256xf32, #tpu.memory_space<vmem>>, vector<256x256xf32>
    %dot_general3A = arith.constant dense<0.000000e+00> : vector<512x256xf32>
    %dot_general3A_8 = tpu.matmul %add3A, %get3A_7, %dot_general3A {dimension_numbers = #tpu.dot_dimension_numbers<[1], [0], [0], [1], [0, 0, 1, 1], [], []>, transpose_lhs_hint = false} : vector<512x256xf32>, vector<256x256xf32>, vector<512x256xf32> -> vector<512x256xf32>
    %get3A_9 = arith.constant 0 : index
    %get3A_10 = arith.constant 0 : index
    %get3A_11 = vector.load %arg4[%get3A_9, %get3A_10] : memref<1x256xf32, #tpu.memory_space<vmem>>, vector<1x256xf32>
    %add3A_12 = vector.broadcast %get3A_11 : vector<1x256xf32> to vector<512x256xf32>
    %add3A_13 = arith.addf %dot_general3A_8, %add3A_12 : vector<512x256xf32>
    %max3A = arith.constant 0.000000e+00 : f32
    %max3A_14 = vector.broadcast %max3A : f32 to vector<512x256xf32>
    %max3A_15 = arith.maximumf %add3A_13, %max3A_14 : vector<512x256xf32>
    %get3A_16 = arith.constant 0 : index
    %get3A_17 = arith.constant 0 : index
    %get3A_18 = vector.load %arg5[%get3A_16, %get3A_17] : memref<256x256xf32, #tpu.memory_space<vmem>>, vector<256x256xf32>
    %dot_general3A_19 = arith.constant dense<0.000000e+00> : vector<512x256xf32>
    %dot_general3A_20 = tpu.matmul %max3A_15, %get3A_18, %dot_general3A_19 {dimension_numbers = #tpu.dot_dimension_numbers<[1], [0], [0], [1], [0, 0, 1, 1], [], []>, transpose_lhs_hint = false} : vector<512x256xf32>, vector<256x256xf32>, vector<512x256xf32> -> vector<512x256xf32>
    %get3A_21 = arith.constant 0 : index
    %get3A_22 = arith.constant 0 : index
    %get3A_23 = vector.load %arg6[%get3A_21, %get3A_22] : memref<1x256xf32, #tpu.memory_space<vmem>>, vector<1x256xf32>
    %add3A_24 = vector.broadcast %get3A_23 : vector<1x256xf32> to vector<512x256xf32>
    %add3A_25 = arith.addf %dot_general3A_20, %add3A_24 : vector<512x256xf32>
    %max3A_26 = arith.constant 0.000000e+00 : f32
    %max3A_27 = vector.broadcast %max3A_26 : f32 to vector<512x256xf32>
    %max3A_28 = arith.maximumf %add3A_25, %max3A_27 : vector<512x256xf32>
    %swap3A = arith.constant 0 : index
    %swap3A_29 = arith.constant 0 : index
    %swap3A_30 = vector.load %arg7[%swap3A, %swap3A_29] : memref<512x256xf32, #tpu.memory_space<vmem>>, vector<512x256xf32>
    tpu.vector_store %arg7[%swap3A, %swap3A_29], %max3A_28 {strides = array<i32>} : memref<512x256xf32, #tpu.memory_space<vmem>>, vector<512x256xf32>,
    return
  }
  func.func @transform_0(%arg0: i32) -> (i32, i32) {
    %c0_i32 = arith.constant 0 : i32
    %c0_i32_0 = arith.constant 0 : i32
    return %arg0, %c0_i32 : i32, i32
  }
  func.func @transform_1(%arg0: i32) -> (i32, i32) {
    %c0_i32 = arith.constant 0 : i32
    %c0_i32_0 = arith.constant 0 : i32
    return %arg0, %c0_i32 : i32, i32
  }
  func.func @transform_2(%arg0: i32) -> (i32, i32) {
    %c0_i32 = arith.constant 0 : i32
    %c0_i32_0 = arith.constant 0 : i32
    %c0_i32_1 = arith.constant 0 : i32
    return %c0_i32, %c0_i32_0 : i32, i32
  }
  func.func @transform_3(%arg0: i32) -> (i32, i32) {
    %c0_i32 = arith.constant 0 : i32
    %c0_i32_0 = arith.constant 0 : i32
    %c0_i32_1 = arith.constant 0 : i32
    return %c0_i32, %c0_i32_0 : i32, i32
  }
  func.func @transform_4(%arg0: i32) -> (i32, i32) {
    %c0_i32 = arith.constant 0 : i32
    %c0_i32_0 = arith.constant 0 : i32
    %c0_i32_1 = arith.constant 0 : i32
    return %c0_i32, %c0_i32_0 : i32, i32
  }
  func.func @transform_5(%arg0: i32) -> (i32, i32) {
    %c0_i32 = arith.constant 0 : i32
    %c0_i32_0 = arith.constant 0 : i32
    %c0_i32_1 = arith.constant 0 : i32
    return %c0_i32, %c0_i32_0 : i32, i32
  }
  func.func @transform_6(%arg0: i32) -> (i32, i32) {
    %c0_i32 = arith.constant 0 : i32
    %c0_i32_0 = arith.constant 0 : i32
    return %arg0, %c0_i32 : i32, i32
  }
}

</mosaic_0001>

<sc_bundles>
// kernel: kernel.6.cloned.1.call-start
scs
__scs_entry_jumppad:
0x0: {  	(pc) =	sbr.rel $0x88, $3  }
0x1: {  	(tag) =	ssettag $0x0;
	lr =	simm.s32 $0x1  }
0x2: {  	[smem:$0x3F96] =	sst lr;
	_ =	strace $0xD0000000  }
0x3: {  	_ = 	snop  }
0x4: {  	_ = 	snop  }
0x5: {  	_ = 	snop  }
0x6: {  	_ = 	snop  }
0x7: {  	_ = 	snop  }
__scs_overlays_trampoline_lowered:
0x8: {  	[smem:$0x3FA5] =	sst s0  }
0x9: {  	[smem:$0x3FA6] =	sst s1  }
0xa: {  	[smem:$0x3FA7] =	sst s2  }
0xb: {  	[smem:$0x3FA8] =	sst s3  }
0xc: {  	[smem:$0x3FA9] =	sst s4  }
0xd: {  	[smem:$0x3FAA] =	sst s5  }
0xe: {  	[smem:$0x3FAB] =	sst s6  }
0xf: {  	[smem:$0x3FAC] =	sst s7  }
0x10: {  	[smem:$0x3FAD] =	sst s8  }
0x11: {  	[smem:$0x3FAE] =	sst s9;
	s0 =	simm.s32 @!p0 $0x0  }
0x12: {  	s1 =	sld [smem:$0x3F94];
	s0 =	simm.s32 @p0 $0x1  }
0x13: {  	[smem:$0x3FAF] =	sst s0;
	s0 =	simm.s32 @!p1 $0x0  }
0x14: {  	s2 =	sld [smem:$0x3F93];
	s0 =	simm.s32 @p1 $0x1  }
0x15: {  	[smem:$0x3FB0] =	sst s0;
	s0 =	simm.s32 @!p2 $0x0  }
0x16: {  	s3 =	sld [smem:$0x3FDB];
	s0 =	simm.s32 @p2 $0x1  }
0x17: {  	s4 =	simm.s32 $0x1BF5;
	[smem:$0x3FB2] =	sst s0  }
0x18: {  	s0 =	sld [smem:$0x3F95];
	_ =	swait.ge [sflag:s4], $0x0  }
0x19: {  	s7 =	sld [smem:$0x3F96]  }
0x1a: {  	s8 =	sadd.s32 $0xFFFFE003, lr  }
0x1b: {  	s9 =	sadd.s32 $0xFFFFFEF7, lr;
	s5 =	simm.s32 $0xFFFFFFFF;
	p2 =	slt.u32 s8, $0xFFFFF086  }
0x1c: {  	p1 =	slt.u32 s9, $0xF7A;
	s5 =	simm.s32 @!p2 $0x0  }
0x1d: {  	s5 =	simm.s32 @p1 $0x1;
	p0 =	seq.s32 s7, s2  }
0x1e: {  	s7 =	smul.u32 @!p0 $0xF7A, s2;
	p2 =	seq.s32 @!p0 s5, $0x0  }
0x1f: {  	s9 =	smul.u32 $0xF7A, s1;
	s8 =	simm.s32 @!p0 $0x1BF5;
	p2 =	por !p2, p0  }
0x20: {  	[sflag:s8] =	ssyncset.s32 @!p0 $0xFFFFF086;
	s6 =	sadd.s32 @!p0 s3, s7;
	s7 =	simm.s32 @!p0 $0x108  }
0x21: {  	s3 =	sadd.s32 s3, s9;
	s6 =	sadd.s32 @!p0 $0x88, s6;
	s7 =	simm.s32 @p2 $0x1082  }
0x22: {  	[simem:s7], [sflag:s8] =	dma.local @!p0 [hbm:s6], $0xF7A  }
0x23: {  	s9 =	sor.u32 $0xD0000000, s2;
	s6 =	simm.s32 $0x108;
	_ =	swait.ge @!p0 [sflag:s8], $0x0  }
0x24: {  	s3 =	sadd.s32 $0x88, s3;
	s6 =	simm.s32 @!p1 $0x1082;
	[sflag:s4] =	ssyncset.s32 $0xFFFFF086  }
0x25: {  	[simem:s6], [sflag:s4] =	dma.local [hbm:s3], $0xF7A  }
0x26: {  	[smem:$0x3F96] =	sst s1;
	(tag) =	ssettag s2;
	_ =	strace s9  }
0x27: {  	s1 =	sld [smem:$0x3FA6]  }
0x28: {  	s2 =	sld [smem:$0x3FA7]  }
0x29: {  	s4 =	sld [smem:$0x3FA9]  }
0x2a: {  	p0 =	seq.s32 s5, $0x0;
	s5 =	sld [smem:$0x3FAA]  }
0x2b: {  	s6 =	sld [smem:$0x3FAB]  }
0x2c: {  	s7 =	sld [smem:$0x3FAC]  }
0x2d: {  	s3 =	simm.s32 $0x108;
	s8 =	sld [smem:$0x3FAD]  }
0x2e: {  	s3 =	simm.s32 @!p0 $0x1082;
	s9 =	sld [smem:$0x3FAE]  }
0x2f: {  	lr =	sadd.s32 s0, s3;
	s0 =	sld [smem:$0x3FA5]  }
0x30: {  	s3 =	sld [smem:$0x3FA8]  }
0x31: {  	[smem:$0x3FB1] =	sst s10  }
0x32: {  	s10 =	sld [smem:$0x3FAF];
	_ =	sdelay $0x3  }
0x33: {  	p0 =	seq.s32 s10, $0x1;
	s10 =	sld [smem:$0x3FB1];
	_ =	sdelay $0x3  }
0x34: {  	[smem:$0x3FB1] =	sst s10  }
0x35: {  	s10 =	sld [smem:$0x3FB0];
	_ =	sdelay $0x3  }
0x36: {  	p1 =	seq.s32 s10, $0x1;
	s10 =	sld [smem:$0x3FB1];
	_ =	sdelay $0x3  }
0x37: {  	[smem:$0x3FB1] =	sst s10  }
0x38: {  	s10 =	sld [smem:$0x3FB2]  }
0x39: {  	_ = 	snop;
	(pc) =	sbr.ind lr, $3  }
0x3a: {  	_ = 	snop  }
0x3b: {  	_ = 	snop  }
0x3c: {  	p2 =	seq.s32 s10, $0x1;
	s10 =	sld [smem:$0x3FB1]  }
0x3d: {  	_ =	shalt  }
0x3e: {  	_ =	shalt  }
0x3f: {  	_ =	shalt  }
0x40: {  	_ =	shalt  }
0x41: {  	_ =	shalt  }
0x42: {  	_ =	shalt  }
0x43: {  	_ =	shalt  }
0x44: {  	_ =	shalt  }
0x45: {  	_ =	shalt  }
0x46: {  	_ =	shalt  }
0x47: {  	_ =	shalt  }
0x48: {  	_ =	shalt  }
0x49: {  	_ =	shalt  }
0x4a: {  	_ =	shalt  }
0x4b: {  	_ =	shalt  }
0x4c: {  	_ =	shalt  }
0x4d: {  	_ =	shalt  }
0x4e: {  	_ =	shalt  }
0x4f: {  	_ =	shalt  }
0x50: {  	_ =	shalt  }
0x51: {  	_ =	shalt  }
0x52: {  	_ =	shalt  }
0x53: {  	_ =	shalt  }
0x54: {  	_ =	shalt  }
0x55: {  	_ =	shalt  }
0x56: {  	_ =	shalt  }
0x57: {  	_ =	shalt  }
0x58: {  	_ =	shalt  }
0x59: {  	_ =	shalt  }
0x5a: {  	_ =	shalt  }
0x5b: {  	_ =	shalt  }
0x5c: {  	_ =	shalt  }
0x5d: {  	_ =	shalt  }
0x5e: {  	_ =	shalt  }
0x5f: {  	_ =	shalt  }
0x60: {  	_ =	shalt  }
0x61: {  	_ =	shalt  }
0x62: {  	_ =	shalt  }
0x63: {  	_ =	shalt  }
0x64: {  	_ =	shalt  }
0x65: {  	_ =	shalt  }
0x66: {  	_ =	shalt  }
0x67: {  	_ =	shalt  }
0x68: {  	_ =	shalt  }
0x69: {  	_ =	shalt  }
0x6a: {  	_ =	shalt  }
0x6b: {  	_ =	shalt  }
0x6c: {  	_ =	shalt  }
0x6d: {  	_ =	shalt  }
0x6e: {  	_ =	shalt  }
0x6f: {  	_ =	shalt  }
0x70: {  	_ =	shalt  }
0x71: {  	_ =	shalt  }
0x72: {  	_ =	shalt  }
0x73: {  	_ =	shalt  }
0x74: {  	_ =	shalt  }
0x75: {  	_ =	shalt  }
0x76: {  	_ =	shalt  }
0x77: {  	_ =	shalt  }
0x78: {  	_ =	shalt  }
0x79: {  	_ =	shalt  }
0x7a: {  	_ =	shalt  }
0x7b: {  	_ =	shalt  }
0x7c: {  	_ =	shalt  }
0x7d: {  	_ =	shalt  }
0x7e: {  	_ =	shalt  }
0x7f: {  	_ =	shalt  }
0x80: {  	_ =	shalt  }
0x81: {  	_ =	shalt  }
0x82: {  	_ =	shalt  }
0x83: {  	_ =	shalt  }
0x84: {  	_ =	shalt  }
0x85: {  	_ =	shalt  }
0x86: {  	_ =	shalt  }
0x87: {  	_ =	shalt  }
.Lfunc_end0:
.L_simem_size_0:
called_computation_lowered:
.L_overlay_start_0:
0x88: {  	s2 =	sld [smem:$0x3FD9]  }
0x89: {  	s3 =	sld [smem:$0x3FFE];
	_ =	sdelay $0x1  }
0x8a: {  	s1 =	srdreg.scid  }
0x8b: {  	s0 =	sand.u32 $0x1, s1  }
0x8c: {  	s17 =	sshll.u32 s0, $0xA;
	s2 =	sadd.s32 s3, s2  }
0x8d: {  	s2 =	sadd.s32 s2, s17  }
0x8e: {  	[smem:$0x3FBD] =	sst s2  }
0x8f: {  	_ = 	snop  }
0x90: {  	s2 =	sld [smem:$0x3FC9]  }
0x91: {  	s18 =	sld [smem:$0x3FD0];
	(tm) =	ssettm $0x1  }
0x92: {  	s4 =	sld [smem:$0x3FFB];
	_ =	sdelay $0x3  }
0x93: {  	_ =	strace s4  }
0x94: {  	s4 =	sld [smem:$0x3FFC];
	_ =	sdelay $0x3  }
0x95: {  	_ =	strace s4  }
0x96: {  	s4 =	sld [smem:$0x3FFD];
	_ =	sdelay $0x3  }
0x97: {  	_ =	strace s4  }
0x98: {  	_ =	strace $0x8FFFFFFF  }
0x99: {  	s19 =	sld [smem:$0x3FDB];
	_ =	sdelay $0x1  }
0x9a: {  	s5 =	simm.s32 $_scs_section_size  }
0x9b: {  	s6 =	simm.s32 $_size__tile_overlayer_lowered;
	s7 =	simm.s32 $_tile_overlayer_lowered  }
0x9c: {  	s22 =	simm.s32 $0x1BFF;
	s21 =	sshll.u32 s7, $0x1;
	s4 =	sadd.s32 s5, s19  }
0x9d: {  	s8 =	simm.s32 $0x0;
	s20 =	sshll.u32 s6, $0x1;
	s6 =	sadd.s32 s21, s4  }
0x9e: {  	[timem:s8], [sflag:s22] =	dma.local [hbm:s6], s20  }
0x9f: {  	_ =	swait.ge [sflag:s22], s20  }
0xa0: {  	s5 =	ssub.s32 $0x0, s20;
	[sflag:s22] =	ssyncset.done $0x0  }
0xa1: {  	[sflag:s22] =	ssyncadd.s32 s5;
	_ =	sdelay $0x1  }
0xa2: {  	s23 =	simm.s32 $0x1B8B  }
0xa3: {  	_ =	swait.ge [sflag:s23], $0x1  }
0xa4: {  	[sflag:s23] =	ssyncset.done $0x0  }
0xa5: {  	s25 =	simm.s32 $0x1B8E;
	s24 =	sld [smem:$0x3FFE];
	[sflag:s23] =	ssyncadd.s32 $0xFFFFFFFF  }
0xa6: {  	s26 =	simm.s32 $execute0_lowered;
	[smem:$0x3FD2] =	sst s25  }
0xa7: {  	s6 =	sshll.u32 s26, $0x1;
	_ =	strace $0x80000046;
	[dreg:$0x1] =	wrdreg $0xFFFFFFFF  }
0xa8: {  	s28 =	simm.s32 $_size_execute0_lowered;
	s4 =	sadd.s32 s4, s6;
	[dreg:$0x0] =	wrdreg $0x0  }
0xa9: {  	s6 =	sshll.u32 s28, $0x1;
	[dreg:$0x2] =	wrdreg s4  }
0xaa: {  	[dreg:$0x3] =	wrdreg s6  }
0xab: {  	[dreg:$0x4] =	wrdreg $0xC0  }
0xac: {  	_ =	task [dreg:s8], $0x5FFFF  }
0xad: {  	[dreg:$0x1] =	wrdreg $0xFFFFFFFF  }
0xae: {  	[dreg:$0x0] =	wrdreg $0x60  }
0xaf: {  	[dreg:$0x2] =	wrdreg s2  }
0xb0: {  	[dreg:$0x3] =	wrdreg s24  }
0xb1: {  	[dreg:$0x4] =	wrdreg s18  }
0xb2: {  	[dreg:$0x5] =	wrdreg $0x9  }
0xb3: {  	_ =	task.clear_ibuf [dreg:s8], $0x6FFFF;
	_ =	strace $0x90000046  }
0xb4: {  	s29 =	simm.s32 $0x9;
	_ =	strace $0x80000048  }
0xb5: {  	_ =	swait.ge [sflag:s29], $0x1  }
0xb6: {  	[sflag:s29] =	ssyncadd.s32 $0xFFFFFFFF  }
0xb7: {  	_ =	strace $0x90000048  }
0xb8: {  	_ =	sfence  }
0xb9: {  	s30 =	sld [smem:$0x0];
	_ =	sdelay $0x2  }
0xba: {  	s31 =	sshll.u32 s1, $0xD;
	s1 =	sshrl.u32 s1, $0x2  }
0xbb: {  	s3 =	sand.u32 $0x4000, s31;
	s1 =	sadd.s32 s1, s30  }
0xbc: {  	s0 =	sor.u32 s3, s0;
	s1 =	sshll.u32 s1, $0x11  }
0xbd: {  	s0 =	sor.u32 s1, s0  }
0xbe: {  	s0 =	sadd.s32 $0x8F2B, s0  }
0xbf: {  	[sflag:s0] =	ssyncadd.remote.s32 $0x1  }
0xc0: {  	_ =	sfence.sel $0xFFFF  }
0xc1: {  	[dreg:$0x0] =	wrdreg $0xFFFFFFFF;
	(pc) =	sbr.abs _section_cstart, $3  }
0xc2: {  	[dreg:$0x1] =	wrdreg $0xFFFFFFFF  }
0xc3: {  	_ =	task.clear_ibuf [dreg:s8], $0x2FFFF;
	_ =	strace $0x9FFFFFFF  }
0xc4: {  	(tm) =	ssettm $0x7FFFFFFF  }
0xc5: {  	_ =	shalt  }
tec
execute0_lowered:
.L_overlay_start_1:
0x0: {  	(tag) =	ssettag $0x1  }
0x1: {  	s0 =	rddreg [dreg:$0x0]  }
0x2: {  	s2 =	rddreg [dreg:$0x1]  }
0x3: {  	s1 =	srdreg.scid;
	s9 =	rddreg [dreg:$0x2]  }
0x4: {  	s3 =	stileid.u32;
	s7 =	simm.s32 $0x0;
	s8 =	simm.s32 $0x3  }
0x5: {  	s10 =	simm.s32 $0x1000;
	s11 =	simm.s32 $0x2680;
	s12 =	simm.s32 $0x3D00  }
0x6: {  	s13 =	simm.s32 $0x4500;
	s14 =	simm.s32 $0x4D00;
	s15 =	simm.s32 $0x5500  }
0x7: {  	s16 =	simm.s32 $0x5D00;
	s17 =	simm.s32 $0x6500;
	s18 =	simm.s32 $0x1  }
0x8: {  	s19 =	simm.s32 $0x6D00;
	s20 =	simm.s32 $0x7500;
	s21 =	simm.s32 $0x7D00  }
0x9: {  	s22 =	simm.s32 $0x8500;
	s23 =	simm.s32 $0x8D00;
	s1 =	sand.u32 $0x1, s1  }
0xa: {  	s24 =	simm.s32 $0x9500;
	s25 =	simm.s32 $0x9D00;
	s4 =	sshll.u32 s1, $0x4  }
0xb: {  	s26 =	simm.s32 $0x2;
	s1 =	ssub.s32 $0x2, s1;
	s4 =	sor.u32 s3, s4  }
0xc: {  	v1 =	vimm.f32 $0.0e+00;
	s29 =	simm.s32 $0x0;
	s31 =	sshrl.u32 s1, $0x1;
	s6 =	smul.u32 $0x2800, s4  }
0xd: {  	v2 =	vimm.s32 $0x0;
	v3 =	vlaneseq.u32;
	v4 =	vimm.s32 $0x140;
	[smem:$0x7FF] =	sst s7;
	s5 =	sadd.s32 $0x1000, s2;
	s1 =	ssub.s32 s1, s31  }
0xe: {  	vm0 =	vmmov $0xffff;
	v5 =	vand.u32 $0x7, v3;
	v6 =	vshrl.u32 v3, $0x3;
	s4 =	smul.u32 $0x140, s4;
	s1 =	smax.u32 s1, $0x1;
	s2 =	sadd.s32 s6, s2  }
0xf: {  	v7 =	vor.u32 $0x8, v3;
	v8 =	vor.u32 $0x10, v3;
	v9 =	vor.u32 $0x20, v3;
	_ =	strace $0x80000047;
	[dreg:$0x5] =	wrdreg s1;
	s2 =	sadd.s32 $0x6000, s2  }
0x10: {  	v10 =	vor.u32 $0x30, v3;
	v6 =	vmul.u32 $0x8, v6;
	s3 =	simm.s32 $0x800;
	v0 =	vmov s4;
	[dreg:$0x4] =	wrdreg s2;
	s2 =	simm.s32 $0x0  }
.LBB2_1:
0x11: {  	s1 =	sand.u32 $0x1F800, s7;
	s31 =	sand.u32 $0x380, s7  }
0x12: {  	s1 =	sor.u32 s31, s1  }
0x13: {  	[tilespmem:s1+$0xA170] =	vst v1  }
0x14: {  	[tilespmem:s1+$0x9D00] =	vst v1  }
0x15: {  	[tilespmem:s1+$0x9D10] =	vst v1  }
0x16: {  	[tilespmem:s1+$0x9D20] =	vst v1  }
0x17: {  	[tilespmem:s1+$0x9D30] =	vst v1  }
0x18: {  	[tilespmem:s1+$0x9D40] =	vst v1  }
0x19: {  	[tilespmem:s1+$0x9D50] =	vst v1  }
0x1a: {  	[tilespmem:s1+$0x9D60] =	vst v1  }
0x1b: {  	[tilespmem:s1+$0x9D70] =	vst v1  }
0x1c: {  	[tilespmem:s1+$0xA100] =	vst v1  }
0x1d: {  	[tilespmem:s1+$0xA110] =	vst v1  }
0x1e: {  	[tilespmem:s1+$0xA120] =	vst v1  }
0x1f: {  	[tilespmem:s1+$0xA130] =	vst v1  }
0x20: {  	[dreg:$0x6] =	wrdreg s2;
	s4 =	simm.s32 $0x100;
	s2 =	simm.s32 $0x80;
	[tilespmem:s1+$0xA140] =	vst v1  }
0x21: {  	s6 =	sand.u32 $0x1F800, s4;
	s7 =	sand.u32 $0x380, s2;
	s4 =	simm.s32 $0x200;
	[tilespmem:s1+$0xA150] =	vst v1  }
.LBB2_2:
0x22: {  	p0 =	sne.s32 s4, $0x14000;
	[tilespmem:s1+$0xA160] =	vst v1;
	s1 =	sor.u32 s7, s6  }
0x23: {  	[tilespmem:s1+$0xA170] =	vst v1  }
0x24: {  	[tilespmem:s1+$0x9D00] =	vst v1  }
0x25: {  	[tilespmem:s1+$0x9D10] =	vst v1  }
0x26: {  	[tilespmem:s1+$0x9D20] =	vst v1  }
0x27: {  	[tilespmem:s1+$0x9D30] =	vst v1  }
0x28: {  	[tilespmem:s1+$0x9D40] =	vst v1  }
0x29: {  	[tilespmem:s1+$0x9D50] =	vst v1  }
0x2a: {  	[tilespmem:s1+$0x9D60] =	vst v1  }
0x2b: {  	[tilespmem:s1+$0x9D70] =	vst v1  }
0x2c: {  	[tilespmem:s1+$0xA100] =	vst v1  }
.Ltmp0:
0x2d: {  	[tilespmem:s1+$0xA110] =	vst v1;
	(pc) =	sbr.rel @p0 .LBB2_2-.Ltmp0, $4  }
0x2e: {  	[tilespmem:s1+$0xA120] =	vst v1  }
0x2f: {  	[tilespmem:s1+$0xA130] =	vst v1  }
0x30: {  	s2 =	sadd.s32 $0x80, s2;
	[tilespmem:s1+$0xA140] =	vst v1  }
0x31: {  	s6 =	sand.u32 $0x1F800, s4;
	s4 =	sadd.s32 $0x100, s4;
	s7 =	sand.u32 $0x380, s2;
	[tilespmem:s1+$0xA150] =	vst v1  }
0x32: {  	s2 =	sor.u32 s7, s6;
	[tilespmem:s1+$0xA160] =	vst v1  }
0x33: {  	[tilespmem:s2+$0xA170] =	vst v1  }
0x34: {  	[tilespmem:s2+$0x9D00] =	vst v1  }
0x35: {  	[tilespmem:s2+$0x9D10] =	vst v1  }
0x36: {  	[tilespmem:s2+$0x9D20] =	vst v1  }
0x37: {  	[tilespmem:s2+$0x9D30] =	vst v1  }
0x38: {  	[tilespmem:s2+$0x9D40] =	vst v1  }
0x39: {  	[tilespmem:s2+$0x9D50] =	vst v1  }
0x3a: {  	[tilespmem:s2+$0x9D60] =	vst v1  }
0x3b: {  	[tilespmem:s2+$0x9D70] =	vst v1  }
0x3c: {  	[tilespmem:s2+$0xA100] =	vst v1  }
0x3d: {  	[tilespmem:s2+$0xA110] =	vst v1  }
0x3e: {  	[tilespmem:s2+$0xA120] =	vst v1  }
0x3f: {  	[tilespmem:s2+$0xA130] =	vst v1  }
0x40: {  	[tilespmem:s2+$0xA140] =	vst v1  }
0x41: {  	[tilespmem:s2+$0xA150] =	vst v1  }
0x42: {  	s1 =	simm.s32 $0x0;
	[tilespmem:s2+$0xA160] =	vst v1;
	s2 =	simm.s32 $0x0  }
.LBB2_4:
0x43: {  	p0 =	sne.s32 s2, $0x5900  }
.Ltmp1:
0x44: {  	_ = 	snop;
	(pc) =	sbr.rel @p0 .LBB2_4-.Ltmp1, $4  }
0x45: {  	_ = 	snop  }
0x46: {  	s4 =	sshra.s32 s2, $0x2  }
0x47: {  	[tilespmem:s4+$0x1000] =	vst v2  }
0x48: {  	s2 =	sadd.s32 $0x40, s2;
	[tilespmem:s4+$0x2680] =	vst v4  }
0x49: {  	v11 =	vimm.s32 $0xFFFFFFFF  }
.LBB2_6:
0x4a: {  	s4 =	sshll.u32 s1, $0x8  }
0x4b: {  	s2 =	simm.s32 $0x0;
	s6 =	sadd.s32 s5, s4  }
0x4c: {  	[tilespmem:s2], [sflag:$0x3] =	stream.linear.gather [hbm4b:s6+s2], $0x800, $0x38;
	[tilespmem:$0x1E500] =	vst v63  }
0x4d: {  	_ =	swait.ge [sflag:s8], $0x800  }
0x4e: {  	[sflag:s8] =	ssyncset.done $0x0  }
0x4f: {  	s4 =	sadd.s32 s9, s4;
	[sflag:s8] =	ssyncadd.s32 $0xFFFFF800  }
0x50: {  	[tilespmem:s3], [sflag:$0x3] =	stream.linear.gather [hbm4b:s4+s2], $0x800, $0x38;
	[tilespmem:$0x1E500] =	vst v63  }
0x51: {  	_ =	swait.ge [sflag:s8], $0x800  }
0x52: {  	[sflag:s8] =	ssyncset.done $0x0  }
0x53: {  	[sflag:s8] =	ssyncadd.s32 $0xFFFFF800  }
.LBB2_7:
0x54: {  	s4 =	sshra.s32 s2, $0x2  }
0x55: {  	v12 =	vld [tilespmem:s4+$0x800];
	_ =	sdelay $0x4  }
0x56: {  	v12 =	vsub.s32 v12, v0  }
0x57: {  	vm1 =	vlt.u32 v12, $0x140  }
0x58: {  	v13 =	vsel vm1, $0x1, v2  }
0x59: {  	(xrf0) =	vadd.scan.msk.s32 $0xffff, v13;
	_ =	sdelay $0x5  }
0x5a: {  	v13, _, _ =	vpop (xrf0)  }
0x5b: {  	v13 =	vadd.s32 v11, v13  }
0x5c: {  	vm2 =	vlt.s32 v13, $0x161F  }
0x5d: {  	v14 =	vld [tilespmem:s4+$0x0];
	v13 =	vnsel vm2, $0x161F, v13;
	_ =	sdelay $0x4  }
0x5e: {  	[tilespmem:v13+s10+$0x0] =	vst.idx.msk vm1, v14  }
0x5f: {  	[tilespmem:v13+s11+$0x0] =	vst.idx.msk vm1, v12  }
0x60: {  	v12 =	vld [tilespmem:s4+$0x810];
	_ =	sdelay $0x4  }
0x61: {  	v12 =	vsub.s32 v12, v0  }
0x62: {  	vm2 =	vlt.u32 v12, $0x140  }
0x63: {  	v43 =	vsel vm2, $0x1, v2  }
0x64: {  	(xrf0) =	vadd.scan.msk.s32 $0xffff, v43;
	_ =	sdelay $0x3  }
0x65: {  	v44 =	vmpcnt.ones.xlane vm1;
	_ =	sdelay $0x1  }
0x66: {  	v11 =	vadd.s32 v11, v44;
	v45, _, _ =	vpop (xrf0)  }
0x67: {  	v13 =	vadd.s32 v11, v45  }
0x68: {  	vm1 =	vlt.s32 v13, $0x161F  }
0x69: {  	v14 =	vld [tilespmem:s4+$0x10];
	v13 =	vnsel vm1, $0x161F, v13;
	_ =	sdelay $0x4  }
0x6a: {  	[tilespmem:v13+s10+$0x0] =	vst.idx.msk vm2, v14  }
0x6b: {  	[tilespmem:v13+s11+$0x0] =	vst.idx.msk vm2, v12  }
0x6c: {  	v12 =	vld [tilespmem:s4+$0x820];
	_ =	sdelay $0x4  }
0x6d: {  	v12 =	vsub.s32 v12, v0  }
0x6e: {  	vm1 =	vlt.u32 v12, $0x140  }
0x6f: {  	v46 =	vsel vm1, $0x1, v2  }
0x70: {  	(xrf0) =	vadd.scan.msk.s32 $0xffff, v46;
	_ =	sdelay $0x3  }
0x71: {  	v47 =	vmpcnt.ones.xlane vm2;
	_ =	sdelay $0x1  }
0x72: {  	v11 =	vadd.s32 v11, v47;
	v48, _, _ =	vpop (xrf0)  }
0x73: {  	v13 =	vadd.s32 v11, v48  }
0x74: {  	vm2 =	vlt.s32 v13, $0x161F  }
0x75: {  	v14 =	vld [tilespmem:s4+$0x20];
	v13 =	vnsel vm2, $0x161F, v13;
	_ =	sdelay $0x4  }
0x76: {  	[tilespmem:v13+s10+$0x0] =	vst.idx.msk vm1, v14  }
0x77: {  	[tilespmem:v13+s11+$0x0] =	vst.idx.msk vm1, v12  }
0x78: {  	v12 =	vld [tilespmem:s4+$0x830];
	_ =	sdelay $0x4  }
0x79: {  	v12 =	vsub.s32 v12, v0  }
0x7a: {  	vm2 =	vlt.u32 v12, $0x140  }
0x7b: {  	v49 =	vsel vm2, $0x1, v2  }
0x7c: {  	(xrf0) =	vadd.scan.msk.s32 $0xffff, v49;
	_ =	sdelay $0x3  }
0x7d: {  	v50 =	vmpcnt.ones.xlane vm1;
	_ =	sdelay $0x1  }
0x7e: {  	v11 =	vadd.s32 v11, v50;
	v51, _, _ =	vpop (xrf0)  }
0x7f: {  	v13 =	vadd.s32 v11, v51  }
0x80: {  	vm1 =	vlt.s32 v13, $0x161F  }
0x81: {  	v14 =	vld [tilespmem:s4+$0x30];
	v13 =	vnsel vm1, $0x161F, v13;
	_ =	sdelay $0x4  }
0x82: {  	[tilespmem:v13+s10+$0x0] =	vst.idx.msk vm2, v14  }
0x83: {  	[tilespmem:v13+s11+$0x0] =	vst.idx.msk vm2, v12  }
0x84: {  	v12 =	vld [tilespmem:s4+$0x840];
	_ =	sdelay $0x4  }
0x85: {  	v12 =	vsub.s32 v12, v0  }
0x86: {  	vm1 =	vlt.u32 v12, $0x140  }
0x87: {  	v52 =	vsel vm1, $0x1, v2  }
0x88: {  	(xrf0) =	vadd.scan.msk.s32 $0xffff, v52;
	_ =	sdelay $0x3  }
0x89: {  	v53 =	vmpcnt.ones.xlane vm2;
	_ =	sdelay $0x1  }
0x8a: {  	v11 =	vadd.s32 v11, v53;
	v54, _, _ =	vpop (xrf0)  }
0x8b: {  	v13 =	vadd.s32 v11, v54  }
0x8c: {  	vm2 =	vlt.s32 v13, $0x161F  }
0x8d: {  	v14 =	vld [tilespmem:s4+$0x40];
	v13 =	vnsel vm2, $0x161F, v13;
	_ =	sdelay $0x4  }
0x8e: {  	[tilespmem:v13+s10+$0x0] =	vst.idx.msk vm1, v14  }
0x8f: {  	[tilespmem:v13+s11+$0x0] =	vst.idx.msk vm1, v12  }
0x90: {  	v12 =	vld [tilespmem:s4+$0x850];
	_ =	sdelay $0x4  }
0x91: {  	v12 =	vsub.s32 v12, v0  }
0x92: {  	vm2 =	vlt.u32 v12, $0x140  }
0x93: {  	v55 =	vsel vm2, $0x1, v2  }
0x94: {  	(xrf0) =	vadd.scan.msk.s32 $0xffff, v55;
	_ =	sdelay $0x3  }
0x95: {  	v56 =	vmpcnt.ones.xlane vm1;
	_ =	sdelay $0x1  }
0x96: {  	v11 =	vadd.s32 v11, v56;
	v57, _, _ =	vpop (xrf0)  }
0x97: {  	v13 =	vadd.s32 v11, v57  }
0x98: {  	vm1 =	vlt.s32 v13, $0x161F  }
0x99: {  	v14 =	vld [tilespmem:s4+$0x50];
	v13 =	vnsel vm1, $0x161F, v13;
	_ =	sdelay $0x4  }
0x9a: {  	[tilespmem:v13+s10+$0x0] =	vst.idx.msk vm2, v14  }
0x9b: {  	[tilespmem:v13+s11+$0x0] =	vst.idx.msk vm2, v12  }
0x9c: {  	v12 =	vld [tilespmem:s4+$0x860];
	_ =	sdelay $0x4  }
0x9d: {  	v12 =	vsub.s32 v12, v0  }
0x9e: {  	vm1 =	vlt.u32 v12, $0x140  }
0x9f: {  	v58 =	vsel vm1, $0x1, v2  }
0xa0: {  	(xrf0) =	vadd.scan.msk.s32 $0xffff, v58;
	_ =	sdelay $0x3  }
0xa1: {  	v59 =	vmpcnt.ones.xlane vm2;
	_ =	sdelay $0x1  }
0xa2: {  	v11 =	vadd.s32 v11, v59;
	v60, _, _ =	vpop (xrf0)  }
0xa3: {  	v13 =	vadd.s32 v11, v60  }
0xa4: {  	vm2 =	vlt.s32 v13, $0x161F  }
0xa5: {  	v14 =	vld [tilespmem:s4+$0x60];
	v13 =	vnsel vm2, $0x161F, v13;
	_ =	sdelay $0x4  }
0xa6: {  	[tilespmem:v13+s10+$0x0] =	vst.idx.msk vm1, v14  }
0xa7: {  	[tilespmem:v13+s11+$0x0] =	vst.idx.msk vm1, v12  }
0xa8: {  	v12 =	vld [tilespmem:s4+$0x870];
	_ =	sdelay $0x4  }
0xa9: {  	v12 =	vsub.s32 v12, v0  }
0xaa: {  	vm2 =	vlt.u32 v12, $0x140  }
0xab: {  	v61 =	vsel vm2, $0x1, v2  }
0xac: {  	(xrf0) =	vadd.scan.msk.s32 $0xffff, v61;
	_ =	sdelay $0x3  }
0xad: {  	v62 =	vmpcnt.ones.xlane vm1;
	_ =	sdelay $0x1  }
0xae: {  	v11 =	vadd.s32 v11, v62;
	v63, _, _ =	vpop (xrf0)  }
0xaf: {  	v13 =	vadd.s32 v11, v63  }
0xb0: {  	vm1 =	vlt.s32 v13, $0x161F  }
0xb1: {  	v14 =	vld [tilespmem:s4+$0x70];
	v13 =	vnsel vm1, $0x161F, v13  }
0xb2: {  	p0 =	sne.s32 s2, $0x1E00  }
.Ltmp2:
0xb3: {  	_ = 	snop;
	(pc) =	sbr.rel @p0 .LBB2_7-.Ltmp2, $4  }
0xb4: {  	_ = 	snop  }
0xb5: {  	v15 =	vmpcnt.ones.xlane vm2  }
0xb6: {  	[tilespmem:v13+s10+$0x0] =	vst.idx.msk vm2, v14  }
0xb7: {  	s2 =	sadd.s32 $0x200, s2;
	v11 =	vadd.s32 v11, v15;
	[tilespmem:v13+s11+$0x0] =	vst.idx.msk vm2, v12  }
0xb8: {  	s1 =	sadd.s32 $0x1, s1  }
0xb9: {  	p0 =	sne.s32 s1, $0x50  }
.Ltmp3:
0xba: {  	_ = 	snop;
	(pc) =	sbr.rel @p0 .LBB2_6-.Ltmp3, $1  }
0xbb: {  	_ =	sdelay $0x3  }
0xbc: {  	v11 =	vld [tilespmem:$0x1000];
	_ =	sdelay $0x4  }
0xbd: {  	v12 =	vshll.u32 v11, $0x1  }
0xbe: {  	v11 =	vand.u32 $0x7, v11;
	v12 =	vand.u32 $0xFFFFFFF0, v12  }
0xbf: {  	v11 =	vor.u32 v11, v12  }
0xc0: {  	v12 =	vperm.xlane v11, v5;
	_ =	sdelay $0x1  }
0xc1: {  	v11 =	vperm.xlane v11, v7;
	v12 =	vadd.s32 v6, v12;
	_ =	sdelay $0x1  }
0xc2: {  	v11 =	vadd.s32 v6, v11;
	_ =	sdelay $0x2  }
0xc3: {  	[tilespmem:s12], [sflag:$0x1] =	stream.indirect_vreg.gather [hbm4b:s0+s29], $0x80, v12, vm0, $0xb8;
	[tilespmem:$0x1E500] =	vst v63  }
0xc4: {  	_ = 	snop  }
0xc5: {  	[tilespmem:s13], [sflag:$0x1] =	stream.indirect_vreg.gather [hbm4b:s0+s29], $0x80, v11, vm0, $0xb8;
	[tilespmem:$0x1E500] =	vst v63  }
0xc6: {  	v11 =	vld [tilespmem:$0x1010];
	_ =	sdelay $0x4  }
0xc7: {  	v62 =	vshll.u32 v11, $0x1  }
0xc8: {  	v11 =	vand.u32 $0x7, v11;
	v12 =	vand.u32 $0xFFFFFFF0, v62  }
0xc9: {  	v11 =	vor.u32 v11, v12  }
0xca: {  	v12 =	vperm.xlane v11, v5;
	_ =	sdelay $0x1  }
0xcb: {  	v11 =	vperm.xlane v11, v7;
	v12 =	vadd.s32 v6, v12;
	_ =	sdelay $0x1  }
0xcc: {  	v11 =	vadd.s32 v6, v11;
	_ =	sdelay $0x2  }
0xcd: {  	[tilespmem:s14], [sflag:$0x1] =	stream.indirect_vreg.gather [hbm4b:s0+s29], $0x80, v12, vm0, $0xb8;
	[tilespmem:$0x1E500] =	vst v63  }
0xce: {  	_ = 	snop  }
0xcf: {  	[tilespmem:s15], [sflag:$0x1] =	stream.indirect_vreg.gather [hbm4b:s0+s29], $0x80, v11, vm0, $0xb8;
	[tilespmem:$0x1E500] =	vst v63  }
0xd0: {  	v11 =	vld [tilespmem:$0x1020];
	_ =	sdelay $0x4  }
0xd1: {  	v63 =	vshll.u32 v11, $0x1  }
0xd2: {  	v11 =	vand.u32 $0x7, v11;
	v12 =	vand.u32 $0xFFFFFFF0, v63  }
0xd3: {  	v11 =	vor.u32 v11, v12  }
0xd4: {  	v12 =	vperm.xlane v11, v5;
	_ =	sdelay $0x1  }
0xd5: {  	v11 =	vperm.xlane v11, v7;
	v12 =	vadd.s32 v6, v12;
	_ =	sdelay $0x1  }
0xd6: {  	v11 =	vadd.s32 v6, v11;
	_ =	sdelay $0x2  }
0xd7: {  	[tilespmem:s16], [sflag:$0x1] =	stream.indirect_vreg.gather [hbm4b:s0+s29], $0x80, v12, vm0, $0xb8;
	[tilespmem:$0x1E500] =	vst v63  }
0xd8: {  	s30 =	simm.s32 $0x30;
	s31 =	simm.s32 $0x0;
	s1 =	simm.s32 $0x0  }
0xd9: {  	[tilespmem:s17], [sflag:$0x1] =	stream.indirect_vreg.gather [hbm4b:s0+s29], $0x80, v11, vm0, $0xb8;
	[tilespmem:$0x1E500] =	vst v63  }
.LBB2_10:
0xda: {  	_ =	swait.ge [sflag:s18], $0x3000  }
0xdb: {  	s2 =	smul.u32 $0x60, s1;
	[sflag:s18] =	ssyncset.done $0x0  }
0xdc: {  	[sflag:s18] =	ssyncadd.s32 $0xFFFFD000  }
0xdd: {  	v11 =	vld [tilespmem:s2+$0x1030];
	_ =	sdelay $0x4  }
0xde: {  	v12 =	vshll.u32 v11, $0x1  }
0xdf: {  	v11 =	vand.u32 $0x7, v11;
	v12 =	vand.u32 $0xFFFFFFF0, v12  }
0xe0: {  	v11 =	vor.u32 v11, v12  }
0xe1: {  	v12 =	vperm.xlane v11, v5;
	_ =	sdelay $0x1  }
0xe2: {  	v11 =	vperm.xlane v11, v7;
	v12 =	vadd.s32 v6, v12;
	_ =	sdelay $0x1  }
0xe3: {  	v11 =	vadd.s32 v6, v11;
	_ =	sdelay $0x2  }
0xe4: {  	[tilespmem:s19], [sflag:$0x2] =	stream.indirect_vreg.gather [hbm4b:s0+s29], $0x80, v12, vm0, $0xb8;
	[tilespmem:$0x1E500] =	vst v63  }
0xe5: {  	_ = 	snop  }
0xe6: {  	[tilespmem:s20], [sflag:$0x2] =	stream.indirect_vreg.gather [hbm4b:s0+s29], $0x80, v11, vm0, $0xb8;
	[tilespmem:$0x1E500] =	vst v63  }
0xe7: {  	v11 =	vld [tilespmem:s2+$0x1040];
	_ =	sdelay $0x4  }
0xe8: {  	v12 =	vshll.u32 v11, $0x1  }
0xe9: {  	v11 =	vand.u32 $0x7, v11;
	v12 =	vand.u32 $0xFFFFFFF0, v12  }
0xea: {  	v11 =	vor.u32 v11, v12  }
0xeb: {  	v12 =	vperm.xlane v11, v5;
	_ =	sdelay $0x1  }
0xec: {  	v11 =	vperm.xlane v11, v7;
	v12 =	vadd.s32 v6, v12;
	_ =	sdelay $0x1  }
0xed: {  	v11 =	vadd.s32 v6, v11;
	_ =	sdelay $0x2  }
0xee: {  	[tilespmem:s21], [sflag:$0x2] =	stream.indirect_vreg.gather [hbm4b:s0+s29], $0x80, v12, vm0, $0xb8;
	[tilespmem:$0x1E500] =	vst v63  }
0xef: {  	_ = 	snop  }
0xf0: {  	[tilespmem:s22], [sflag:$0x2] =	stream.indirect_vreg.gather [hbm4b:s0+s29], $0x80, v11, vm0, $0xb8;
	[tilespmem:$0x1E500] =	vst v63  }
0xf1: {  	v11 =	vld [tilespmem:s2+$0x1050];
	_ =	sdelay $0x4  }
0xf2: {  	v12 =	vshll.u32 v11, $0x1  }
0xf3: {  	v11 =	vand.u32 $0x7, v11;
	v12 =	vand.u32 $0xFFFFFFF0, v12  }
0xf4: {  	v11 =	vor.u32 v11, v12  }
0xf5: {  	v12 =	vperm.xlane v11, v5;
	_ =	sdelay $0x1  }
0xf6: {  	v11 =	vperm.xlane v11, v7;
	v12 =	vadd.s32 v6, v12;
	_ =	sdelay $0x1  }
0xf7: {  	v11 =	vadd.s32 v6, v11  }
0xf8: {  	v13 =	vmov s31;
	_ =	sdelay $0x1  }
0xf9: {  	[tilespmem:s23], [sflag:$0x2] =	stream.indirect_vreg.gather [hbm4b:s0+s29], $0x80, v12, vm0, $0xb8;
	[tilespmem:$0x1E500] =	vst v63  }
0xfa: {  	_ = 	snop  }
0xfb: {  	[tilespmem:s24], [sflag:$0x2] =	stream.indirect_vreg.gather [hbm4b:s0+s29], $0x80, v11, vm0, $0xb8;
	[tilespmem:$0x1E500] =	vst v63  }
0xfc: {  	v11 =	vld.idx.msk [tilespmem:v13+s11+$0x0], $0xffff;
	_ =	sdelay $0x4  }
0xfd: {  	v12 =	vshll.u32 v11, $0x8;
	v11 =	vshll.u32 v11, $0x7  }
0xfe: {  	s28 =	sand.u32 $0x3800, s29;
	s4 =	sand.u32 $0x380, s29;
	v12 =	vand.u32 $0xFFFFF800, v12;
	v11 =	vand.u32 $0x380, v11  }
0xff: {  	s4 =	sor.u32 s4, s28;
	v23 =	vor.u32 v11, v12  }
0x100: {  	v11 =	vld [tilespmem:s4+$0x3D00];
	v12 =	vor.u32 v3, v23;
	_ =	sdelay $0x4  }
0x101: {  	[tilespmem:v12+s25+$0x0] =	vst.idx.add.f32.msk $0xffff, v11  }
0x102: {  	v12 =	vor.u32 v8, v23;
	v11 =	vld [tilespmem:s4+$0x3D10];
	_ =	sdelay $0x4  }
0x103: {  	[tilespmem:v12+s25+$0x0] =	vst.idx.add.f32.msk $0xffff, v11  }
0x104: {  	v12 =	vor.u32 v9, v23;
	v11 =	vld [tilespmem:s4+$0x3D20];
	_ =	sdelay $0x4  }
0x105: {  	[tilespmem:v12+s25+$0x0] =	vst.idx.add.f32.msk $0xffff, v11  }
0x106: {  	v12 =	vor.u32 v10, v23;
	v11 =	vld [tilespmem:s4+$0x3D30];
	_ =	sdelay $0x4  }
0x107: {  	[tilespmem:v12+s25+$0x0] =	vst.idx.add.f32.msk $0xffff, v11;
	v11 =	vor.u32 $0x40, v3  }
0x108: {  	v12 =	vld [tilespmem:s4+$0x3D40];
	v13 =	vor.u32 v11, v23;
	_ =	sdelay $0x4  }
0x109: {  	[tilespmem:v13+s25+$0x0] =	vst.idx.add.f32.msk $0xffff, v12;
	v12 =	vor.u32 $0x50, v3  }
0x10a: {  	v13 =	vld [tilespmem:s4+$0x3D50];
	v14 =	vor.u32 v12, v23;
	_ =	sdelay $0x4  }
0x10b: {  	[tilespmem:v14+s25+$0x0] =	vst.idx.add.f32.msk $0xffff, v13;
	v13 =	vor.u32 $0x60, v3  }
0x10c: {  	v14 =	vld [tilespmem:s4+$0x3D60];
	v15 =	vor.u32 v13, v23;
	_ =	sdelay $0x4  }
0x10d: {  	[tilespmem:v15+s25+$0x0] =	vst.idx.add.f32.msk $0xffff, v14;
	v14 =	vor.u32 $0x70, v3  }
0x10e: {  	v15 =	vld [tilespmem:s4+$0x3D70];
	v16 =	vor.u32 v14, v23;
	_ =	sdelay $0x4  }
0x10f: {  	[tilespmem:v16+s25+$0x0] =	vst.idx.add.f32.msk $0xffff, v15;
	v15 =	vor.u32 $0x400, v3  }
0x110: {  	v16 =	vld [tilespmem:s4+$0x4100];
	v17 =	vor.u32 v15, v23;
	_ =	sdelay $0x4  }
0x111: {  	[tilespmem:v17+s25+$0x0] =	vst.idx.add.f32.msk $0xffff, v16;
	v16 =	vor.u32 $0x410, v3  }
0x112: {  	v17 =	vld [tilespmem:s4+$0x4110];
	v18 =	vor.u32 v16, v23;
	_ =	sdelay $0x4  }
0x113: {  	[tilespmem:v18+s25+$0x0] =	vst.idx.add.f32.msk $0xffff, v17;
	v17 =	vor.u32 $0x420, v3  }
0x114: {  	v18 =	vld [tilespmem:s4+$0x4120];
	v19 =	vor.u32 v17, v23;
	_ =	sdelay $0x4  }
0x115: {  	[tilespmem:v19+s25+$0x0] =	vst.idx.add.f32.msk $0xffff, v18;
	v18 =	vor.u32 $0x430, v3  }
0x116: {  	v19 =	vld [tilespmem:s4+$0x4130];
	v20 =	vor.u32 v18, v23;
	_ =	sdelay $0x4  }
0x117: {  	[tilespmem:v20+s25+$0x0] =	vst.idx.add.f32.msk $0xffff, v19;
	v19 =	vor.u32 $0x440, v3  }
0x118: {  	v20 =	vld [tilespmem:s4+$0x4140];
	v21 =	vor.u32 v19, v23;
	_ =	sdelay $0x4  }
0x119: {  	[tilespmem:v21+s25+$0x0] =	vst.idx.add.f32.msk $0xffff, v20;
	v20 =	vor.u32 $0x450, v3  }
0x11a: {  	v21 =	vld [tilespmem:s4+$0x4150];
	v22 =	vor.u32 v20, v23;
	_ =	sdelay $0x4  }
0x11b: {  	[tilespmem:v22+s25+$0x0] =	vst.idx.add.f32.msk $0xffff, v21;
	v21 =	vor.u32 $0x460, v3  }
0x11c: {  	v22 =	vld [tilespmem:s4+$0x4160];
	v24 =	vor.u32 v21, v23;
	_ =	sdelay $0x4  }
0x11d: {  	[tilespmem:v24+s25+$0x0] =	vst.idx.add.f32.msk $0xffff, v22;
	v22 =	vor.u32 $0x470, v3  }
0x11e: {  	s6 =	sadd.s32 $0x1, s31;
	v24 =	vld [tilespmem:s4+$0x4170];
	v25 =	vor.u32 v22, v23  }
0x11f: {  	s7 =	simm.s32 $0x200;
	s2 =	simm.s32 $0x100;
	v23 =	vmov s6;
	s4 =	simm.s32 $0x0  }
.LBB2_11:
0x120: {  	_ =	sdelay $0x1  }
0x121: {  	p0 =	sne.s32 s7, $0x2F00  }
0x122: {  	s4 =	sadd.s32 $0x80, s4;
	s28 =	smov.u32 s7;
	s7 =	sadd.s32 $0x100, s7;
	[tilespmem:v25+s25+$0x0] =	vst.idx.add.f32.msk $0xffff, v24  }
0x123: {  	v23 =	vld.idx.msk [tilespmem:v23+s11+$0x0], $0xffff;
	_ =	sdelay $0x5  }
0x124: {  	v24 =	vshll.u32 v23, $0x8;
	v23 =	vshll.u32 v23, $0x7  }
0x125: {  	s3 =	sand.u32 $0x3800, s2;
	s9 =	sand.u32 $0x380, s4;
	s2 =	smov.u32 s28;
	v24 =	vand.u32 $0xFFFFF800, v24;
	v23 =	vand.u32 $0x380, v23  }
0x126: {  	s28 =	sor.u32 s9, s3;
	v23 =	vor.u32 v23, v24  }
0x127: {  	v25 =	vor.u32 v3, v23;
	v24 =	vld [tilespmem:s28+$0x3D00];
	_ =	sdelay $0x4  }
0x128: {  	[tilespmem:v25+s25+$0x0] =	vst.idx.add.f32.msk $0xffff, v24  }
0x129: {  	v25 =	vor.u32 v8, v23;
	v24 =	vld [tilespmem:s28+$0x3D10];
	_ =	sdelay $0x4  }
0x12a: {  	[tilespmem:v25+s25+$0x0] =	vst.idx.add.f32.msk $0xffff, v24  }
0x12b: {  	v25 =	vor.u32 v9, v23;
	v24 =	vld [tilespmem:s28+$0x3D20];
	_ =	sdelay $0x4  }
0x12c: {  	[tilespmem:v25+s25+$0x0] =	vst.idx.add.f32.msk $0xffff, v24  }
0x12d: {  	v25 =	vor.u32 v10, v23;
	v24 =	vld [tilespmem:s28+$0x3D30];
	_ =	sdelay $0x4  }
0x12e: {  	[tilespmem:v25+s25+$0x0] =	vst.idx.add.f32.msk $0xffff, v24  }
0x12f: {  	v25 =	vor.u32 v11, v23;
	v24 =	vld [tilespmem:s28+$0x3D40];
	_ =	sdelay $0x4  }
0x130: {  	[tilespmem:v25+s25+$0x0] =	vst.idx.add.f32.msk $0xffff, v24  }
0x131: {  	v25 =	vor.u32 v12, v23;
	v24 =	vld [tilespmem:s28+$0x3D50];
	_ =	sdelay $0x4  }
0x132: {  	[tilespmem:v25+s25+$0x0] =	vst.idx.add.f32.msk $0xffff, v24  }
0x133: {  	v25 =	vor.u32 v13, v23;
	v24 =	vld [tilespmem:s28+$0x3D60];
	_ =	sdelay $0x4  }
0x134: {  	[tilespmem:v25+s25+$0x0] =	vst.idx.add.f32.msk $0xffff, v24  }
0x135: {  	v25 =	vor.u32 v14, v23;
	v24 =	vld [tilespmem:s28+$0x3D70];
	_ =	sdelay $0x4  }
0x136: {  	[tilespmem:v25+s25+$0x0] =	vst.idx.add.f32.msk $0xffff, v24  }
0x137: {  	v25 =	vor.u32 v15, v23;
	v24 =	vld [tilespmem:s28+$0x4100];
	_ =	sdelay $0x4  }
0x138: {  	[tilespmem:v25+s25+$0x0] =	vst.idx.add.f32.msk $0xffff, v24  }
0x139: {  	v25 =	vor.u32 v16, v23;
	v24 =	vld [tilespmem:s28+$0x4110];
	_ =	sdelay $0x4  }
0x13a: {  	[tilespmem:v25+s25+$0x0] =	vst.idx.add.f32.msk $0xffff, v24  }
0x13b: {  	v25 =	vor.u32 v17, v23;
	v24 =	vld [tilespmem:s28+$0x4120];
	_ =	sdelay $0x4  }
0x13c: {  	[tilespmem:v25+s25+$0x0] =	vst.idx.add.f32.msk $0xffff, v24  }
0x13d: {  	v25 =	vor.u32 v18, v23;
	v24 =	vld [tilespmem:s28+$0x4130];
	_ =	sdelay $0x4  }
0x13e: {  	[tilespmem:v25+s25+$0x0] =	vst.idx.add.f32.msk $0xffff, v24  }
0x13f: {  	v25 =	vor.u32 v19, v23;
	v24 =	vld [tilespmem:s28+$0x4140];
	_ =	sdelay $0x4  }
0x140: {  	[tilespmem:v25+s25+$0x0] =	vst.idx.add.f32.msk $0xffff, v24  }
0x141: {  	v25 =	vor.u32 v20, v23;
	v24 =	vld [tilespmem:s28+$0x4150];
	_ =	sdelay $0x4  }
0x142: {  	[tilespmem:v25+s25+$0x0] =	vst.idx.add.f32.msk $0xffff, v24  }
0x143: {  	v25 =	vor.u32 v21, v23;
	v24 =	vld [tilespmem:s28+$0x4160];
	_ =	sdelay $0x2  }
.Ltmp4:
0x144: {  	(pc) =	sbr.rel @p0 .LBB2_11-.Ltmp4, $4  }
0x145: {  	_ = 	snop  }
0x146: {  	[tilespmem:v25+s25+$0x0] =	vst.idx.add.f32.msk $0xffff, v24  }
0x147: {  	s6 =	sadd.s32 $0x1, s6;
	v25 =	vor.u32 v22, v23;
	v24 =	vld [tilespmem:s28+$0x4170]  }
0x148: {  	v23 =	vmov s6  }
0x149: {  	_ =	sdelay $0x3  }
0x14a: {  	[tilespmem:v25+s25+$0x0] =	vst.idx.add.f32.msk $0xffff, v24  }
0x14b: {  	v23 =	vld.idx.msk [tilespmem:v23+s11+$0x0], $0xffff;
	_ =	sdelay $0x4  }
0x14c: {  	s3 =	sadd.s32 $0x80, s4;
	v24 =	vshll.u32 v23, $0x8;
	v23 =	vshll.u32 v23, $0x7  }
0x14d: {  	s2 =	sand.u32 $0x3800, s2;
	s3 =	sand.u32 $0x380, s3;
	v24 =	vand.u32 $0xFFFFF800, v24;
	v23 =	vand.u32 $0x380, v23  }
0x14e: {  	s2 =	sor.u32 s3, s2;
	v23 =	vor.u32 v23, v24  }
0x14f: {  	v24 =	vld [tilespmem:s2+$0x3D00];
	v25 =	vor.u32 v3, v23;
	_ =	sdelay $0x4  }
0x150: {  	[tilespmem:v25+s25+$0x0] =	vst.idx.add.f32.msk $0xffff, v24  }
0x151: {  	v25 =	vor.u32 v8, v23;
	v24 =	vld [tilespmem:s2+$0x3D10];
	_ =	sdelay $0x4  }
0x152: {  	[tilespmem:v25+s25+$0x0] =	vst.idx.add.f32.msk $0xffff, v24  }
0x153: {  	v25 =	vor.u32 v9, v23;
	v24 =	vld [tilespmem:s2+$0x3D20];
	_ =	sdelay $0x4  }
0x154: {  	[tilespmem:v25+s25+$0x0] =	vst.idx.add.f32.msk $0xffff, v24  }
0x155: {  	v25 =	vor.u32 v10, v23;
	v24 =	vld [tilespmem:s2+$0x3D30];
	_ =	sdelay $0x4  }
0x156: {  	[tilespmem:v25+s25+$0x0] =	vst.idx.add.f32.msk $0xffff, v24  }
0x157: {  	v25 =	vor.u32 v11, v23;
	v24 =	vld [tilespmem:s2+$0x3D40];
	_ =	sdelay $0x4  }
0x158: {  	[tilespmem:v25+s25+$0x0] =	vst.idx.add.f32.msk $0xffff, v24  }
0x159: {  	v25 =	vor.u32 v12, v23;
	v24 =	vld [tilespmem:s2+$0x3D50];
	_ =	sdelay $0x4  }
0x15a: {  	[tilespmem:v25+s25+$0x0] =	vst.idx.add.f32.msk $0xffff, v24  }
0x15b: {  	v25 =	vor.u32 v13, v23;
	v24 =	vld [tilespmem:s2+$0x3D60];
	_ =	sdelay $0x4  }
0x15c: {  	[tilespmem:v25+s25+$0x0] =	vst.idx.add.f32.msk $0xffff, v24  }
0x15d: {  	v25 =	vor.u32 v14, v23;
	v24 =	vld [tilespmem:s2+$0x3D70];
	_ =	sdelay $0x4  }
0x15e: {  	[tilespmem:v25+s25+$0x0] =	vst.idx.add.f32.msk $0xffff, v24  }
0x15f: {  	v25 =	vor.u32 v15, v23;
	v24 =	vld [tilespmem:s2+$0x4100];
	_ =	sdelay $0x4  }
0x160: {  	[tilespmem:v25+s25+$0x0] =	vst.idx.add.f32.msk $0xffff, v24  }
0x161: {  	v25 =	vor.u32 v16, v23;
	v24 =	vld [tilespmem:s2+$0x4110];
	_ =	sdelay $0x4  }
0x162: {  	[tilespmem:v25+s25+$0x0] =	vst.idx.add.f32.msk $0xffff, v24  }
0x163: {  	v25 =	vor.u32 v17, v23;
	v24 =	vld [tilespmem:s2+$0x4120];
	_ =	sdelay $0x4  }
0x164: {  	[tilespmem:v25+s25+$0x0] =	vst.idx.add.f32.msk $0xffff, v24  }
0x165: {  	v25 =	vor.u32 v18, v23;
	v24 =	vld [tilespmem:s2+$0x4130];
	_ =	sdelay $0x4  }
0x166: {  	[tilespmem:v25+s25+$0x0] =	vst.idx.add.f32.msk $0xffff, v24  }
0x167: {  	v25 =	vor.u32 v19, v23;
	v24 =	vld [tilespmem:s2+$0x4140];
	_ =	sdelay $0x4  }
0x168: {  	[tilespmem:v25+s25+$0x0] =	vst.idx.add.f32.msk $0xffff, v24  }
0x169: {  	v25 =	vor.u32 v20, v23;
	v24 =	vld [tilespmem:s2+$0x4150];
	_ =	sdelay $0x4  }
0x16a: {  	[tilespmem:v25+s25+$0x0] =	vst.idx.add.f32.msk $0xffff, v24  }
0x16b: {  	v25 =	vor.u32 v21, v23;
	v24 =	vld [tilespmem:s2+$0x4160];
	_ =	sdelay $0x4  }
0x16c: {  	[tilespmem:v25+s25+$0x0] =	vst.idx.add.f32.msk $0xffff, v24  }
0x16d: {  	v23 =	vor.u32 v22, v23;
	v24 =	vld [tilespmem:s2+$0x4170];
	_ =	sdelay $0x4  }
0x16e: {  	[tilespmem:v23+s25+$0x0] =	vst.idx.add.f32.msk $0xffff, v24  }
0x16f: {  	s6 =	smul.u32 $0x180, s1;
	_ =	swait.ge [sflag:s26], $0x3000  }
0x170: {  	[sflag:s26] =	ssyncset.done $0x0  }
0x171: {  	s7 =	sshra.s32 s6, $0x2;
	[sflag:s26] =	ssyncadd.s32 $0xFFFFD000  }
0x172: {  	v23 =	vld [tilespmem:s7+$0x1060];
	_ =	sdelay $0x4  }
0x173: {  	v24 =	vshll.u32 v23, $0x1  }
0x174: {  	v23 =	vand.u32 $0x7, v23;
	v24 =	vand.u32 $0xFFFFFFF0, v24  }
0x175: {  	v23 =	vor.u32 v23, v24  }
0x176: {  	v24 =	vperm.xlane v23, v5;
	_ =	sdelay $0x1  }
0x177: {  	v23 =	vperm.xlane v23, v7;
	v24 =	vadd.s32 v6, v24;
	_ =	sdelay $0x1  }
0x178: {  	v23 =	vadd.s32 v6, v23;
	_ =	sdelay $0x1  }
0x179: {  	s2 =	simm.s32 $0x0  }
0x17a: {  	[tilespmem:s12], [sflag:$0x1] =	stream.indirect_vreg.gather [hbm4b:s0+s2], $0x80, v24, vm0, $0xb8;
	[tilespmem:$0x1E500] =	vst v63  }
0x17b: {  	_ = 	snop  }
0x17c: {  	[tilespmem:s13], [sflag:$0x1] =	stream.indirect_vreg.gather [hbm4b:s0+s2], $0x80, v23, vm0, $0xb8;
	[tilespmem:$0x1E500] =	vst v63  }
0x17d: {  	v23 =	vld [tilespmem:s7+$0x1070];
	_ =	sdelay $0x4  }
0x17e: {  	v24 =	vshll.u32 v23, $0x1  }
0x17f: {  	v23 =	vand.u32 $0x7, v23;
	v24 =	vand.u32 $0xFFFFFFF0, v24  }
0x180: {  	v23 =	vor.u32 v23, v24  }
0x181: {  	v24 =	vperm.xlane v23, v5;
	_ =	sdelay $0x1  }
0x182: {  	v23 =	vperm.xlane v23, v7;
	v24 =	vadd.s32 v6, v24;
	_ =	sdelay $0x1  }
0x183: {  	v23 =	vadd.s32 v6, v23;
	_ =	sdelay $0x2  }
0x184: {  	[tilespmem:s14], [sflag:$0x1] =	stream.indirect_vreg.gather [hbm4b:s0+s2], $0x80, v24, vm0, $0xb8;
	[tilespmem:$0x1E500] =	vst v63  }
0x185: {  	_ = 	snop  }
0x186: {  	[tilespmem:s15], [sflag:$0x1] =	stream.indirect_vreg.gather [hbm4b:s0+s2], $0x80, v23, vm0, $0xb8;
	[tilespmem:$0x1E500] =	vst v63  }
0x187: {  	v23 =	vld [tilespmem:s7+$0x1080];
	_ =	sdelay $0x4  }
0x188: {  	v24 =	vshll.u32 v23, $0x1  }
0x189: {  	v23 =	vand.u32 $0x7, v23;
	v24 =	vand.u32 $0xFFFFFFF0, v24  }
0x18a: {  	v23 =	vor.u32 v23, v24  }
0x18b: {  	v24 =	vperm.xlane v23, v5;
	_ =	sdelay $0x1  }
0x18c: {  	v23 =	vperm.xlane v23, v7;
	v24 =	vadd.s32 v6, v24;
	_ =	sdelay $0x1  }
0x18d: {  	v23 =	vadd.s32 v6, v23  }
0x18e: {  	v25 =	vmov s30;
	_ =	sdelay $0x1  }
0x18f: {  	[tilespmem:s16], [sflag:$0x1] =	stream.indirect_vreg.gather [hbm4b:s0+s2], $0x80, v24, vm0, $0xb8;
	[tilespmem:$0x1E500] =	vst v63  }
0x190: {  	_ = 	snop  }
0x191: {  	[tilespmem:s17], [sflag:$0x1] =	stream.indirect_vreg.gather [hbm4b:s0+s2], $0x80, v23, vm0, $0xb8;
	[tilespmem:$0x1E500] =	vst v63  }
0x192: {  	v23 =	vld.idx.msk [tilespmem:v25+s11+$0x0], $0xffff;
	_ =	sdelay $0x4  }
0x193: {  	v24 =	vshll.u32 v23, $0x8;
	v23 =	vshll.u32 v23, $0x7  }
0x194: {  	s9 =	sand.u32 $0x3800, s2;
	s28 =	sand.u32 $0x380, s2;
	v24 =	vand.u32 $0xFFFFF800, v24;
	v23 =	vand.u32 $0x380, v23  }
0x195: {  	s3 =	sor.u32 s28, s9;
	v23 =	vor.u32 v23, v24  }
0x196: {  	v24 =	vld [tilespmem:s3+$0x6D00];
	v25 =	vor.u32 v3, v23;
	_ =	sdelay $0x4  }
0x197: {  	[tilespmem:v25+s25+$0x0] =	vst.idx.add.f32.msk $0xffff, v24  }
0x198: {  	v25 =	vor.u32 v8, v23;
	v24 =	vld [tilespmem:s3+$0x6D10];
	_ =	sdelay $0x4  }
0x199: {  	[tilespmem:v25+s25+$0x0] =	vst.idx.add.f32.msk $0xffff, v24  }
0x19a: {  	v25 =	vor.u32 v9, v23;
	v24 =	vld [tilespmem:s3+$0x6D20];
	_ =	sdelay $0x4  }
0x19b: {  	[tilespmem:v25+s25+$0x0] =	vst.idx.add.f32.msk $0xffff, v24  }
0x19c: {  	v25 =	vor.u32 v10, v23;
	v24 =	vld [tilespmem:s3+$0x6D30];
	_ =	sdelay $0x4  }
0x19d: {  	[tilespmem:v25+s25+$0x0] =	vst.idx.add.f32.msk $0xffff, v24  }
0x19e: {  	v25 =	vor.u32 v11, v23;
	v24 =	vld [tilespmem:s3+$0x6D40];
	_ =	sdelay $0x4  }
0x19f: {  	[tilespmem:v25+s25+$0x0] =	vst.idx.add.f32.msk $0xffff, v24  }
0x1a0: {  	v25 =	vor.u32 v12, v23;
	v24 =	vld [tilespmem:s3+$0x6D50];
	_ =	sdelay $0x4  }
0x1a1: {  	[tilespmem:v25+s25+$0x0] =	vst.idx.add.f32.msk $0xffff, v24  }
0x1a2: {  	v25 =	vor.u32 v13, v23;
	v24 =	vld [tilespmem:s3+$0x6D60];
	_ =	sdelay $0x4  }
0x1a3: {  	[tilespmem:v25+s25+$0x0] =	vst.idx.add.f32.msk $0xffff, v24  }
0x1a4: {  	v25 =	vor.u32 v14, v23;
	v24 =	vld [tilespmem:s3+$0x6D70];
	_ =	sdelay $0x4  }
0x1a5: {  	[tilespmem:v25+s25+$0x0] =	vst.idx.add.f32.msk $0xffff, v24  }
0x1a6: {  	v25 =	vor.u32 v15, v23;
	v24 =	vld [tilespmem:s3+$0x7100];
	_ =	sdelay $0x4  }
0x1a7: {  	[tilespmem:v25+s25+$0x0] =	vst.idx.add.f32.msk $0xffff, v24  }
0x1a8: {  	v25 =	vor.u32 v16, v23;
	v24 =	vld [tilespmem:s3+$0x7110];
	_ =	sdelay $0x4  }
0x1a9: {  	[tilespmem:v25+s25+$0x0] =	vst.idx.add.f32.msk $0xffff, v24  }
0x1aa: {  	v25 =	vor.u32 v17, v23;
	v24 =	vld [tilespmem:s3+$0x7120];
	_ =	sdelay $0x4  }
0x1ab: {  	[tilespmem:v25+s25+$0x0] =	vst.idx.add.f32.msk $0xffff, v24  }
0x1ac: {  	v25 =	vor.u32 v18, v23;
	v24 =	vld [tilespmem:s3+$0x7130];
	_ =	sdelay $0x4  }
0x1ad: {  	[tilespmem:v25+s25+$0x0] =	vst.idx.add.f32.msk $0xffff, v24  }
0x1ae: {  	v25 =	vor.u32 v19, v23;
	v24 =	vld [tilespmem:s3+$0x7140];
	_ =	sdelay $0x4  }
0x1af: {  	[tilespmem:v25+s25+$0x0] =	vst.idx.add.f32.msk $0xffff, v24  }
0x1b0: {  	v25 =	vor.u32 v20, v23;
	v24 =	vld [tilespmem:s3+$0x7150];
	_ =	sdelay $0x4  }
0x1b1: {  	[tilespmem:v25+s25+$0x0] =	vst.idx.add.f32.msk $0xffff, v24  }
0x1b2: {  	v25 =	vor.u32 v21, v23;
	v24 =	vld [tilespmem:s3+$0x7160];
	_ =	sdelay $0x4  }
0x1b3: {  	[tilespmem:v25+s25+$0x0] =	vst.idx.add.f32.msk $0xffff, v24  }
0x1b4: {  	s7 =	sadd.s32 $0x1, s30;
	v25 =	vor.u32 v22, v23;
	v24 =	vld [tilespmem:s3+$0x7170]  }
0x1b5: {  	s4 =	simm.s32 $0x200;
	s6 =	simm.s32 $0x100;
	v23 =	vmov s7  }
.LBB2_13:
0x1b6: {  	_ =	sdelay $0x1  }
0x1b7: {  	p0 =	sne.s32 s4, $0x2F00  }
0x1b8: {  	s2 =	sadd.s32 $0x80, s2;
	s3 =	smov.u32 s4;
	s4 =	sadd.s32 $0x100, s4;
	[tilespmem:v25+s25+$0x0] =	vst.idx.add.f32.msk $0xffff, v24  }
0x1b9: {  	v23 =	vld.idx.msk [tilespmem:v23+s11+$0x0], $0xffff;
	_ =	sdelay $0x5  }
0x1ba: {  	v24 =	vshll.u32 v23, $0x8;
	v23 =	vshll.u32 v23, $0x7  }
0x1bb: {  	s9 =	sand.u32 $0x3800, s6;
	s28 =	sand.u32 $0x380, s2;
	s6 =	smov.u32 s3;
	v24 =	vand.u32 $0xFFFFF800, v24;
	v23 =	vand.u32 $0x380, v23  }
0x1bc: {  	s28 =	sor.u32 s28, s9;
	v23 =	vor.u32 v23, v24  }
0x1bd: {  	v25 =	vor.u32 v3, v23;
	v24 =	vld [tilespmem:s28+$0x6D00];
	_ =	sdelay $0x4  }
0x1be: {  	[tilespmem:v25+s25+$0x0] =	vst.idx.add.f32.msk $0xffff, v24  }
0x1bf: {  	v25 =	vor.u32 v8, v23;
	v24 =	vld [tilespmem:s28+$0x6D10];
	_ =	sdelay $0x4  }
0x1c0: {  	[tilespmem:v25+s25+$0x0] =	vst.idx.add.f32.msk $0xffff, v24  }
0x1c1: {  	v25 =	vor.u32 v9, v23;
	v24 =	vld [tilespmem:s28+$0x6D20];
	_ =	sdelay $0x4  }
0x1c2: {  	[tilespmem:v25+s25+$0x0] =	vst.idx.add.f32.msk $0xffff, v24  }
0x1c3: {  	v25 =	vor.u32 v10, v23;
	v24 =	vld [tilespmem:s28+$0x6D30];
	_ =	sdelay $0x4  }
0x1c4: {  	[tilespmem:v25+s25+$0x0] =	vst.idx.add.f32.msk $0xffff, v24  }
0x1c5: {  	v25 =	vor.u32 v11, v23;
	v24 =	vld [tilespmem:s28+$0x6D40];
	_ =	sdelay $0x4  }
0x1c6: {  	[tilespmem:v25+s25+$0x0] =	vst.idx.add.f32.msk $0xffff, v24  }
0x1c7: {  	v25 =	vor.u32 v12, v23;
	v24 =	vld [tilespmem:s28+$0x6D50];
	_ =	sdelay $0x4  }
0x1c8: {  	[tilespmem:v25+s25+$0x0] =	vst.idx.add.f32.msk $0xffff, v24  }
0x1c9: {  	v25 =	vor.u32 v13, v23;
	v24 =	vld [tilespmem:s28+$0x6D60];
	_ =	sdelay $0x4  }
0x1ca: {  	[tilespmem:v25+s25+$0x0] =	vst.idx.add.f32.msk $0xffff, v24  }
0x1cb: {  	v25 =	vor.u32 v14, v23;
	v24 =	vld [tilespmem:s28+$0x6D70];
	_ =	sdelay $0x4  }
0x1cc: {  	[tilespmem:v25+s25+$0x0] =	vst.idx.add.f32.msk $0xffff, v24  }
0x1cd: {  	v25 =	vor.u32 v15, v23;
	v24 =	vld [tilespmem:s28+$0x7100];
	_ =	sdelay $0x4  }
0x1ce: {  	[tilespmem:v25+s25+$0x0] =	vst.idx.add.f32.msk $0xffff, v24  }
0x1cf: {  	v25 =	vor.u32 v16, v23;
	v24 =	vld [tilespmem:s28+$0x7110];
	_ =	sdelay $0x4  }
0x1d0: {  	[tilespmem:v25+s25+$0x0] =	vst.idx.add.f32.msk $0xffff, v24  }
0x1d1: {  	v25 =	vor.u32 v17, v23;
	v24 =	vld [tilespmem:s28+$0x7120];
	_ =	sdelay $0x4  }
0x1d2: {  	[tilespmem:v25+s25+$0x0] =	vst.idx.add.f32.msk $0xffff, v24  }
0x1d3: {  	v25 =	vor.u32 v18, v23;
	v24 =	vld [tilespmem:s28+$0x7130];
	_ =	sdelay $0x4  }
0x1d4: {  	[tilespmem:v25+s25+$0x0] =	vst.idx.add.f32.msk $0xffff, v24  }
0x1d5: {  	v25 =	vor.u32 v19, v23;
	v24 =	vld [tilespmem:s28+$0x7140];
	_ =	sdelay $0x4  }
0x1d6: {  	[tilespmem:v25+s25+$0x0] =	vst.idx.add.f32.msk $0xffff, v24  }
0x1d7: {  	v25 =	vor.u32 v20, v23;
	v24 =	vld [tilespmem:s28+$0x7150];
	_ =	sdelay $0x4  }
0x1d8: {  	[tilespmem:v25+s25+$0x0] =	vst.idx.add.f32.msk $0xffff, v24  }
0x1d9: {  	v25 =	vor.u32 v21, v23;
	v24 =	vld [tilespmem:s28+$0x7160];
	_ =	sdelay $0x2  }
.Ltmp5:
0x1da: {  	(pc) =	sbr.rel @p0 .LBB2_13-.Ltmp5, $4  }
0x1db: {  	_ = 	snop  }
0x1dc: {  	[tilespmem:v25+s25+$0x0] =	vst.idx.add.f32.msk $0xffff, v24  }
0x1dd: {  	s7 =	sadd.s32 $0x1, s7;
	v25 =	vor.u32 v22, v23;
	v24 =	vld [tilespmem:s28+$0x7170]  }
0x1de: {  	v23 =	vmov s7  }
0x1df: {  	_ =	sdelay $0x3  }
0x1e0: {  	[tilespmem:v25+s25+$0x0] =	vst.idx.add.f32.msk $0xffff, v24  }
0x1e1: {  	v23 =	vld.idx.msk [tilespmem:v23+s11+$0x0], $0xffff;
	_ =	sdelay $0x4  }
0x1e2: {  	s2 =	sadd.s32 $0x80, s2;
	v48 =	vshll.u32 v23, $0x8;
	v23 =	vshll.u32 v23, $0x7  }
0x1e3: {  	s3 =	sand.u32 $0x3800, s6;
	s2 =	sand.u32 $0x380, s2;
	v24 =	vand.u32 $0xFFFFF800, v48;
	v23 =	vand.u32 $0x380, v23  }
0x1e4: {  	s2 =	sor.u32 s2, s3;
	v23 =	vor.u32 v23, v24  }
0x1e5: {  	v49 =	vld [tilespmem:s2+$0x6D00];
	v50 =	vor.u32 v3, v23;
	_ =	sdelay $0x4  }
0x1e6: {  	[tilespmem:v50+s25+$0x0] =	vst.idx.add.f32.msk $0xffff, v49  }
0x1e7: {  	v51 =	vor.u32 v8, v23;
	v24 =	vld [tilespmem:s2+$0x6D10];
	_ =	sdelay $0x4  }
0x1e8: {  	[tilespmem:v51+s25+$0x0] =	vst.idx.add.f32.msk $0xffff, v24  }
0x1e9: {  	v52 =	vor.u32 v9, v23;
	v24 =	vld [tilespmem:s2+$0x6D20];
	_ =	sdelay $0x4  }
0x1ea: {  	[tilespmem:v52+s25+$0x0] =	vst.idx.add.f32.msk $0xffff, v24  }
0x1eb: {  	v53 =	vor.u32 v10, v23;
	v24 =	vld [tilespmem:s2+$0x6D30];
	_ =	sdelay $0x4  }
0x1ec: {  	[tilespmem:v53+s25+$0x0] =	vst.idx.add.f32.msk $0xffff, v24  }
0x1ed: {  	v11 =	vor.u32 v11, v23;
	v24 =	vld [tilespmem:s2+$0x6D40];
	_ =	sdelay $0x4  }
0x1ee: {  	[tilespmem:v11+s25+$0x0] =	vst.idx.add.f32.msk $0xffff, v24  }
0x1ef: {  	v12 =	vor.u32 v12, v23;
	v11 =	vld [tilespmem:s2+$0x6D50];
	_ =	sdelay $0x4  }
0x1f0: {  	[tilespmem:v12+s25+$0x0] =	vst.idx.add.f32.msk $0xffff, v11  }
0x1f1: {  	v54 =	vor.u32 v13, v23;
	v11 =	vld [tilespmem:s2+$0x6D60];
	_ =	sdelay $0x4  }
0x1f2: {  	[tilespmem:v54+s25+$0x0] =	vst.idx.add.f32.msk $0xffff, v11  }
0x1f3: {  	v55 =	vor.u32 v14, v23;
	v11 =	vld [tilespmem:s2+$0x6D70];
	_ =	sdelay $0x4  }
0x1f4: {  	[tilespmem:v55+s25+$0x0] =	vst.idx.add.f32.msk $0xffff, v11  }
0x1f5: {  	v56 =	vor.u32 v15, v23;
	v11 =	vld [tilespmem:s2+$0x7100];
	_ =	sdelay $0x4  }
0x1f6: {  	[tilespmem:v56+s25+$0x0] =	vst.idx.add.f32.msk $0xffff, v11  }
0x1f7: {  	v57 =	vor.u32 v16, v23;
	v11 =	vld [tilespmem:s2+$0x7110];
	_ =	sdelay $0x4  }
0x1f8: {  	[tilespmem:v57+s25+$0x0] =	vst.idx.add.f32.msk $0xffff, v11  }
0x1f9: {  	v58 =	vor.u32 v17, v23;
	v11 =	vld [tilespmem:s2+$0x7120];
	_ =	sdelay $0x4  }
0x1fa: {  	[tilespmem:v58+s25+$0x0] =	vst.idx.add.f32.msk $0xffff, v11  }
0x1fb: {  	v59 =	vor.u32 v18, v23;
	v11 =	vld [tilespmem:s2+$0x7130];
	_ =	sdelay $0x4  }
0x1fc: {  	[tilespmem:v59+s25+$0x0] =	vst.idx.add.f32.msk $0xffff, v11  }
0x1fd: {  	v60 =	vor.u32 v19, v23;
	v11 =	vld [tilespmem:s2+$0x7140];
	_ =	sdelay $0x4  }
0x1fe: {  	[tilespmem:v60+s25+$0x0] =	vst.idx.add.f32.msk $0xffff, v11  }
0x1ff: {  	v61 =	vor.u32 v20, v23;
	v11 =	vld [tilespmem:s2+$0x7150];
	_ =	sdelay $0x4  }
0x200: {  	[tilespmem:v61+s25+$0x0] =	vst.idx.add.f32.msk $0xffff, v11  }
0x201: {  	v62 =	vor.u32 v21, v23;
	v11 =	vld [tilespmem:s2+$0x7160];
	_ =	sdelay $0x4  }
0x202: {  	s1 =	sadd.s32 $0x1, s1;
	[tilespmem:v62+s25+$0x0] =	vst.idx.add.f32.msk $0xffff, v11  }
0x203: {  	p0 =	sne.s32 s1, $0x3B;
	v63 =	vor.u32 v22, v23;
	v11 =	vld [tilespmem:s2+$0x7170]  }
.Ltmp6:
0x204: {  	_ = 	snop;
	(pc) =	sbr.rel @p0 .LBB2_10-.Ltmp6, $2  }
0x205: {  	_ =	sdelay $0x2  }
0x206: {  	s31 =	sadd.s32 $0x60, s31;
	s30 =	sadd.s32 $0x60, s30;
	[tilespmem:v63+s25+$0x0] =	vst.idx.add.f32.msk $0xffff, v11  }
0x207: {  	_ =	swait.ge [sflag:s18], $0x3000  }
0x208: {  	[sflag:s18] =	ssyncset.done $0x0  }
0x209: {  	s7 =	simm.s32 $0x0;
	s1 =	rddreg [dreg:$0x4];
	[sflag:s18] =	ssyncadd.s32 $0xFFFFD000  }
0x20a: {  	[hbm4b:s1+s7] =	stream.linear.scatter [tilespmem:s25], [sflag:$0x3], $0x14000, $0x38;
	[tilespmem:$0x1E500] =	vst v63  }
0x20b: {  	_ =	swait.ge [sflag:s8], $0x14000  }
0x20c: {  	s2 =	rddreg [dreg:$0x6]  }
0x20d: {  	s31 =	rddreg [dreg:$0x5];
	s2 =	sadd.s32 $0x1, s2  }
0x20e: {  	p0 =	sne.s32 s2, s31  }
.Ltmp7:
0x20f: {  	_ = 	snop;
	(pc) =	sbr.rel @p0 .LBB2_1-.Ltmp7, $4  }
0x210: {  	_ = 	snop  }
0x211: {  	[sflag:s8] =	ssyncset.done $0x0  }
0x212: {  	[sflag:s8] =	ssyncadd.s32 $0xFFFEC000  }
0x213: {  	s3 =	simm.s32 $0x800;
	s9 =	rddreg [dreg:$0x2]  }
0x214: {  	_ =	sfence.sel $0x180000  }
0x215: {  	[bflag:$0x0] =	sbarrier.arrive $0xFFFF  }
0x216: {  	_ =	strace $0x90000047  }
0x217: {  	s0 =	stileid.u32;
	[bflag:$0x2] =	sbarrier.arrive $0xFFFF  }
0x218: {  	p0 =	sne.s32 s0, $0x0;
	s0 =	rddreg [dreg:$0x3]  }
0x219: {  	s0 =	sadd.s32 @!p0 $0x100000, s0  }
0x21a: {  	[sflag:s0] =	ssyncadd.tile.s32 @!p0 $0x1;
	_ =	shalt  }
.Lfunc_end2:
_tile_overlayer_lowered:
.L_overlay_start_2:
0x21b: {  	(tag) =	ssettag $0x2  }
0x21c: {  	s0 =	rddreg [dreg:$0x0];
	s2 =	stileid.u32  }
0x21d: {  	s1 =	rddreg [dreg:$0x1];
	p0 =	sne.s32 s2, $0x0  }
0x21e: {  	s3 =	rddreg [dreg:$0x2];
	[bflag:$0x3] =	sbarrier.arrive $0xFFFF;
	s2 =	simm.s32 @!p0 $0x1C03  }
0x21f: {  	[timem:s3], [sflag:s2] =	dma.local @!p0 [hbm:s0], s1  }
0x220: {  	s0 =	simm.s32 @!p0 $0x3  }
0x221: {  	_ =	swait.ge @!p0 [sflag:s0], s1  }
0x222: {  	s1 =	ssub.s32 @!p0 $0x0, s1;
	[sflag:s0] =	ssyncset.done @!p0 $0x0  }
0x223: {  	[sflag:s0] =	ssyncadd.s32 @!p0 s1  }
0x224: {  	[bflag:$0x3] =	sbarrier.arrive $0xFFFF  }
0x225: {  	_ =	shalt  }

// kernel: kernel.9.cloned.1.call-start
scs
__scs_entry_jumppad:
0x0: {  	(pc) =	sbr.rel $0x88, $3  }
0x1: {  	(tag) =	ssettag $0x0;
	lr =	simm.s32 $0x1  }
0x2: {  	[smem:$0x3F96] =	sst lr;
	_ =	strace $0xD0000000  }
0x3: {  	_ = 	snop  }
0x4: {  	_ = 	snop  }
0x5: {  	_ = 	snop  }
0x6: {  	_ = 	snop  }
0x7: {  	_ = 	snop  }
__scs_overlays_trampoline_lowered:
0x8: {  	[smem:$0x3FA5] =	sst s0  }
0x9: {  	[smem:$0x3FA6] =	sst s1  }
0xa: {  	[smem:$0x3FA7] =	sst s2  }
0xb: {  	[smem:$0x3FA8] =	sst s3  }
0xc: {  	[smem:$0x3FA9] =	sst s4  }
0xd: {  	[smem:$0x3FAA] =	sst s5  }
0xe: {  	[smem:$0x3FAB] =	sst s6  }
0xf: {  	[smem:$0x3FAC] =	sst s7  }
0x10: {  	[smem:$0x3FAD] =	sst s8  }
0x11: {  	[smem:$0x3FAE] =	sst s9;
	s0 =	simm.s32 @!p0 $0x0  }
0x12: {  	s1 =	sld [smem:$0x3F94];
	s0 =	simm.s32 @p0 $0x1  }
0x13: {  	[smem:$0x3FAF] =	sst s0;
	s0 =	simm.s32 @!p1 $0x0  }
0x14: {  	s2 =	sld [smem:$0x3F93];
	s0 =	simm.s32 @p1 $0x1  }
0x15: {  	[smem:$0x3FB0] =	sst s0;
	s0 =	simm.s32 @!p2 $0x0  }
0x16: {  	s3 =	sld [smem:$0x3FDB];
	s0 =	simm.s32 @p2 $0x1  }
0x17: {  	s4 =	simm.s32 $0x1BF5;
	[smem:$0x3FB2] =	sst s0  }
0x18: {  	s0 =	sld [smem:$0x3F95];
	_ =	swait.ge [sflag:s4], $0x0  }
0x19: {  	s7 =	sld [smem:$0x3F96]  }
0x1a: {  	s8 =	sadd.s32 $0xFFFFE003, lr  }
0x1b: {  	s9 =	sadd.s32 $0xFFFFFEF7, lr;
	s5 =	simm.s32 $0xFFFFFFFF;
	p2 =	slt.u32 s8, $0xFFFFF086  }
0x1c: {  	p1 =	slt.u32 s9, $0xF7A;
	s5 =	simm.s32 @!p2 $0x0  }
0x1d: {  	s5 =	simm.s32 @p1 $0x1;
	p0 =	seq.s32 s7, s2  }
0x1e: {  	s7 =	smul.u32 @!p0 $0xF7A, s2;
	p2 =	seq.s32 @!p0 s5, $0x0  }
0x1f: {  	s9 =	smul.u32 $0xF7A, s1;
	s8 =	simm.s32 @!p0 $0x1BF5;
	p2 =	por !p2, p0  }
0x20: {  	[sflag:s8] =	ssyncset.s32 @!p0 $0xFFFFF086;
	s6 =	sadd.s32 @!p0 s3, s7;
	s7 =	simm.s32 @!p0 $0x108  }
0x21: {  	s3 =	sadd.s32 s3, s9;
	s6 =	sadd.s32 @!p0 $0x88, s6;
	s7 =	simm.s32 @p2 $0x1082  }
0x22: {  	[simem:s7], [sflag:s8] =	dma.local @!p0 [hbm:s6], $0xF7A  }
0x23: {  	s9 =	sor.u32 $0xD0000000, s2;
	s6 =	simm.s32 $0x108;
	_ =	swait.ge @!p0 [sflag:s8], $0x0  }
0x24: {  	s3 =	sadd.s32 $0x88, s3;
	s6 =	simm.s32 @!p1 $0x1082;
	[sflag:s4] =	ssyncset.s32 $0xFFFFF086  }
0x25: {  	[simem:s6], [sflag:s4] =	dma.local [hbm:s3], $0xF7A  }
0x26: {  	[smem:$0x3F96] =	sst s1;
	(tag) =	ssettag s2;
	_ =	strace s9  }
0x27: {  	s1 =	sld [smem:$0x3FA6]  }
0x28: {  	s2 =	sld [smem:$0x3FA7]  }
0x29: {  	s4 =	sld [smem:$0x3FA9]  }
0x2a: {  	p0 =	seq.s32 s5, $0x0;
	s5 =	sld [smem:$0x3FAA]  }
0x2b: {  	s6 =	sld [smem:$0x3FAB]  }
0x2c: {  	s7 =	sld [smem:$0x3FAC]  }
0x2d: {  	s3 =	simm.s32 $0x108;
	s8 =	sld [smem:$0x3FAD]  }
0x2e: {  	s3 =	simm.s32 @!p0 $0x1082;
	s9 =	sld [smem:$0x3FAE]  }
0x2f: {  	lr =	sadd.s32 s0, s3;
	s0 =	sld [smem:$0x3FA5]  }
0x30: {  	s3 =	sld [smem:$0x3FA8]  }
0x31: {  	[smem:$0x3FB1] =	sst s10  }
0x32: {  	s10 =	sld [smem:$0x3FAF];
	_ =	sdelay $0x3  }
0x33: {  	p0 =	seq.s32 s10, $0x1;
	s10 =	sld [smem:$0x3FB1];
	_ =	sdelay $0x3  }
0x34: {  	[smem:$0x3FB1] =	sst s10  }
0x35: {  	s10 =	sld [smem:$0x3FB0];
	_ =	sdelay $0x3  }
0x36: {  	p1 =	seq.s32 s10, $0x1;
	s10 =	sld [smem:$0x3FB1];
	_ =	sdelay $0x3  }
0x37: {  	[smem:$0x3FB1] =	sst s10  }
0x38: {  	s10 =	sld [smem:$0x3FB2]  }
0x39: {  	_ = 	snop;
	(pc) =	sbr.ind lr, $3  }
0x3a: {  	_ = 	snop  }
0x3b: {  	_ = 	snop  }
0x3c: {  	p2 =	seq.s32 s10, $0x1;
	s10 =	sld [smem:$0x3FB1]  }
0x3d: {  	_ =	shalt  }
0x3e: {  	_ =	shalt  }
0x3f: {  	_ =	shalt  }
0x40: {  	_ =	shalt  }
0x41: {  	_ =	shalt  }
0x42: {  	_ =	shalt  }
0x43: {  	_ =	shalt  }
0x44: {  	_ =	shalt  }
0x45: {  	_ =	shalt  }
0x46: {  	_ =	shalt  }
0x47: {  	_ =	shalt  }
0x48: {  	_ =	shalt  }
0x49: {  	_ =	shalt  }
0x4a: {  	_ =	shalt  }
0x4b: {  	_ =	shalt  }
0x4c: {  	_ =	shalt  }
0x4d: {  	_ =	shalt  }
0x4e: {  	_ =	shalt  }
0x4f: {  	_ =	shalt  }
0x50: {  	_ =	shalt  }
0x51: {  	_ =	shalt  }
0x52: {  	_ =	shalt  }
0x53: {  	_ =	shalt  }
0x54: {  	_ =	shalt  }
0x55: {  	_ =	shalt  }
0x56: {  	_ =	shalt  }
0x57: {  	_ =	shalt  }
0x58: {  	_ =	shalt  }
0x59: {  	_ =	shalt  }
0x5a: {  	_ =	shalt  }
0x5b: {  	_ =	shalt  }
0x5c: {  	_ =	shalt  }
0x5d: {  	_ =	shalt  }
0x5e: {  	_ =	shalt  }
0x5f: {  	_ =	shalt  }
0x60: {  	_ =	shalt  }
0x61: {  	_ =	shalt  }
0x62: {  	_ =	shalt  }
0x63: {  	_ =	shalt  }
0x64: {  	_ =	shalt  }
0x65: {  	_ =	shalt  }
0x66: {  	_ =	shalt  }
0x67: {  	_ =	shalt  }
0x68: {  	_ =	shalt  }
0x69: {  	_ =	shalt  }
0x6a: {  	_ =	shalt  }
0x6b: {  	_ =	shalt  }
0x6c: {  	_ =	shalt  }
0x6d: {  	_ =	shalt  }
0x6e: {  	_ =	shalt  }
0x6f: {  	_ =	shalt  }
0x70: {  	_ =	shalt  }
0x71: {  	_ =	shalt  }
0x72: {  	_ =	shalt  }
0x73: {  	_ =	shalt  }
0x74: {  	_ =	shalt  }
0x75: {  	_ =	shalt  }
0x76: {  	_ =	shalt  }
0x77: {  	_ =	shalt  }
0x78: {  	_ =	shalt  }
0x79: {  	_ =	shalt  }
0x7a: {  	_ =	shalt  }
0x7b: {  	_ =	shalt  }
0x7c: {  	_ =	shalt  }
0x7d: {  	_ =	shalt  }
0x7e: {  	_ =	shalt  }
0x7f: {  	_ =	shalt  }
0x80: {  	_ =	shalt  }
0x81: {  	_ =	shalt  }
0x82: {  	_ =	shalt  }
0x83: {  	_ =	shalt  }
0x84: {  	_ =	shalt  }
0x85: {  	_ =	shalt  }
0x86: {  	_ =	shalt  }
0x87: {  	_ =	shalt  }
.Lfunc_end0:
.L_simem_size_0:
called_computation.1_lowered:
.L_overlay_start_0:
0x88: {  	s2 =	sld [smem:$0x3FD9]  }
0x89: {  	s3 =	sld [smem:$0x3FFE];
	_ =	sdelay $0x1  }
0x8a: {  	s1 =	srdreg.scid  }
0x8b: {  	s0 =	sand.u32 $0x1, s1  }
0x8c: {  	s16 =	sshll.u32 s0, $0xA;
	s2 =	sadd.s32 s3, s2  }
0x8d: {  	s2 =	sadd.s32 s2, s16  }
0x8e: {  	[smem:$0x3FBD] =	sst s2  }
0x8f: {  	_ = 	snop  }
0x90: {  	(tm) =	ssettm $0x1  }
0x91: {  	s17 =	sld [smem:$0x3FFB];
	_ =	sdelay $0x3  }
0x92: {  	_ =	strace s17  }
0x93: {  	s2 =	sld [smem:$0x3FFC];
	_ =	sdelay $0x3  }
0x94: {  	_ =	strace s2  }
0x95: {  	s2 =	sld [smem:$0x3FFD];
	_ =	sdelay $0x3  }
0x96: {  	_ =	strace s2  }
0x97: {  	_ =	strace $0x8FFFFFFF  }
0x98: {  	s18 =	sld [smem:$0x3FDB];
	_ =	sdelay $0x1  }
0x99: {  	s19 =	simm.s32 $_scs_section_size  }
0x9a: {  	s4 =	simm.s32 $_size__tile_overlayer_lowered;
	s5 =	simm.s32 $_tile_overlayer_lowered  }
0x9b: {  	s22 =	simm.s32 $0x1BFF;
	s21 =	sshll.u32 s5, $0x1;
	s2 =	sadd.s32 s19, s18  }
0x9c: {  	s6 =	simm.s32 $0x0;
	s20 =	sshll.u32 s4, $0x1;
	s4 =	sadd.s32 s21, s2  }
0x9d: {  	[timem:s6], [sflag:s22] =	dma.local [hbm:s4], s20  }
0x9e: {  	_ =	swait.ge [sflag:s22], s20  }
0x9f: {  	s3 =	ssub.s32 $0x0, s20;
	[sflag:s22] =	ssyncset.done $0x0  }
0xa0: {  	[sflag:s22] =	ssyncadd.s32 s3;
	_ =	sdelay $0x1  }
0xa1: {  	s23 =	simm.s32 $0x1B8B  }
0xa2: {  	_ =	swait.ge [sflag:s23], $0x1  }
0xa3: {  	[sflag:s23] =	ssyncset.done $0x0  }
0xa4: {  	s25 =	simm.s32 $0x1B8E;
	s24 =	sld [smem:$0x3FFE];
	[sflag:s23] =	ssyncadd.s32 $0xFFFFFFFF  }
0xa5: {  	s26 =	simm.s32 $execute0_lowered;
	[smem:$0x3FD2] =	sst s25  }
0xa6: {  	s4 =	sshll.u32 s26, $0x1;
	_ =	strace $0x80000049;
	[dreg:$0x1] =	wrdreg $0xFFFFFFFF  }
0xa7: {  	s28 =	simm.s32 $_size_execute0_lowered;
	s2 =	sadd.s32 s2, s4;
	[dreg:$0x0] =	wrdreg $0x0  }
0xa8: {  	s4 =	sshll.u32 s28, $0x1;
	[dreg:$0x2] =	wrdreg s2  }
0xa9: {  	[dreg:$0x3] =	wrdreg s4  }
0xaa: {  	[dreg:$0x4] =	wrdreg $0xC0  }
0xab: {  	_ =	task [dreg:s6], $0x5FFFF  }
0xac: {  	[dreg:$0x1] =	wrdreg $0xFFFFFFFF  }
0xad: {  	[dreg:$0x0] =	wrdreg $0x60  }
0xae: {  	[dreg:$0x2] =	wrdreg s24  }
0xaf: {  	[dreg:$0x3] =	wrdreg $0x9  }
0xb0: {  	_ =	task.clear_ibuf [dreg:s6], $0x4FFFF;
	_ =	strace $0x90000049  }
0xb1: {  	s29 =	simm.s32 $0x9;
	_ =	strace $0x8000004B  }
0xb2: {  	_ =	swait.ge [sflag:s29], $0x1  }
0xb3: {  	[sflag:s29] =	ssyncadd.s32 $0xFFFFFFFF  }
0xb4: {  	_ =	strace $0x9000004B  }
0xb5: {  	_ =	sfence  }
0xb6: {  	s30 =	sld [smem:$0x0];
	_ =	sdelay $0x2  }
0xb7: {  	s31 =	sshll.u32 s1, $0xD;
	s1 =	sshrl.u32 s1, $0x2  }
0xb8: {  	s3 =	sand.u32 $0x4000, s31;
	s1 =	sadd.s32 s1, s30  }
0xb9: {  	s0 =	sor.u32 s3, s0;
	s1 =	sshll.u32 s1, $0x11  }
0xba: {  	s0 =	sor.u32 s1, s0  }
0xbb: {  	s0 =	sadd.s32 $0x8F2B, s0  }
0xbc: {  	[sflag:s0] =	ssyncadd.remote.s32 $0x1  }
0xbd: {  	_ =	sfence.sel $0xFFFF  }
0xbe: {  	[dreg:$0x0] =	wrdreg $0xFFFFFFFF;
	(pc) =	sbr.abs _section_cstart, $3  }
0xbf: {  	[dreg:$0x1] =	wrdreg $0xFFFFFFFF  }
0xc0: {  	_ =	task.clear_ibuf [dreg:s6], $0x2FFFF;
	_ =	strace $0x9FFFFFFF  }
0xc1: {  	(tm) =	ssettm $0x7FFFFFFF  }
tec
execute0_lowered:
.L_overlay_start_1:
0x0: {  	(tag) =	ssettag $0x1  }
0x1: {  	s0 =	rddreg [dreg:$0x0];
	s1 =	srdreg.scid;
	s9 =	simm.s32 $0x0  }
0x2: {  	s3 =	stileid.u32;
	s8 =	simm.s32 $0x3;
	s19 =	simm.s32 $0x800  }
0x3: {  	s10 =	simm.s32 $0x1000;
	s11 =	simm.s32 $0x1680;
	s12 =	simm.s32 $0x1D00  }
0x4: {  	s13 =	simm.s32 $0x2500;
	s14 =	simm.s32 $0x2D00;
	s15 =	simm.s32 $0x3500  }
0x5: {  	s16 =	simm.s32 $0x3D00;
	s17 =	simm.s32 $0x4500;
	s18 =	simm.s32 $0x1  }
0x6: {  	s20 =	simm.s32 $0x5500;
	s21 =	simm.s32 $0x5D00;
	s22 =	simm.s32 $0x6500  }
0x7: {  	s23 =	simm.s32 $0x6D00;
	s24 =	simm.s32 $0x7500;
	s25 =	simm.s32 $0x7D00  }
0x8: {  	s26 =	simm.s32 $0x2;
	s1 =	sand.u32 $0x1, s1;
	[smem:$0x7FF] =	sst s9  }
0x9: {  	s3 =	sshll.u32 s3, $0x6;
	s2 =	sshll.u32 s1, $0xA;
	s1 =	ssub.s32 $0x2, s1  }
0xa: {  	v1 =	vimm.f32 $0.0e+00;
	s4 =	sadd.s32 $0x57000, s0;
	s2 =	sor.u32 s3, s2;
	s7 =	sshrl.u32 s1, $0x1  }
0xb: {  	v2 =	vimm.s32 $0x0;
	v3 =	vlaneseq.u32;
	v4 =	vimm.s32 $0x40;
	s3 =	sadd.s32 $0x1000, s0;
	s5 =	sshll.u32 s2, $0x5;
	s30 =	ssub.s32 s1, s7  }
0xc: {  	vm0 =	vmmov $0xffff;
	v5 =	vand.u32 $0x7, v3;
	v6 =	vshrl.u32 v3, $0x3;
	s6 =	sadd.s32 s5, s0;
	s5 =	sadd.s32 $0x56000, s0;
	s0 =	smax.u32 s30, $0x1  }
0xd: {  	v7 =	vor.u32 $0x8, v3;
	v8 =	vor.u32 $0x10, v3;
	v9 =	vor.u32 $0x20, v3;
	_ =	strace $0x8000004A;
	s31 =	sadd.s32 $0x58000, s6;
	[dreg:$0x3] =	wrdreg s0  }
0xe: {  	s29 =	simm.s32 $0x0;
	v10 =	vor.u32 $0x30, v3;
	v6 =	vmul.u32 $0x8, v6;
	v0 =	vmov s2;
	s1 =	simm.s32 $0x0;
	[dreg:$0x2] =	wrdreg s31  }
.LBB2_1:
0xf: {  	s0 =	sand.u32 $0x7800, s9;
	s31 =	sand.u32 $0x380, s9  }
0x10: {  	s0 =	sor.u32 s31, s0  }
0x11: {  	[tilespmem:s0+$0x8170] =	vst v1  }
0x12: {  	[tilespmem:s0+$0x7D00] =	vst v1  }
0x13: {  	[tilespmem:s0+$0x7D10] =	vst v1  }
0x14: {  	[tilespmem:s0+$0x7D20] =	vst v1  }
0x15: {  	[tilespmem:s0+$0x7D30] =	vst v1  }
0x16: {  	[tilespmem:s0+$0x7D40] =	vst v1  }
0x17: {  	[tilespmem:s0+$0x7D50] =	vst v1  }
0x18: {  	[tilespmem:s0+$0x7D60] =	vst v1  }
0x19: {  	[tilespmem:s0+$0x7D70] =	vst v1  }
0x1a: {  	[tilespmem:s0+$0x8100] =	vst v1  }
0x1b: {  	[tilespmem:s0+$0x8110] =	vst v1  }
0x1c: {  	[tilespmem:s0+$0x8120] =	vst v1  }
0x1d: {  	[tilespmem:s0+$0x8130] =	vst v1  }
0x1e: {  	[dreg:$0x4] =	wrdreg s1;
	s2 =	simm.s32 $0x100;
	s1 =	simm.s32 $0x80;
	[tilespmem:s0+$0x8140] =	vst v1  }
0x1f: {  	s6 =	sand.u32 $0x7800, s2;
	s7 =	sand.u32 $0x380, s1;
	s2 =	simm.s32 $0x200;
	[tilespmem:s0+$0x8150] =	vst v1  }
.LBB2_2:
0x20: {  	p0 =	sne.s32 s2, $0x4000;
	[tilespmem:s0+$0x8160] =	vst v1;
	s0 =	sor.u32 s7, s6  }
0x21: {  	[tilespmem:s0+$0x8170] =	vst v1  }
0x22: {  	[tilespmem:s0+$0x7D00] =	vst v1  }
0x23: {  	[tilespmem:s0+$0x7D10] =	vst v1  }
0x24: {  	[tilespmem:s0+$0x7D20] =	vst v1  }
0x25: {  	[tilespmem:s0+$0x7D30] =	vst v1  }
0x26: {  	[tilespmem:s0+$0x7D40] =	vst v1  }
0x27: {  	[tilespmem:s0+$0x7D50] =	vst v1  }
0x28: {  	[tilespmem:s0+$0x7D60] =	vst v1  }
0x29: {  	[tilespmem:s0+$0x7D70] =	vst v1  }
0x2a: {  	[tilespmem:s0+$0x8100] =	vst v1  }
.Ltmp0:
0x2b: {  	[tilespmem:s0+$0x8110] =	vst v1;
	(pc) =	sbr.rel @p0 .LBB2_2-.Ltmp0, $4  }
0x2c: {  	[tilespmem:s0+$0x8120] =	vst v1  }
0x2d: {  	[tilespmem:s0+$0x8130] =	vst v1  }
0x2e: {  	s1 =	sadd.s32 $0x80, s1;
	[tilespmem:s0+$0x8140] =	vst v1  }
0x2f: {  	s6 =	sand.u32 $0x7800, s2;
	s2 =	sadd.s32 $0x100, s2;
	s7 =	sand.u32 $0x380, s1;
	[tilespmem:s0+$0x8150] =	vst v1  }
0x30: {  	s1 =	sor.u32 s7, s6;
	[tilespmem:s0+$0x8160] =	vst v1  }
0x31: {  	[tilespmem:s1+$0x8170] =	vst v1  }
0x32: {  	[tilespmem:s1+$0x7D00] =	vst v1  }
0x33: {  	[tilespmem:s1+$0x7D10] =	vst v1  }
0x34: {  	[tilespmem:s1+$0x7D20] =	vst v1  }
0x35: {  	[tilespmem:s1+$0x7D30] =	vst v1  }
0x36: {  	[tilespmem:s1+$0x7D40] =	vst v1  }
0x37: {  	[tilespmem:s1+$0x7D50] =	vst v1  }
0x38: {  	[tilespmem:s1+$0x7D60] =	vst v1  }
0x39: {  	[tilespmem:s1+$0x7D70] =	vst v1  }
0x3a: {  	[tilespmem:s1+$0x8100] =	vst v1  }
0x3b: {  	[tilespmem:s1+$0x8110] =	vst v1  }
0x3c: {  	[tilespmem:s1+$0x8120] =	vst v1  }
0x3d: {  	[tilespmem:s1+$0x8130] =	vst v1  }
0x3e: {  	[tilespmem:s1+$0x8140] =	vst v1  }
0x3f: {  	[tilespmem:s1+$0x8150] =	vst v1  }
0x40: {  	s0 =	simm.s32 $0x0;
	[tilespmem:s1+$0x8160] =	vst v1;
	s1 =	simm.s32 $0x0  }
.LBB2_4:
0x41: {  	p0 =	sne.s32 s1, $0x1880  }
.Ltmp1:
0x42: {  	_ = 	snop;
	(pc) =	sbr.rel @p0 .LBB2_4-.Ltmp1, $4  }
0x43: {  	_ = 	snop  }
0x44: {  	s2 =	sshra.s32 s1, $0x2  }
0x45: {  	[tilespmem:s2+$0x1000] =	vst v2  }
0x46: {  	s1 =	sadd.s32 $0x40, s1;
	[tilespmem:s2+$0x1680] =	vst v4  }
0x47: {  	v11 =	vimm.s32 $0xFFFFFFFF  }
.LBB2_6:
0x48: {  	s2 =	sshll.u32 s0, $0x8  }
0x49: {  	s1 =	simm.s32 $0x0;
	s6 =	sadd.s32 s4, s2  }
0x4a: {  	[tilespmem:s1], [sflag:$0x3] =	stream.linear.gather [hbm4b:s6+s1], $0x800, $0x38;
	[tilespmem:$0xC500] =	vst v63  }
0x4b: {  	_ =	swait.ge [sflag:s8], $0x800  }
0x4c: {  	[sflag:s8] =	ssyncset.done $0x0  }
0x4d: {  	s2 =	sadd.s32 s5, s2;
	[sflag:s8] =	ssyncadd.s32 $0xFFFFF800  }
0x4e: {  	[tilespmem:s19], [sflag:$0x3] =	stream.linear.gather [hbm4b:s2+s1], $0x800, $0x38;
	[tilespmem:$0xC500] =	vst v63  }
0x4f: {  	_ =	swait.ge [sflag:s8], $0x800  }
0x50: {  	[sflag:s8] =	ssyncset.done $0x0  }
0x51: {  	[sflag:s8] =	ssyncadd.s32 $0xFFFFF800  }
.LBB2_7:
0x52: {  	s2 =	sshra.s32 s1, $0x2  }
0x53: {  	v12 =	vld [tilespmem:s2+$0x800];
	_ =	sdelay $0x4  }
0x54: {  	v12 =	vsub.s32 v12, v0  }
0x55: {  	vm1 =	vlt.u32 v12, $0x40  }
0x56: {  	v13 =	vsel vm1, $0x1, v2  }
0x57: {  	(xrf0) =	vadd.scan.msk.s32 $0xffff, v13;
	_ =	sdelay $0x5  }
0x58: {  	v13, _, _ =	vpop (xrf0)  }
0x59: {  	v13 =	vadd.s32 v11, v13  }
0x5a: {  	vm2 =	vlt.s32 v13, $0x5FF  }
0x5b: {  	v14 =	vld [tilespmem:s2+$0x0];
	v13 =	vnsel vm2, $0x5FF, v13;
	_ =	sdelay $0x4  }
0x5c: {  	[tilespmem:v13+s10+$0x0] =	vst.idx.msk vm1, v14  }
0x5d: {  	[tilespmem:v13+s11+$0x0] =	vst.idx.msk vm1, v12  }
0x5e: {  	v12 =	vld [tilespmem:s2+$0x810];
	_ =	sdelay $0x4  }
0x5f: {  	v12 =	vsub.s32 v12, v0  }
0x60: {  	vm2 =	vlt.u32 v12, $0x40  }
0x61: {  	v43 =	vsel vm2, $0x1, v2  }
0x62: {  	(xrf0) =	vadd.scan.msk.s32 $0xffff, v43;
	_ =	sdelay $0x3  }
0x63: {  	v44 =	vmpcnt.ones.xlane vm1;
	_ =	sdelay $0x1  }
0x64: {  	v11 =	vadd.s32 v11, v44;
	v45, _, _ =	vpop (xrf0)  }
0x65: {  	v13 =	vadd.s32 v11, v45  }
0x66: {  	vm1 =	vlt.s32 v13, $0x5FF  }
0x67: {  	v14 =	vld [tilespmem:s2+$0x10];
	v13 =	vnsel vm1, $0x5FF, v13;
	_ =	sdelay $0x4  }
0x68: {  	[tilespmem:v13+s10+$0x0] =	vst.idx.msk vm2, v14  }
0x69: {  	[tilespmem:v13+s11+$0x0] =	vst.idx.msk vm2, v12  }
0x6a: {  	v12 =	vld [tilespmem:s2+$0x820];
	_ =	sdelay $0x4  }
0x6b: {  	v12 =	vsub.s32 v12, v0  }
0x6c: {  	vm1 =	vlt.u32 v12, $0x40  }
0x6d: {  	v46 =	vsel vm1, $0x1, v2  }
0x6e: {  	(xrf0) =	vadd.scan.msk.s32 $0xffff, v46;
	_ =	sdelay $0x3  }
0x6f: {  	v47 =	vmpcnt.ones.xlane vm2;
	_ =	sdelay $0x1  }
0x70: {  	v11 =	vadd.s32 v11, v47;
	v48, _, _ =	vpop (xrf0)  }
0x71: {  	v13 =	vadd.s32 v11, v48  }
0x72: {  	vm2 =	vlt.s32 v13, $0x5FF  }
0x73: {  	v14 =	vld [tilespmem:s2+$0x20];
	v13 =	vnsel vm2, $0x5FF, v13;
	_ =	sdelay $0x4  }
0x74: {  	[tilespmem:v13+s10+$0x0] =	vst.idx.msk vm1, v14  }
0x75: {  	[tilespmem:v13+s11+$0x0] =	vst.idx.msk vm1, v12  }
0x76: {  	v12 =	vld [tilespmem:s2+$0x830];
	_ =	sdelay $0x4  }
0x77: {  	v12 =	vsub.s32 v12, v0  }
0x78: {  	vm2 =	vlt.u32 v12, $0x40  }
0x79: {  	v49 =	vsel vm2, $0x1, v2  }
0x7a: {  	(xrf0) =	vadd.scan.msk.s32 $0xffff, v49;
	_ =	sdelay $0x3  }
0x7b: {  	v50 =	vmpcnt.ones.xlane vm1;
	_ =	sdelay $0x1  }
0x7c: {  	v11 =	vadd.s32 v11, v50;
	v51, _, _ =	vpop (xrf0)  }
0x7d: {  	v13 =	vadd.s32 v11, v51  }
0x7e: {  	vm1 =	vlt.s32 v13, $0x5FF  }
0x7f: {  	v14 =	vld [tilespmem:s2+$0x30];
	v13 =	vnsel vm1, $0x5FF, v13;
	_ =	sdelay $0x4  }
0x80: {  	[tilespmem:v13+s10+$0x0] =	vst.idx.msk vm2, v14  }
0x81: {  	[tilespmem:v13+s11+$0x0] =	vst.idx.msk vm2, v12  }
0x82: {  	v12 =	vld [tilespmem:s2+$0x840];
	_ =	sdelay $0x4  }
0x83: {  	v12 =	vsub.s32 v12, v0  }
0x84: {  	vm1 =	vlt.u32 v12, $0x40  }
0x85: {  	v52 =	vsel vm1, $0x1, v2  }
0x86: {  	(xrf0) =	vadd.scan.msk.s32 $0xffff, v52;
	_ =	sdelay $0x3  }
0x87: {  	v53 =	vmpcnt.ones.xlane vm2;
	_ =	sdelay $0x1  }
0x88: {  	v11 =	vadd.s32 v11, v53;
	v54, _, _ =	vpop (xrf0)  }
0x89: {  	v13 =	vadd.s32 v11, v54  }
0x8a: {  	vm2 =	vlt.s32 v13, $0x5FF  }
0x8b: {  	v14 =	vld [tilespmem:s2+$0x40];
	v13 =	vnsel vm2, $0x5FF, v13;
	_ =	sdelay $0x4  }
0x8c: {  	[tilespmem:v13+s10+$0x0] =	vst.idx.msk vm1, v14  }
0x8d: {  	[tilespmem:v13+s11+$0x0] =	vst.idx.msk vm1, v12  }
0x8e: {  	v12 =	vld [tilespmem:s2+$0x850];
	_ =	sdelay $0x4  }
0x8f: {  	v12 =	vsub.s32 v12, v0  }
0x90: {  	vm2 =	vlt.u32 v12, $0x40  }
0x91: {  	v55 =	vsel vm2, $0x1, v2  }
0x92: {  	(xrf0) =	vadd.scan.msk.s32 $0xffff, v55;
	_ =	sdelay $0x3  }
0x93: {  	v56 =	vmpcnt.ones.xlane vm1;
	_ =	sdelay $0x1  }
0x94: {  	v11 =	vadd.s32 v11, v56;
	v57, _, _ =	vpop (xrf0)  }
0x95: {  	v13 =	vadd.s32 v11, v57  }
0x96: {  	vm1 =	vlt.s32 v13, $0x5FF  }
0x97: {  	v14 =	vld [tilespmem:s2+$0x50];
	v13 =	vnsel vm1, $0x5FF, v13;
	_ =	sdelay $0x4  }
0x98: {  	[tilespmem:v13+s10+$0x0] =	vst.idx.msk vm2, v14  }
0x99: {  	[tilespmem:v13+s11+$0x0] =	vst.idx.msk vm2, v12  }
0x9a: {  	v12 =	vld [tilespmem:s2+$0x860];
	_ =	sdelay $0x4  }
0x9b: {  	v12 =	vsub.s32 v12, v0  }
0x9c: {  	vm1 =	vlt.u32 v12, $0x40  }
0x9d: {  	v58 =	vsel vm1, $0x1, v2  }
0x9e: {  	(xrf0) =	vadd.scan.msk.s32 $0xffff, v58;
	_ =	sdelay $0x3  }
0x9f: {  	v59 =	vmpcnt.ones.xlane vm2;
	_ =	sdelay $0x1  }
0xa0: {  	v11 =	vadd.s32 v11, v59;
	v60, _, _ =	vpop (xrf0)  }
0xa1: {  	v13 =	vadd.s32 v11, v60  }
0xa2: {  	vm2 =	vlt.s32 v13, $0x5FF  }
0xa3: {  	v14 =	vld [tilespmem:s2+$0x60];
	v13 =	vnsel vm2, $0x5FF, v13;
	_ =	sdelay $0x4  }
0xa4: {  	[tilespmem:v13+s10+$0x0] =	vst.idx.msk vm1, v14  }
0xa5: {  	[tilespmem:v13+s11+$0x0] =	vst.idx.msk vm1, v12  }
0xa6: {  	v12 =	vld [tilespmem:s2+$0x870];
	_ =	sdelay $0x4  }
0xa7: {  	v12 =	vsub.s32 v12, v0  }
0xa8: {  	vm2 =	vlt.u32 v12, $0x40  }
0xa9: {  	v61 =	vsel vm2, $0x1, v2  }
0xaa: {  	(xrf0) =	vadd.scan.msk.s32 $0xffff, v61;
	_ =	sdelay $0x3  }
0xab: {  	v62 =	vmpcnt.ones.xlane vm1;
	_ =	sdelay $0x1  }
0xac: {  	v11 =	vadd.s32 v11, v62;
	v63, _, _ =	vpop (xrf0)  }
0xad: {  	v13 =	vadd.s32 v11, v63  }
0xae: {  	vm1 =	vlt.s32 v13, $0x5FF  }
0xaf: {  	v14 =	vld [tilespmem:s2+$0x70];
	v13 =	vnsel vm1, $0x5FF, v13  }
0xb0: {  	p0 =	sne.s32 s1, $0x1E00  }
.Ltmp2:
0xb1: {  	_ = 	snop;
	(pc) =	sbr.rel @p0 .LBB2_7-.Ltmp2, $4  }
0xb2: {  	_ = 	snop  }
0xb3: {  	v15 =	vmpcnt.ones.xlane vm2  }
0xb4: {  	[tilespmem:v13+s10+$0x0] =	vst.idx.msk vm2, v14  }
0xb5: {  	s1 =	sadd.s32 $0x200, s1;
	v11 =	vadd.s32 v11, v15;
	[tilespmem:v13+s11+$0x0] =	vst.idx.msk vm2, v12  }
0xb6: {  	s0 =	sadd.s32 $0x1, s0  }
0xb7: {  	p0 =	sne.s32 s0, $0x10  }
.Ltmp3:
0xb8: {  	_ = 	snop;
	(pc) =	sbr.rel @p0 .LBB2_6-.Ltmp3, $1  }
0xb9: {  	_ =	sdelay $0x3  }
0xba: {  	v11 =	vld [tilespmem:$0x1000];
	_ =	sdelay $0x4  }
0xbb: {  	v12 =	vshll.u32 v11, $0x1  }
0xbc: {  	v11 =	vand.u32 $0x7, v11;
	v12 =	vand.u32 $0xFFFFFFF0, v12  }
0xbd: {  	v11 =	vor.u32 v11, v12  }
0xbe: {  	v12 =	vperm.xlane v11, v5;
	_ =	sdelay $0x1  }
0xbf: {  	v11 =	vperm.xlane v11, v7;
	v12 =	vadd.s32 v6, v12;
	_ =	sdelay $0x1  }
0xc0: {  	v11 =	vadd.s32 v6, v11;
	_ =	sdelay $0x2  }
0xc1: {  	[tilespmem:s12], [sflag:$0x1] =	stream.indirect_vreg.gather [hbm4b:s3+s29], $0x80, v12, vm0, $0xb8;
	[tilespmem:$0xC500] =	vst v63  }
0xc2: {  	_ = 	snop  }
0xc3: {  	[tilespmem:s13], [sflag:$0x1] =	stream.indirect_vreg.gather [hbm4b:s3+s29], $0x80, v11, vm0, $0xb8;
	[tilespmem:$0xC500] =	vst v63  }
0xc4: {  	v11 =	vld [tilespmem:$0x1010];
	_ =	sdelay $0x4  }
0xc5: {  	v62 =	vshll.u32 v11, $0x1  }
0xc6: {  	v11 =	vand.u32 $0x7, v11;
	v12 =	vand.u32 $0xFFFFFFF0, v62  }
0xc7: {  	v11 =	vor.u32 v11, v12  }
0xc8: {  	v12 =	vperm.xlane v11, v5;
	_ =	sdelay $0x1  }
0xc9: {  	v11 =	vperm.xlane v11, v7;
	v12 =	vadd.s32 v6, v12;
	_ =	sdelay $0x1  }
0xca: {  	v11 =	vadd.s32 v6, v11;
	_ =	sdelay $0x2  }
0xcb: {  	[tilespmem:s14], [sflag:$0x1] =	stream.indirect_vreg.gather [hbm4b:s3+s29], $0x80, v12, vm0, $0xb8;
	[tilespmem:$0xC500] =	vst v63  }
0xcc: {  	_ = 	snop  }
0xcd: {  	[tilespmem:s15], [sflag:$0x1] =	stream.indirect_vreg.gather [hbm4b:s3+s29], $0x80, v11, vm0, $0xb8;
	[tilespmem:$0xC500] =	vst v63  }
0xce: {  	v11 =	vld [tilespmem:$0x1020];
	_ =	sdelay $0x4  }
0xcf: {  	v63 =	vshll.u32 v11, $0x1  }
0xd0: {  	v11 =	vand.u32 $0x7, v11;
	v12 =	vand.u32 $0xFFFFFFF0, v63  }
0xd1: {  	v11 =	vor.u32 v11, v12  }
0xd2: {  	v12 =	vperm.xlane v11, v5;
	_ =	sdelay $0x1  }
0xd3: {  	v11 =	vperm.xlane v11, v7;
	v12 =	vadd.s32 v6, v12;
	_ =	sdelay $0x1  }
0xd4: {  	v11 =	vadd.s32 v6, v11;
	_ =	sdelay $0x2  }
0xd5: {  	[tilespmem:s16], [sflag:$0x1] =	stream.indirect_vreg.gather [hbm4b:s3+s29], $0x80, v12, vm0, $0xb8;
	[tilespmem:$0xC500] =	vst v63  }
0xd6: {  	s30 =	simm.s32 $0x30;
	s31 =	simm.s32 $0x0;
	s0 =	simm.s32 $0x0  }
0xd7: {  	[tilespmem:s17], [sflag:$0x1] =	stream.indirect_vreg.gather [hbm4b:s3+s29], $0x80, v11, vm0, $0xb8;
	[tilespmem:$0xC500] =	vst v63  }
.LBB2_10:
0xd8: {  	_ =	swait.ge [sflag:s18], $0x3000  }
0xd9: {  	s1 =	smul.u32 $0x60, s0;
	[sflag:s18] =	ssyncset.done $0x0  }
0xda: {  	[sflag:s18] =	ssyncadd.s32 $0xFFFFD000  }
0xdb: {  	v11 =	vld [tilespmem:s1+$0x1030];
	_ =	sdelay $0x4  }
0xdc: {  	v12 =	vshll.u32 v11, $0x1  }
0xdd: {  	v11 =	vand.u32 $0x7, v11;
	v12 =	vand.u32 $0xFFFFFFF0, v12  }
0xde: {  	v11 =	vor.u32 v11, v12  }
0xdf: {  	v12 =	vperm.xlane v11, v5;
	_ =	sdelay $0x1  }
0xe0: {  	v11 =	vperm.xlane v11, v7;
	v12 =	vadd.s32 v6, v12;
	_ =	sdelay $0x1  }
0xe1: {  	v11 =	vadd.s32 v6, v11;
	_ =	sdelay $0x1  }
0xe2: {  	s2 =	simm.s32 $0x4D00  }
0xe3: {  	[tilespmem:s2], [sflag:$0x2] =	stream.indirect_vreg.gather [hbm4b:s3+s29], $0x80, v12, vm0, $0xb8;
	[tilespmem:$0xC500] =	vst v63  }
0xe4: {  	_ = 	snop  }
0xe5: {  	[tilespmem:s20], [sflag:$0x2] =	stream.indirect_vreg.gather [hbm4b:s3+s29], $0x80, v11, vm0, $0xb8;
	[tilespmem:$0xC500] =	vst v63  }
0xe6: {  	v11 =	vld [tilespmem:s1+$0x1040];
	_ =	sdelay $0x4  }
0xe7: {  	v12 =	vshll.u32 v11, $0x1  }
0xe8: {  	v11 =	vand.u32 $0x7, v11;
	v12 =	vand.u32 $0xFFFFFFF0, v12  }
0xe9: {  	v11 =	vor.u32 v11, v12  }
0xea: {  	v12 =	vperm.xlane v11, v5;
	_ =	sdelay $0x1  }
0xeb: {  	v11 =	vperm.xlane v11, v7;
	v12 =	vadd.s32 v6, v12;
	_ =	sdelay $0x1  }
0xec: {  	v11 =	vadd.s32 v6, v11;
	_ =	sdelay $0x2  }
0xed: {  	[tilespmem:s21], [sflag:$0x2] =	stream.indirect_vreg.gather [hbm4b:s3+s29], $0x80, v12, vm0, $0xb8;
	[tilespmem:$0xC500] =	vst v63  }
0xee: {  	_ = 	snop  }
0xef: {  	[tilespmem:s22], [sflag:$0x2] =	stream.indirect_vreg.gather [hbm4b:s3+s29], $0x80, v11, vm0, $0xb8;
	[tilespmem:$0xC500] =	vst v63  }
0xf0: {  	v11 =	vld [tilespmem:s1+$0x1050];
	_ =	sdelay $0x4  }
0xf1: {  	v12 =	vshll.u32 v11, $0x1  }
0xf2: {  	v11 =	vand.u32 $0x7, v11;
	v12 =	vand.u32 $0xFFFFFFF0, v12  }
0xf3: {  	v11 =	vor.u32 v11, v12  }
0xf4: {  	v12 =	vperm.xlane v11, v5;
	_ =	sdelay $0x1  }
0xf5: {  	v11 =	vperm.xlane v11, v7;
	v12 =	vadd.s32 v6, v12;
	_ =	sdelay $0x1  }
0xf6: {  	v11 =	vadd.s32 v6, v11  }
0xf7: {  	v13 =	vmov s31;
	_ =	sdelay $0x1  }
0xf8: {  	[tilespmem:s23], [sflag:$0x2] =	stream.indirect_vreg.gather [hbm4b:s3+s29], $0x80, v12, vm0, $0xb8;
	[tilespmem:$0xC500] =	vst v63  }
0xf9: {  	_ = 	snop  }
0xfa: {  	[tilespmem:s24], [sflag:$0x2] =	stream.indirect_vreg.gather [hbm4b:s3+s29], $0x80, v11, vm0, $0xb8;
	[tilespmem:$0xC500] =	vst v63  }
0xfb: {  	v11 =	vld.idx.msk [tilespmem:v13+s11+$0x0], $0xffff;
	_ =	sdelay $0x4  }
0xfc: {  	v12 =	vshll.u32 v11, $0x8;
	v11 =	vshll.u32 v11, $0x7  }
0xfd: {  	s19 =	sand.u32 $0x3800, s29;
	s28 =	sand.u32 $0x380, s29;
	v12 =	vand.u32 $0xFFFFF800, v12;
	v11 =	vand.u32 $0x380, v11  }
0xfe: {  	s2 =	sor.u32 s28, s19;
	v23 =	vor.u32 v11, v12  }
0xff: {  	v11 =	vld [tilespmem:s2+$0x1D00];
	v12 =	vor.u32 v3, v23;
	_ =	sdelay $0x4  }
0x100: {  	[tilespmem:v12+s25+$0x0] =	vst.idx.add.f32.msk $0xffff, v11  }
0x101: {  	v12 =	vor.u32 v8, v23;
	v11 =	vld [tilespmem:s2+$0x1D10];
	_ =	sdelay $0x4  }
0x102: {  	[tilespmem:v12+s25+$0x0] =	vst.idx.add.f32.msk $0xffff, v11  }
0x103: {  	v12 =	vor.u32 v9, v23;
	v11 =	vld [tilespmem:s2+$0x1D20];
	_ =	sdelay $0x4  }
0x104: {  	[tilespmem:v12+s25+$0x0] =	vst.idx.add.f32.msk $0xffff, v11  }
0x105: {  	v12 =	vor.u32 v10, v23;
	v11 =	vld [tilespmem:s2+$0x1D30];
	_ =	sdelay $0x4  }
0x106: {  	[tilespmem:v12+s25+$0x0] =	vst.idx.add.f32.msk $0xffff, v11;
	v11 =	vor.u32 $0x40, v3  }
0x107: {  	v12 =	vld [tilespmem:s2+$0x1D40];
	v13 =	vor.u32 v11, v23;
	_ =	sdelay $0x4  }
0x108: {  	[tilespmem:v13+s25+$0x0] =	vst.idx.add.f32.msk $0xffff, v12;
	v12 =	vor.u32 $0x50, v3  }
0x109: {  	v13 =	vld [tilespmem:s2+$0x1D50];
	v14 =	vor.u32 v12, v23;
	_ =	sdelay $0x4  }
0x10a: {  	[tilespmem:v14+s25+$0x0] =	vst.idx.add.f32.msk $0xffff, v13;
	v13 =	vor.u32 $0x60, v3  }
0x10b: {  	v14 =	vld [tilespmem:s2+$0x1D60];
	v15 =	vor.u32 v13, v23;
	_ =	sdelay $0x4  }
0x10c: {  	[tilespmem:v15+s25+$0x0] =	vst.idx.add.f32.msk $0xffff, v14;
	v14 =	vor.u32 $0x70, v3  }
0x10d: {  	v15 =	vld [tilespmem:s2+$0x1D70];
	v16 =	vor.u32 v14, v23;
	_ =	sdelay $0x4  }
0x10e: {  	[tilespmem:v16+s25+$0x0] =	vst.idx.add.f32.msk $0xffff, v15;
	v15 =	vor.u32 $0x400, v3  }
0x10f: {  	v16 =	vld [tilespmem:s2+$0x2100];
	v17 =	vor.u32 v15, v23;
	_ =	sdelay $0x4  }
0x110: {  	[tilespmem:v17+s25+$0x0] =	vst.idx.add.f32.msk $0xffff, v16;
	v16 =	vor.u32 $0x410, v3  }
0x111: {  	v17 =	vld [tilespmem:s2+$0x2110];
	v18 =	vor.u32 v16, v23;
	_ =	sdelay $0x4  }
0x112: {  	[tilespmem:v18+s25+$0x0] =	vst.idx.add.f32.msk $0xffff, v17;
	v17 =	vor.u32 $0x420, v3  }
0x113: {  	v18 =	vld [tilespmem:s2+$0x2120];
	v19 =	vor.u32 v17, v23;
	_ =	sdelay $0x4  }
0x114: {  	[tilespmem:v19+s25+$0x0] =	vst.idx.add.f32.msk $0xffff, v18;
	v18 =	vor.u32 $0x430, v3  }
0x115: {  	v19 =	vld [tilespmem:s2+$0x2130];
	v20 =	vor.u32 v18, v23;
	_ =	sdelay $0x4  }
0x116: {  	[tilespmem:v20+s25+$0x0] =	vst.idx.add.f32.msk $0xffff, v19;
	v19 =	vor.u32 $0x440, v3  }
0x117: {  	v20 =	vld [tilespmem:s2+$0x2140];
	v21 =	vor.u32 v19, v23;
	_ =	sdelay $0x4  }
0x118: {  	[tilespmem:v21+s25+$0x0] =	vst.idx.add.f32.msk $0xffff, v20;
	v20 =	vor.u32 $0x450, v3  }
0x119: {  	v21 =	vld [tilespmem:s2+$0x2150];
	v22 =	vor.u32 v20, v23;
	_ =	sdelay $0x4  }
0x11a: {  	[tilespmem:v22+s25+$0x0] =	vst.idx.add.f32.msk $0xffff, v21;
	v21 =	vor.u32 $0x460, v3  }
0x11b: {  	v22 =	vld [tilespmem:s2+$0x2160];
	v24 =	vor.u32 v21, v23;
	_ =	sdelay $0x4  }
0x11c: {  	[tilespmem:v24+s25+$0x0] =	vst.idx.add.f32.msk $0xffff, v22;
	v22 =	vor.u32 $0x470, v3  }
0x11d: {  	s6 =	sadd.s32 $0x1, s31;
	v24 =	vld [tilespmem:s2+$0x2170];
	v25 =	vor.u32 v22, v23  }
0x11e: {  	s7 =	simm.s32 $0x200;
	s1 =	simm.s32 $0x100;
	v23 =	vmov s6;
	s2 =	simm.s32 $0x0  }
.LBB2_11:
0x11f: {  	_ =	sdelay $0x1  }
0x120: {  	p0 =	sne.s32 s7, $0x2F00  }
0x121: {  	s2 =	sadd.s32 $0x80, s2;
	s28 =	smov.u32 s7;
	s7 =	sadd.s32 $0x100, s7;
	[tilespmem:v25+s25+$0x0] =	vst.idx.add.f32.msk $0xffff, v24  }
0x122: {  	v23 =	vld.idx.msk [tilespmem:v23+s11+$0x0], $0xffff;
	_ =	sdelay $0x5  }
0x123: {  	v24 =	vshll.u32 v23, $0x8;
	v23 =	vshll.u32 v23, $0x7  }
0x124: {  	s9 =	sand.u32 $0x3800, s1;
	s19 =	sand.u32 $0x380, s2;
	s1 =	smov.u32 s28;
	v24 =	vand.u32 $0xFFFFF800, v24;
	v23 =	vand.u32 $0x380, v23  }
0x125: {  	s28 =	sor.u32 s19, s9;
	v23 =	vor.u32 v23, v24  }
0x126: {  	v25 =	vor.u32 v3, v23;
	v24 =	vld [tilespmem:s28+$0x1D00];
	_ =	sdelay $0x4  }
0x127: {  	[tilespmem:v25+s25+$0x0] =	vst.idx.add.f32.msk $0xffff, v24  }
0x128: {  	v25 =	vor.u32 v8, v23;
	v24 =	vld [tilespmem:s28+$0x1D10];
	_ =	sdelay $0x4  }
0x129: {  	[tilespmem:v25+s25+$0x0] =	vst.idx.add.f32.msk $0xffff, v24  }
0x12a: {  	v25 =	vor.u32 v9, v23;
	v24 =	vld [tilespmem:s28+$0x1D20];
	_ =	sdelay $0x4  }
0x12b: {  	[tilespmem:v25+s25+$0x0] =	vst.idx.add.f32.msk $0xffff, v24  }
0x12c: {  	v25 =	vor.u32 v10, v23;
	v24 =	vld [tilespmem:s28+$0x1D30];
	_ =	sdelay $0x4  }
0x12d: {  	[tilespmem:v25+s25+$0x0] =	vst.idx.add.f32.msk $0xffff, v24  }
0x12e: {  	v25 =	vor.u32 v11, v23;
	v24 =	vld [tilespmem:s28+$0x1D40];
	_ =	sdelay $0x4  }
0x12f: {  	[tilespmem:v25+s25+$0x0] =	vst.idx.add.f32.msk $0xffff, v24  }
0x130: {  	v25 =	vor.u32 v12, v23;
	v24 =	vld [tilespmem:s28+$0x1D50];
	_ =	sdelay $0x4  }
0x131: {  	[tilespmem:v25+s25+$0x0] =	vst.idx.add.f32.msk $0xffff, v24  }
0x132: {  	v25 =	vor.u32 v13, v23;
	v24 =	vld [tilespmem:s28+$0x1D60];
	_ =	sdelay $0x4  }
0x133: {  	[tilespmem:v25+s25+$0x0] =	vst.idx.add.f32.msk $0xffff, v24  }
0x134: {  	v25 =	vor.u32 v14, v23;
	v24 =	vld [tilespmem:s28+$0x1D70];
	_ =	sdelay $0x4  }
0x135: {  	[tilespmem:v25+s25+$0x0] =	vst.idx.add.f32.msk $0xffff, v24  }
0x136: {  	v25 =	vor.u32 v15, v23;
	v24 =	vld [tilespmem:s28+$0x2100];
	_ =	sdelay $0x4  }
0x137: {  	[tilespmem:v25+s25+$0x0] =	vst.idx.add.f32.msk $0xffff, v24  }
0x138: {  	v25 =	vor.u32 v16, v23;
	v24 =	vld [tilespmem:s28+$0x2110];
	_ =	sdelay $0x4  }
0x139: {  	[tilespmem:v25+s25+$0x0] =	vst.idx.add.f32.msk $0xffff, v24  }
0x13a: {  	v25 =	vor.u32 v17, v23;
	v24 =	vld [tilespmem:s28+$0x2120];
	_ =	sdelay $0x4  }
0x13b: {  	[tilespmem:v25+s25+$0x0] =	vst.idx.add.f32.msk $0xffff, v24  }
0x13c: {  	v25 =	vor.u32 v18, v23;
	v24 =	vld [tilespmem:s28+$0x2130];
	_ =	sdelay $0x4  }
0x13d: {  	[tilespmem:v25+s25+$0x0] =	vst.idx.add.f32.msk $0xffff, v24  }
0x13e: {  	v25 =	vor.u32 v19, v23;
	v24 =	vld [tilespmem:s28+$0x2140];
	_ =	sdelay $0x4  }
0x13f: {  	[tilespmem:v25+s25+$0x0] =	vst.idx.add.f32.msk $0xffff, v24  }
0x140: {  	v25 =	vor.u32 v20, v23;
	v24 =	vld [tilespmem:s28+$0x2150];
	_ =	sdelay $0x4  }
0x141: {  	[tilespmem:v25+s25+$0x0] =	vst.idx.add.f32.msk $0xffff, v24  }
0x142: {  	v25 =	vor.u32 v21, v23;
	v24 =	vld [tilespmem:s28+$0x2160];
	_ =	sdelay $0x2  }
.Ltmp4:
0x143: {  	(pc) =	sbr.rel @p0 .LBB2_11-.Ltmp4, $4  }
0x144: {  	_ = 	snop  }
0x145: {  	[tilespmem:v25+s25+$0x0] =	vst.idx.add.f32.msk $0xffff, v24  }
0x146: {  	s6 =	sadd.s32 $0x1, s6;
	v25 =	vor.u32 v22, v23;
	v24 =	vld [tilespmem:s28+$0x2170]  }
0x147: {  	v23 =	vmov s6  }
0x148: {  	_ =	sdelay $0x3  }
0x149: {  	[tilespmem:v25+s25+$0x0] =	vst.idx.add.f32.msk $0xffff, v24  }
0x14a: {  	v23 =	vld.idx.msk [tilespmem:v23+s11+$0x0], $0xffff;
	_ =	sdelay $0x4  }
0x14b: {  	s2 =	sadd.s32 $0x80, s2;
	v24 =	vshll.u32 v23, $0x8;
	v23 =	vshll.u32 v23, $0x7  }
0x14c: {  	s1 =	sand.u32 $0x3800, s1;
	s2 =	sand.u32 $0x380, s2;
	v24 =	vand.u32 $0xFFFFF800, v24;
	v23 =	vand.u32 $0x380, v23  }
0x14d: {  	s1 =	sor.u32 s2, s1;
	v23 =	vor.u32 v23, v24  }
0x14e: {  	v24 =	vld [tilespmem:s1+$0x1D00];
	v25 =	vor.u32 v3, v23;
	_ =	sdelay $0x4  }
0x14f: {  	[tilespmem:v25+s25+$0x0] =	vst.idx.add.f32.msk $0xffff, v24  }
0x150: {  	v25 =	vor.u32 v8, v23;
	v24 =	vld [tilespmem:s1+$0x1D10];
	_ =	sdelay $0x4  }
0x151: {  	[tilespmem:v25+s25+$0x0] =	vst.idx.add.f32.msk $0xffff, v24  }
0x152: {  	v25 =	vor.u32 v9, v23;
	v24 =	vld [tilespmem:s1+$0x1D20];
	_ =	sdelay $0x4  }
0x153: {  	[tilespmem:v25+s25+$0x0] =	vst.idx.add.f32.msk $0xffff, v24  }
0x154: {  	v25 =	vor.u32 v10, v23;
	v24 =	vld [tilespmem:s1+$0x1D30];
	_ =	sdelay $0x4  }
0x155: {  	[tilespmem:v25+s25+$0x0] =	vst.idx.add.f32.msk $0xffff, v24  }
0x156: {  	v25 =	vor.u32 v11, v23;
	v24 =	vld [tilespmem:s1+$0x1D40];
	_ =	sdelay $0x4  }
0x157: {  	[tilespmem:v25+s25+$0x0] =	vst.idx.add.f32.msk $0xffff, v24  }
0x158: {  	v25 =	vor.u32 v12, v23;
	v24 =	vld [tilespmem:s1+$0x1D50];
	_ =	sdelay $0x4  }
0x159: {  	[tilespmem:v25+s25+$0x0] =	vst.idx.add.f32.msk $0xffff, v24  }
0x15a: {  	v25 =	vor.u32 v13, v23;
	v24 =	vld [tilespmem:s1+$0x1D60];
	_ =	sdelay $0x4  }
0x15b: {  	[tilespmem:v25+s25+$0x0] =	vst.idx.add.f32.msk $0xffff, v24  }
0x15c: {  	v25 =	vor.u32 v14, v23;
	v24 =	vld [tilespmem:s1+$0x1D70];
	_ =	sdelay $0x4  }
0x15d: {  	[tilespmem:v25+s25+$0x0] =	vst.idx.add.f32.msk $0xffff, v24  }
0x15e: {  	v25 =	vor.u32 v15, v23;
	v24 =	vld [tilespmem:s1+$0x2100];
	_ =	sdelay $0x4  }
0x15f: {  	[tilespmem:v25+s25+$0x0] =	vst.idx.add.f32.msk $0xffff, v24  }
0x160: {  	v25 =	vor.u32 v16, v23;
	v24 =	vld [tilespmem:s1+$0x2110];
	_ =	sdelay $0x4  }
0x161: {  	[tilespmem:v25+s25+$0x0] =	vst.idx.add.f32.msk $0xffff, v24  }
0x162: {  	v25 =	vor.u32 v17, v23;
	v24 =	vld [tilespmem:s1+$0x2120];
	_ =	sdelay $0x4  }
0x163: {  	[tilespmem:v25+s25+$0x0] =	vst.idx.add.f32.msk $0xffff, v24  }
0x164: {  	v25 =	vor.u32 v18, v23;
	v24 =	vld [tilespmem:s1+$0x2130];
	_ =	sdelay $0x4  }
0x165: {  	[tilespmem:v25+s25+$0x0] =	vst.idx.add.f32.msk $0xffff, v24  }
0x166: {  	v25 =	vor.u32 v19, v23;
	v24 =	vld [tilespmem:s1+$0x2140];
	_ =	sdelay $0x4  }
0x167: {  	[tilespmem:v25+s25+$0x0] =	vst.idx.add.f32.msk $0xffff, v24  }
0x168: {  	v25 =	vor.u32 v20, v23;
	v24 =	vld [tilespmem:s1+$0x2150];
	_ =	sdelay $0x4  }
0x169: {  	[tilespmem:v25+s25+$0x0] =	vst.idx.add.f32.msk $0xffff, v24  }
0x16a: {  	v25 =	vor.u32 v21, v23;
	v24 =	vld [tilespmem:s1+$0x2160];
	_ =	sdelay $0x4  }
0x16b: {  	[tilespmem:v25+s25+$0x0] =	vst.idx.add.f32.msk $0xffff, v24  }
0x16c: {  	v23 =	vor.u32 v22, v23;
	v24 =	vld [tilespmem:s1+$0x2170];
	_ =	sdelay $0x4  }
0x16d: {  	[tilespmem:v23+s25+$0x0] =	vst.idx.add.f32.msk $0xffff, v24  }
0x16e: {  	s9 =	smul.u32 $0x180, s0;
	_ =	swait.ge [sflag:s26], $0x3000  }
0x16f: {  	[sflag:s26] =	ssyncset.done $0x0  }
0x170: {  	s19 =	sshra.s32 s9, $0x2;
	[sflag:s26] =	ssyncadd.s32 $0xFFFFD000  }
0x171: {  	v23 =	vld [tilespmem:s19+$0x1060];
	_ =	sdelay $0x4  }
0x172: {  	v24 =	vshll.u32 v23, $0x1  }
0x173: {  	v23 =	vand.u32 $0x7, v23;
	v24 =	vand.u32 $0xFFFFFFF0, v24  }
0x174: {  	v23 =	vor.u32 v23, v24  }
0x175: {  	v24 =	vperm.xlane v23, v5;
	_ =	sdelay $0x1  }
0x176: {  	v23 =	vperm.xlane v23, v7;
	v24 =	vadd.s32 v6, v24;
	_ =	sdelay $0x1  }
0x177: {  	v23 =	vadd.s32 v6, v23;
	_ =	sdelay $0x1  }
0x178: {  	s1 =	simm.s32 $0x0  }
0x179: {  	[tilespmem:s12], [sflag:$0x1] =	stream.indirect_vreg.gather [hbm4b:s3+s1], $0x80, v24, vm0, $0xb8;
	[tilespmem:$0xC500] =	vst v63  }
0x17a: {  	_ = 	snop  }
0x17b: {  	[tilespmem:s13], [sflag:$0x1] =	stream.indirect_vreg.gather [hbm4b:s3+s1], $0x80, v23, vm0, $0xb8;
	[tilespmem:$0xC500] =	vst v63  }
0x17c: {  	v23 =	vld [tilespmem:s19+$0x1070];
	_ =	sdelay $0x4  }
0x17d: {  	v24 =	vshll.u32 v23, $0x1  }
0x17e: {  	v23 =	vand.u32 $0x7, v23;
	v24 =	vand.u32 $0xFFFFFFF0, v24  }
0x17f: {  	v23 =	vor.u32 v23, v24  }
0x180: {  	v24 =	vperm.xlane v23, v5;
	_ =	sdelay $0x1  }
0x181: {  	v23 =	vperm.xlane v23, v7;
	v24 =	vadd.s32 v6, v24;
	_ =	sdelay $0x1  }
0x182: {  	v23 =	vadd.s32 v6, v23;
	_ =	sdelay $0x2  }
0x183: {  	[tilespmem:s14], [sflag:$0x1] =	stream.indirect_vreg.gather [hbm4b:s3+s1], $0x80, v24, vm0, $0xb8;
	[tilespmem:$0xC500] =	vst v63  }
0x184: {  	_ = 	snop  }
0x185: {  	[tilespmem:s15], [sflag:$0x1] =	stream.indirect_vreg.gather [hbm4b:s3+s1], $0x80, v23, vm0, $0xb8;
	[tilespmem:$0xC500] =	vst v63  }
0x186: {  	v23 =	vld [tilespmem:s19+$0x1080];
	_ =	sdelay $0x4  }
0x187: {  	v24 =	vshll.u32 v23, $0x1  }
0x188: {  	v23 =	vand.u32 $0x7, v23;
	v24 =	vand.u32 $0xFFFFFFF0, v24  }
0x189: {  	v23 =	vor.u32 v23, v24  }
0x18a: {  	v24 =	vperm.xlane v23, v5;
	_ =	sdelay $0x1  }
0x18b: {  	v23 =	vperm.xlane v23, v7;
	v24 =	vadd.s32 v6, v24;
	_ =	sdelay $0x1  }
0x18c: {  	v23 =	vadd.s32 v6, v23  }
0x18d: {  	v25 =	vmov s30;
	_ =	sdelay $0x1  }
0x18e: {  	[tilespmem:s16], [sflag:$0x1] =	stream.indirect_vreg.gather [hbm4b:s3+s1], $0x80, v24, vm0, $0xb8;
	[tilespmem:$0xC500] =	vst v63  }
0x18f: {  	_ = 	snop  }
0x190: {  	[tilespmem:s17], [sflag:$0x1] =	stream.indirect_vreg.gather [hbm4b:s3+s1], $0x80, v23, vm0, $0xb8;
	[tilespmem:$0xC500] =	vst v63  }
0x191: {  	v23 =	vld.idx.msk [tilespmem:v25+s11+$0x0], $0xffff;
	_ =	sdelay $0x4  }
0x192: {  	v24 =	vshll.u32 v23, $0x8;
	v23 =	vshll.u32 v23, $0x7  }
0x193: {  	s28 =	sand.u32 $0x3800, s1;
	s6 =	sand.u32 $0x380, s1;
	v24 =	vand.u32 $0xFFFFF800, v24;
	v23 =	vand.u32 $0x380, v23  }
0x194: {  	s9 =	sor.u32 s6, s28;
	v23 =	vor.u32 v23, v24  }
0x195: {  	v24 =	vld [tilespmem:s9+$0x4D00];
	v25 =	vor.u32 v3, v23;
	_ =	sdelay $0x4  }
0x196: {  	[tilespmem:v25+s25+$0x0] =	vst.idx.add.f32.msk $0xffff, v24  }
0x197: {  	v25 =	vor.u32 v8, v23;
	v24 =	vld [tilespmem:s9+$0x4D10];
	_ =	sdelay $0x4  }
0x198: {  	[tilespmem:v25+s25+$0x0] =	vst.idx.add.f32.msk $0xffff, v24  }
0x199: {  	v25 =	vor.u32 v9, v23;
	v24 =	vld [tilespmem:s9+$0x4D20];
	_ =	sdelay $0x4  }
0x19a: {  	[tilespmem:v25+s25+$0x0] =	vst.idx.add.f32.msk $0xffff, v24  }
0x19b: {  	v25 =	vor.u32 v10, v23;
	v24 =	vld [tilespmem:s9+$0x4D30];
	_ =	sdelay $0x4  }
0x19c: {  	[tilespmem:v25+s25+$0x0] =	vst.idx.add.f32.msk $0xffff, v24  }
0x19d: {  	v25 =	vor.u32 v11, v23;
	v24 =	vld [tilespmem:s9+$0x4D40];
	_ =	sdelay $0x4  }
0x19e: {  	[tilespmem:v25+s25+$0x0] =	vst.idx.add.f32.msk $0xffff, v24  }
0x19f: {  	v25 =	vor.u32 v12, v23;
	v24 =	vld [tilespmem:s9+$0x4D50];
	_ =	sdelay $0x4  }
0x1a0: {  	[tilespmem:v25+s25+$0x0] =	vst.idx.add.f32.msk $0xffff, v24  }
0x1a1: {  	v25 =	vor.u32 v13, v23;
	v24 =	vld [tilespmem:s9+$0x4D60];
	_ =	sdelay $0x4  }
0x1a2: {  	[tilespmem:v25+s25+$0x0] =	vst.idx.add.f32.msk $0xffff, v24  }
0x1a3: {  	v25 =	vor.u32 v14, v23;
	v24 =	vld [tilespmem:s9+$0x4D70];
	_ =	sdelay $0x4  }
0x1a4: {  	[tilespmem:v25+s25+$0x0] =	vst.idx.add.f32.msk $0xffff, v24  }
0x1a5: {  	v25 =	vor.u32 v15, v23;
	v24 =	vld [tilespmem:s9+$0x5100];
	_ =	sdelay $0x4  }
0x1a6: {  	[tilespmem:v25+s25+$0x0] =	vst.idx.add.f32.msk $0xffff, v24  }
0x1a7: {  	v25 =	vor.u32 v16, v23;
	v24 =	vld [tilespmem:s9+$0x5110];
	_ =	sdelay $0x4  }
0x1a8: {  	[tilespmem:v25+s25+$0x0] =	vst.idx.add.f32.msk $0xffff, v24  }
0x1a9: {  	v25 =	vor.u32 v17, v23;
	v24 =	vld [tilespmem:s9+$0x5120];
	_ =	sdelay $0x4  }
0x1aa: {  	[tilespmem:v25+s25+$0x0] =	vst.idx.add.f32.msk $0xffff, v24  }
0x1ab: {  	v25 =	vor.u32 v18, v23;
	v24 =	vld [tilespmem:s9+$0x5130];
	_ =	sdelay $0x4  }
0x1ac: {  	[tilespmem:v25+s25+$0x0] =	vst.idx.add.f32.msk $0xffff, v24  }
0x1ad: {  	v25 =	vor.u32 v19, v23;
	v24 =	vld [tilespmem:s9+$0x5140];
	_ =	sdelay $0x4  }
0x1ae: {  	[tilespmem:v25+s25+$0x0] =	vst.idx.add.f32.msk $0xffff, v24  }
0x1af: {  	v25 =	vor.u32 v20, v23;
	v24 =	vld [tilespmem:s9+$0x5150];
	_ =	sdelay $0x4  }
0x1b0: {  	[tilespmem:v25+s25+$0x0] =	vst.idx.add.f32.msk $0xffff, v24  }
0x1b1: {  	v25 =	vor.u32 v21, v23;
	v24 =	vld [tilespmem:s9+$0x5160];
	_ =	sdelay $0x4  }
0x1b2: {  	[tilespmem:v25+s25+$0x0] =	vst.idx.add.f32.msk $0xffff, v24  }
0x1b3: {  	s7 =	sadd.s32 $0x1, s30;
	v25 =	vor.u32 v22, v23;
	v24 =	vld [tilespmem:s9+$0x5170]  }
0x1b4: {  	s2 =	simm.s32 $0x200;
	s6 =	simm.s32 $0x100;
	v23 =	vmov s7  }
.LBB2_13:
0x1b5: {  	_ =	sdelay $0x1  }
0x1b6: {  	p0 =	sne.s32 s2, $0x2F00  }
0x1b7: {  	s1 =	sadd.s32 $0x80, s1;
	s9 =	smov.u32 s2;
	s2 =	sadd.s32 $0x100, s2;
	[tilespmem:v25+s25+$0x0] =	vst.idx.add.f32.msk $0xffff, v24  }
0x1b8: {  	v23 =	vld.idx.msk [tilespmem:v23+s11+$0x0], $0xffff;
	_ =	sdelay $0x5  }
0x1b9: {  	v24 =	vshll.u32 v23, $0x8;
	v23 =	vshll.u32 v23, $0x7  }
0x1ba: {  	s19 =	sand.u32 $0x3800, s6;
	s28 =	sand.u32 $0x380, s1;
	s6 =	smov.u32 s9;
	v24 =	vand.u32 $0xFFFFF800, v24;
	v23 =	vand.u32 $0x380, v23  }
0x1bb: {  	s28 =	sor.u32 s28, s19;
	v23 =	vor.u32 v23, v24  }
0x1bc: {  	v25 =	vor.u32 v3, v23;
	v24 =	vld [tilespmem:s28+$0x4D00];
	_ =	sdelay $0x4  }
0x1bd: {  	[tilespmem:v25+s25+$0x0] =	vst.idx.add.f32.msk $0xffff, v24  }
0x1be: {  	v25 =	vor.u32 v8, v23;
	v24 =	vld [tilespmem:s28+$0x4D10];
	_ =	sdelay $0x4  }
0x1bf: {  	[tilespmem:v25+s25+$0x0] =	vst.idx.add.f32.msk $0xffff, v24  }
0x1c0: {  	v25 =	vor.u32 v9, v23;
	v24 =	vld [tilespmem:s28+$0x4D20];
	_ =	sdelay $0x4  }
0x1c1: {  	[tilespmem:v25+s25+$0x0] =	vst.idx.add.f32.msk $0xffff, v24  }
0x1c2: {  	v25 =	vor.u32 v10, v23;
	v24 =	vld [tilespmem:s28+$0x4D30];
	_ =	sdelay $0x4  }
0x1c3: {  	[tilespmem:v25+s25+$0x0] =	vst.idx.add.f32.msk $0xffff, v24  }
0x1c4: {  	v25 =	vor.u32 v11, v23;
	v24 =	vld [tilespmem:s28+$0x4D40];
	_ =	sdelay $0x4  }
0x1c5: {  	[tilespmem:v25+s25+$0x0] =	vst.idx.add.f32.msk $0xffff, v24  }
0x1c6: {  	v25 =	vor.u32 v12, v23;
	v24 =	vld [tilespmem:s28+$0x4D50];
	_ =	sdelay $0x4  }
0x1c7: {  	[tilespmem:v25+s25+$0x0] =	vst.idx.add.f32.msk $0xffff, v24  }
0x1c8: {  	v25 =	vor.u32 v13, v23;
	v24 =	vld [tilespmem:s28+$0x4D60];
	_ =	sdelay $0x4  }
0x1c9: {  	[tilespmem:v25+s25+$0x0] =	vst.idx.add.f32.msk $0xffff, v24  }
0x1ca: {  	v25 =	vor.u32 v14, v23;
	v24 =	vld [tilespmem:s28+$0x4D70];
	_ =	sdelay $0x4  }
0x1cb: {  	[tilespmem:v25+s25+$0x0] =	vst.idx.add.f32.msk $0xffff, v24  }
0x1cc: {  	v25 =	vor.u32 v15, v23;
	v24 =	vld [tilespmem:s28+$0x5100];
	_ =	sdelay $0x4  }
0x1cd: {  	[tilespmem:v25+s25+$0x0] =	vst.idx.add.f32.msk $0xffff, v24  }
0x1ce: {  	v25 =	vor.u32 v16, v23;
	v24 =	vld [tilespmem:s28+$0x5110];
	_ =	sdelay $0x4  }
0x1cf: {  	[tilespmem:v25+s25+$0x0] =	vst.idx.add.f32.msk $0xffff, v24  }
0x1d0: {  	v25 =	vor.u32 v17, v23;
	v24 =	vld [tilespmem:s28+$0x5120];
	_ =	sdelay $0x4  }
0x1d1: {  	[tilespmem:v25+s25+$0x0] =	vst.idx.add.f32.msk $0xffff, v24  }
0x1d2: {  	v25 =	vor.u32 v18, v23;
	v24 =	vld [tilespmem:s28+$0x5130];
	_ =	sdelay $0x4  }
0x1d3: {  	[tilespmem:v25+s25+$0x0] =	vst.idx.add.f32.msk $0xffff, v24  }
0x1d4: {  	v25 =	vor.u32 v19, v23;
	v24 =	vld [tilespmem:s28+$0x5140];
	_ =	sdelay $0x4  }
0x1d5: {  	[tilespmem:v25+s25+$0x0] =	vst.idx.add.f32.msk $0xffff, v24  }
0x1d6: {  	v25 =	vor.u32 v20, v23;
	v24 =	vld [tilespmem:s28+$0x5150];
	_ =	sdelay $0x4  }
0x1d7: {  	[tilespmem:v25+s25+$0x0] =	vst.idx.add.f32.msk $0xffff, v24  }
0x1d8: {  	v25 =	vor.u32 v21, v23;
	v24 =	vld [tilespmem:s28+$0x5160];
	_ =	sdelay $0x2  }
.Ltmp5:
0x1d9: {  	(pc) =	sbr.rel @p0 .LBB2_13-.Ltmp5, $4  }
0x1da: {  	_ = 	snop  }
0x1db: {  	[tilespmem:v25+s25+$0x0] =	vst.idx.add.f32.msk $0xffff, v24  }
0x1dc: {  	s7 =	sadd.s32 $0x1, s7;
	v25 =	vor.u32 v22, v23;
	v24 =	vld [tilespmem:s28+$0x5170]  }
0x1dd: {  	v23 =	vmov s7  }
0x1de: {  	_ =	sdelay $0x3  }
0x1df: {  	[tilespmem:v25+s25+$0x0] =	vst.idx.add.f32.msk $0xffff, v24  }
0x1e0: {  	v23 =	vld.idx.msk [tilespmem:v23+s11+$0x0], $0xffff;
	_ =	sdelay $0x4  }
0x1e1: {  	s1 =	sadd.s32 $0x80, s1;
	v48 =	vshll.u32 v23, $0x8;
	v23 =	vshll.u32 v23, $0x7  }
0x1e2: {  	s2 =	sand.u32 $0x3800, s6;
	s1 =	sand.u32 $0x380, s1;
	v24 =	vand.u32 $0xFFFFF800, v48;
	v23 =	vand.u32 $0x380, v23  }
0x1e3: {  	s1 =	sor.u32 s1, s2;
	v23 =	vor.u32 v23, v24  }
0x1e4: {  	v49 =	vld [tilespmem:s1+$0x4D00];
	v50 =	vor.u32 v3, v23;
	_ =	sdelay $0x4  }
0x1e5: {  	[tilespmem:v50+s25+$0x0] =	vst.idx.add.f32.msk $0xffff, v49  }
0x1e6: {  	v51 =	vor.u32 v8, v23;
	v24 =	vld [tilespmem:s1+$0x4D10];
	_ =	sdelay $0x4  }
0x1e7: {  	[tilespmem:v51+s25+$0x0] =	vst.idx.add.f32.msk $0xffff, v24  }
0x1e8: {  	v52 =	vor.u32 v9, v23;
	v24 =	vld [tilespmem:s1+$0x4D20];
	_ =	sdelay $0x4  }
0x1e9: {  	[tilespmem:v52+s25+$0x0] =	vst.idx.add.f32.msk $0xffff, v24  }
0x1ea: {  	v53 =	vor.u32 v10, v23;
	v24 =	vld [tilespmem:s1+$0x4D30];
	_ =	sdelay $0x4  }
0x1eb: {  	[tilespmem:v53+s25+$0x0] =	vst.idx.add.f32.msk $0xffff, v24  }
0x1ec: {  	v11 =	vor.u32 v11, v23;
	v24 =	vld [tilespmem:s1+$0x4D40];
	_ =	sdelay $0x4  }
0x1ed: {  	[tilespmem:v11+s25+$0x0] =	vst.idx.add.f32.msk $0xffff, v24  }
0x1ee: {  	v12 =	vor.u32 v12, v23;
	v11 =	vld [tilespmem:s1+$0x4D50];
	_ =	sdelay $0x4  }
0x1ef: {  	[tilespmem:v12+s25+$0x0] =	vst.idx.add.f32.msk $0xffff, v11  }
0x1f0: {  	v54 =	vor.u32 v13, v23;
	v11 =	vld [tilespmem:s1+$0x4D60];
	_ =	sdelay $0x4  }
0x1f1: {  	[tilespmem:v54+s25+$0x0] =	vst.idx.add.f32.msk $0xffff, v11  }
0x1f2: {  	v55 =	vor.u32 v14, v23;
	v11 =	vld [tilespmem:s1+$0x4D70];
	_ =	sdelay $0x4  }
0x1f3: {  	[tilespmem:v55+s25+$0x0] =	vst.idx.add.f32.msk $0xffff, v11  }
0x1f4: {  	v56 =	vor.u32 v15, v23;
	v11 =	vld [tilespmem:s1+$0x5100];
	_ =	sdelay $0x4  }
0x1f5: {  	[tilespmem:v56+s25+$0x0] =	vst.idx.add.f32.msk $0xffff, v11  }
0x1f6: {  	v57 =	vor.u32 v16, v23;
	v11 =	vld [tilespmem:s1+$0x5110];
	_ =	sdelay $0x4  }
0x1f7: {  	[tilespmem:v57+s25+$0x0] =	vst.idx.add.f32.msk $0xffff, v11  }
0x1f8: {  	v58 =	vor.u32 v17, v23;
	v11 =	vld [tilespmem:s1+$0x5120];
	_ =	sdelay $0x4  }
0x1f9: {  	[tilespmem:v58+s25+$0x0] =	vst.idx.add.f32.msk $0xffff, v11  }
0x1fa: {  	v59 =	vor.u32 v18, v23;
	v11 =	vld [tilespmem:s1+$0x5130];
	_ =	sdelay $0x4  }
0x1fb: {  	[tilespmem:v59+s25+$0x0] =	vst.idx.add.f32.msk $0xffff, v11  }
0x1fc: {  	v60 =	vor.u32 v19, v23;
	v11 =	vld [tilespmem:s1+$0x5140];
	_ =	sdelay $0x4  }
0x1fd: {  	[tilespmem:v60+s25+$0x0] =	vst.idx.add.f32.msk $0xffff, v11  }
0x1fe: {  	v61 =	vor.u32 v20, v23;
	v11 =	vld [tilespmem:s1+$0x5150];
	_ =	sdelay $0x4  }
0x1ff: {  	[tilespmem:v61+s25+$0x0] =	vst.idx.add.f32.msk $0xffff, v11  }
0x200: {  	v62 =	vor.u32 v21, v23;
	v11 =	vld [tilespmem:s1+$0x5160];
	_ =	sdelay $0x4  }
0x201: {  	s0 =	sadd.s32 $0x1, s0;
	[tilespmem:v62+s25+$0x0] =	vst.idx.add.f32.msk $0xffff, v11  }
0x202: {  	p0 =	sne.s32 s0, $0x10;
	v63 =	vor.u32 v22, v23;
	v11 =	vld [tilespmem:s1+$0x5170]  }
.Ltmp6:
0x203: {  	_ = 	snop;
	(pc) =	sbr.rel @p0 .LBB2_10-.Ltmp6, $2  }
0x204: {  	_ =	sdelay $0x2  }
0x205: {  	s31 =	sadd.s32 $0x60, s31;
	s30 =	sadd.s32 $0x60, s30;
	[tilespmem:v63+s25+$0x0] =	vst.idx.add.f32.msk $0xffff, v11  }
0x206: {  	_ =	swait.ge [sflag:s18], $0x3000  }
0x207: {  	[sflag:s18] =	ssyncset.done $0x0  }
0x208: {  	s9 =	simm.s32 $0x0;
	s0 =	rddreg [dreg:$0x2];
	[sflag:s18] =	ssyncadd.s32 $0xFFFFD000  }
0x209: {  	[hbm4b:s0+s9] =	stream.linear.scatter [tilespmem:s25], [sflag:$0x3], $0x4000, $0x38;
	[tilespmem:$0xC500] =	vst v63  }
0x20a: {  	_ =	swait.ge [sflag:s8], $0x4000  }
0x20b: {  	s1 =	rddreg [dreg:$0x4]  }
0x20c: {  	s31 =	rddreg [dreg:$0x3];
	s1 =	sadd.s32 $0x1, s1  }
0x20d: {  	p0 =	sne.s32 s1, s31  }
.Ltmp7:
0x20e: {  	_ = 	snop;
	(pc) =	sbr.rel @p0 .LBB2_1-.Ltmp7, $3  }
0x20f: {  	_ =	sdelay $0x1  }
0x210: {  	[sflag:s8] =	ssyncset.done $0x0  }
0x211: {  	s19 =	simm.s32 $0x800;
	[sflag:s8] =	ssyncadd.s32 $0xFFFFC000  }
0x212: {  	_ =	sfence.sel $0x180000  }
0x213: {  	[bflag:$0x0] =	sbarrier.arrive $0xFFFF  }
0x214: {  	_ =	strace $0x9000004A  }
0x215: {  	s0 =	stileid.u32;
	[bflag:$0x2] =	sbarrier.arrive $0xFFFF  }
0x216: {  	p0 =	sne.s32 s0, $0x0;
	s0 =	rddreg [dreg:$0x1]  }
0x217: {  	s0 =	sadd.s32 @!p0 $0x100000, s0  }
0x218: {  	[sflag:s0] =	ssyncadd.tile.s32 @!p0 $0x1;
	_ =	shalt  }
.Lfunc_end2:
_tile_overlayer_lowered:
.L_overlay_start_2:
0x219: {  	(tag) =	ssettag $0x2  }
0x21a: {  	s0 =	rddreg [dreg:$0x0];
	s2 =	stileid.u32  }
0x21b: {  	s1 =	rddreg [dreg:$0x1];
	p0 =	sne.s32 s2, $0x0  }
0x21c: {  	s3 =	rddreg [dreg:$0x2];
	[bflag:$0x3] =	sbarrier.arrive $0xFFFF;
	s2 =	simm.s32 @!p0 $0x1C03  }
0x21d: {  	[timem:s3], [sflag:s2] =	dma.local @!p0 [hbm:s0], s1  }
0x21e: {  	s0 =	simm.s32 @!p0 $0x3  }
0x21f: {  	_ =	swait.ge @!p0 [sflag:s0], s1  }
0x220: {  	s1 =	ssub.s32 @!p0 $0x0, s1;
	[sflag:s0] =	ssyncset.done @!p0 $0x0  }
0x221: {  	[sflag:s0] =	ssyncadd.s32 @!p0 s1  }
0x222: {  	[bflag:$0x3] =	sbarrier.arrive $0xFFFF  }
0x223: {  	_ =	shalt  }

</sc_bundles>
